<compile_context>
chip_gen: v7x
topology: tpu7x:2x2x1
jax: 0.10.2.dev20260603
libtpu: 0.0.44.dev20260713+nightly
codegen_flags: <defaults>
</compile_context>

<pallas_src>
import functools

import jax
import jax.numpy as jnp
from jax import lax
from jax.experimental import pallas as pl
from jax.experimental.pallas import tpu as pltpu
from jax.experimental.pallas import tpu_sc as plsc

N_NODES = 10000
N_EDGES = 320000
D_IN = 128
D_H = 128
D_CAT = 256
D_EDGE = 512
D_MID = 320

NC = 2
NS = 16
NW = NC * NS
EPW = N_EDGES // NW

LANES = 16

GC = 80
SCC = 80
EC = 400

NB = 1000
EB = 2000


def _node1_body(x_ref, win_ref, scale_ref, c0_ref, xcat_ref):
    xb = x_ref[...]
    h = jnp.tanh(
        jnp.dot(xb, win_ref[...], preferred_element_type=jnp.float32)
        * scale_ref[...] + c0_ref[...])
    xcat_ref[:, :D_H] = h
    xcat_ref[:, D_H:] = xb


def _node1(x, W_in, scale, c0):
    return pl.pallas_call(
        _node1_body,
        grid=(N_NODES // NB,),
        in_specs=[
            pl.BlockSpec((NB, D_IN), lambda i: (i, 0)),
            pl.BlockSpec((D_IN, D_H), lambda i: (0, 0)),
            pl.BlockSpec((1, D_H), lambda i: (0, 0)),
            pl.BlockSpec((1, D_H), lambda i: (0, 0)),
        ],
        out_specs=pl.BlockSpec((NB, D_CAT), lambda i: (i, 0)),
        out_shape=jax.ShapeDtypeStruct((N_NODES, D_CAT), jnp.float32),
    )(x, W_in, scale, c0)


_sc_mesh = plsc.VectorSubcoreMesh(core_axis_name="c", subcore_axis_name="s")


E_SLAB = N_EDGES // 2
EPW_S = E_SLAB // NW
GCS = 40


@functools.partial(
    pl.kernel,
    out_type=[
        jax.ShapeDtypeStruct((E_SLAB, D_CAT), jnp.float32),
        jax.ShapeDtypeStruct((E_SLAB, D_CAT), jnp.float32),
    ],
    mesh=_sc_mesh,
    scratch_types=[
        pltpu.VMEM((EPW_S,), jnp.int32),
        pltpu.VMEM((EPW_S,), jnp.int32),
        pltpu.VMEM((2, GCS, D_CAT), jnp.float32),
        pltpu.VMEM((2, GCS, D_CAT), jnp.float32),
        pltpu.SemaphoreType.DMA,
        pltpu.SemaphoreType.DMA,
        pltpu.SemaphoreType.DMA,
        pltpu.SemaphoreType.DMA,
    ],
)
def _gather_cat(xcat_hbm, col_hbm, row_hbm, gxi_hbm, gxj_hbm,
                idxc_v, idxr_v, bufi_v, bufj_v, semg0, semg1, semo0, semo1):
    wid = lax.axis_index("s") * NC + lax.axis_index("c")
    base = wid * EPW_S
    nchunk = EPW_S // GCS
    semg = (semg0, semg1)
    semo = (semo0, semo1)

    pltpu.sync_copy(col_hbm.at[pl.ds(base, EPW_S)], idxc_v)
    pltpu.sync_copy(row_hbm.at[pl.ds(base, EPW_S)], idxr_v)

    def gather_start(k, slot):
        pltpu.async_copy(xcat_hbm.at[idxc_v.at[pl.ds(k * GCS, GCS)]],
                         bufi_v.at[slot], semg[slot])
        pltpu.async_copy(xcat_hbm.at[idxr_v.at[pl.ds(k * GCS, GCS)]],
                         bufj_v.at[slot], semg[slot])

    def gather_wait(slot):
        pltpu.make_async_copy(xcat_hbm.at[pl.ds(0, GCS)], bufi_v.at[slot], semg[slot]).wait()
        pltpu.make_async_copy(xcat_hbm.at[pl.ds(0, GCS)], bufj_v.at[slot], semg[slot]).wait()

    def out_start(k, slot):
        eb = base + k * GCS
        pltpu.async_copy(bufi_v.at[slot], gxi_hbm.at[pl.ds(eb, GCS)], semo[slot])
        pltpu.async_copy(bufj_v.at[slot], gxj_hbm.at[pl.ds(eb, GCS)], semo[slot])

    def out_wait(slot):
        pltpu.make_async_copy(gxi_hbm.at[pl.ds(0, GCS)], bufi_v.at[slot], semo[slot]).wait()
        pltpu.make_async_copy(gxi_hbm.at[pl.ds(0, GCS)], bufj_v.at[slot], semo[slot]).wait()

    gather_start(0, 0)

    def pair(g, carry):
        for b in range(2):
            k = g * 2 + b
            @pl.when(k > 0)
            def _():
                out_wait(1 - b)

            gather_start(k + 1, 1 - b)
            gather_wait(b)
            out_start(k, b)
        return carry

    lax.fori_loop(0, (nchunk - 1) // 2, pair, 0)
    gather_wait(0)
    out_start(nchunk - 1, 0)
    out_wait(1)
    out_wait(0)


def _edge_mlp_body(xi_ref, xj_ref, w1t_ref, w1b_ref, b1_ref, w2_ref, b2_ref, m_ref):
    xi = xi_ref[...]
    d = xj_ref[...] - xi
    m1 = jnp.maximum(
        jnp.dot(xi, w1t_ref[...], preferred_element_type=jnp.float32)
        + jnp.dot(d, w1b_ref[...], preferred_element_type=jnp.float32)
        + b1_ref[...], 0.0)
    m_ref[...] = jnp.maximum(
        jnp.dot(m1, w2_ref[...], preferred_element_type=jnp.float32)
        + b2_ref[...], 0.0)


def _edge_mlp(gxi, gxj, W1t, W1b, b1, W2, b2):
    return pl.pallas_call(
        _edge_mlp_body,
        grid=(gxi.shape[0] // EB,),
        in_specs=[
            pl.BlockSpec((EB, D_CAT), lambda i: (i, 0)),
            pl.BlockSpec((EB, D_CAT), lambda i: (i, 0)),
            pl.BlockSpec((D_CAT, D_MID), lambda i: (0, 0)),
            pl.BlockSpec((D_CAT, D_MID), lambda i: (0, 0)),
            pl.BlockSpec((1, D_MID), lambda i: (0, 0)),
            pl.BlockSpec((D_MID, D_H), lambda i: (0, 0)),
            pl.BlockSpec((1, D_H), lambda i: (0, 0)),
        ],
        out_specs=pl.BlockSpec((EB, D_H), lambda i: (i, 0)),
        out_shape=jax.ShapeDtypeStruct((gxi.shape[0], D_H), jnp.float32),
    )(gxi, gxj, W1t, W1b, b1, W2, b2)


N_PAD = 10240
_ROWS_PER_TILE = N_PAD // NS
_EPC = N_EDGES // NC
_EPT = _EPC // NS


@functools.partial(
    pl.kernel,
    out_type=jax.ShapeDtypeStruct((NC, N_PAD, D_H), jnp.float32),
    mesh=_sc_mesh,
    scratch_types=[
        pltpu.VMEM((SCC,), jnp.int32),
        pltpu.VMEM((SCC, D_H), jnp.float32),
        pltpu.VMEM_SHARED((N_PAD, D_H), jnp.float32),
    ],
)
def _scatter_add(m0_hbm, m1_hbm, col_hbm, zeros_hbm, out_hbm, idx_v, bufm_v, acc_sh):
    cid = lax.axis_index("c")
    sid = lax.axis_index("s")
    rb = sid * _ROWS_PER_TILE
    pltpu.sync_copy(zeros_hbm.at[pl.ds(rb, _ROWS_PER_TILE)],
                    acc_sh.at[pl.ds(rb, _ROWS_PER_TILE)])
    plsc.subcore_barrier()

    def run(m_hbm):
        col_base = cid * _EPC + sid * _EPT
        m_base = sid * _EPT

        def chunk(k, carry):
            pltpu.sync_copy(col_hbm.at[pl.ds(col_base + k * SCC, SCC)], idx_v)
            pltpu.sync_copy(m_hbm.at[pl.ds(m_base + k * SCC, SCC)], bufm_v)
            pltpu.sync_copy(bufm_v, acc_sh.at[idx_v], add=True)
            return carry

        lax.fori_loop(0, _EPT // SCC, chunk, 0)

    @pl.when(cid == 0)
    def _():
        run(m0_hbm)

    @pl.when(cid == 1)
    def _():
        run(m1_hbm)

    plsc.subcore_barrier()
    pltpu.sync_copy(acc_sh.at[pl.ds(rb, _ROWS_PER_TILE)],
                    out_hbm.at[cid, pl.ds(rb, _ROWS_PER_TILE)])


def _node2_body(p_ref, x_ref, wuv1_ref, wuv2_ref, buv_ref, uv_ref):
    hn = p_ref[0] + p_ref[1]
    uv_ref[...] = (
        jnp.dot(hn, wuv1_ref[...], preferred_element_type=jnp.float32)
        + jnp.dot(x_ref[...], wuv2_ref[...], preferred_element_type=jnp.float32)
        + buv_ref[...])


def _node2(P, x, wuv1, wuv2, buv):
    return pl.pallas_call(
        _node2_body,
        grid=(N_NODES // NB,),
        in_specs=[
            pl.BlockSpec((NC, NB, D_H), lambda i: (0, i, 0)),
            pl.BlockSpec((NB, D_IN), lambda i: (i, 0)),
            pl.BlockSpec((D_H, 2), lambda i: (0, 0)),
            pl.BlockSpec((D_IN, 2), lambda i: (0, 0)),
            pl.BlockSpec((1, 2), lambda i: (0, 0)),
        ],
        out_specs=pl.BlockSpec((NB, 2), lambda i: (i, 0)),
        out_shape=jax.ShapeDtypeStruct((N_NODES, 2), jnp.float32),
    )(P, x, wuv1, wuv2, buv)


@functools.partial(
    pl.kernel,
    out_type=jax.ShapeDtypeStruct((N_EDGES,), jnp.float32),
    mesh=_sc_mesh,
    compiler_params=pltpu.CompilerParams(needs_layout_passes=False),
    scratch_types=[
        pltpu.VMEM((N_NODES,), jnp.float32),
        pltpu.VMEM((N_NODES,), jnp.float32),
        pltpu.VMEM((EC,), jnp.int32),
        pltpu.VMEM((EC,), jnp.int32),
        pltpu.VMEM((EC,), jnp.float32),
    ],
)
def _edge_score(u_hbm, v_hbm, row_hbm, col_hbm, out_hbm,
                u_v, v_v, idxr_v, idxc_v, outb_v):
    wid = lax.axis_index("s") * NC + lax.axis_index("c")
    base = wid * EPW
    pltpu.sync_copy(u_hbm, u_v)
    pltpu.sync_copy(v_hbm, v_v)

    def chunk(k, carry):
        eb = base + k * EC
        pltpu.sync_copy(row_hbm.at[pl.ds(eb, EC)], idxr_v)
        pltpu.sync_copy(col_hbm.at[pl.ds(eb, EC)], idxc_v)

        def sub(j, c2):
            s = pl.ds(j * LANES, LANES)
            ur = plsc.load_gather(u_v, [idxr_v[s]])
            vc = plsc.load_gather(v_v, [idxc_v[s]])
            z = ur + vc
            outb_v[s] = 1.0 / (1.0 + jnp.exp(-z))
            return c2

        lax.fori_loop(0, EC // LANES, sub, 0)
        pltpu.sync_copy(outb_v, out_hbm.at[pl.ds(eb, EC)])
        return carry

    lax.fori_loop(0, EPW // EC, chunk, 0)


def kernel(x, edge_index, W_in, b_in, bn_gamma, bn_beta, bn_mean, bn_var,
           W1, b1, W2, b2, We, be):
    eps = 1e-5
    row = edge_index[0]
    col = edge_index[1]

    scale = bn_gamma / jnp.sqrt(bn_var + eps)
    c0 = b_in * scale + (bn_beta - bn_mean * scale)

    xcat = _node1(x, W_in, scale[None], c0[None])
    col0, col1 = col[:E_SLAB], col[E_SLAB:]
    row0, row1 = row[:E_SLAB], row[E_SLAB:]
    gxi0, gxj0 = _gather_cat(xcat, col0, row0)
    gxi1, gxj1 = _gather_cat(xcat, col1, row1)
    W1t, W1b = W1[:D_CAT], W1[D_CAT:]
    m0 = _edge_mlp(gxi0, gxj0, W1t, W1b, b1[None], W2, b2[None])
    m1 = _edge_mlp(gxi1, gxj1, W1t, W1b, b1[None], W2, b2[None])
    P = _scatter_add(m0, m1, col, jnp.zeros((N_PAD, D_H), jnp.float32))

    wuv1 = jnp.stack([We[:D_H, 0], We[D_CAT:D_CAT + D_H, 0]], axis=1)
    wuv2 = jnp.stack([We[D_H:D_CAT, 0], We[D_CAT + D_H:, 0]], axis=1)
    buv = jnp.stack([be, jnp.zeros_like(be)], axis=1)
    uv = _node2(P, x, wuv1, wuv2, buv)
    u = uv[:, 0]
    v = uv[:, 1]

    return _edge_score(u, v, row, col)

# --- scband reference (transcript-rebuilt; emitter-appended) ---
"""Pipeline reference for scband-edge-net2-67525475827751 (READ-ONLY COPY).

The authoritative reference and input builder live on the scoring server;
editing this copy changes nothing except your own understanding.
"""

import jax, jax.numpy as jnp
import numpy as np

N = 10000
E = 320000
D_IN = 128
D_H = 128
D_MID = (3 * D_H + 2 * D_IN) // 2  # 320


def setup_inputs(seed: int = 0) -> dict:
    key = jax.random.key(seed)
    ks = jax.random.split(key, 8)
    x = jax.random.normal(ks[0], (N, D_IN), dtype=jnp.float32)
    edge_index = jax.random.randint(ks[1], (2, E), 0, N, dtype=jnp.int32)
    # inputnet: Linear(D_IN, D_H) + BatchNorm1d(D_H) (eval mode) + Tanh
    W_in = jax.random.normal(ks[2], (D_IN, D_H), dtype=jnp.float32) * 0.05
    b_in = jnp.zeros((D_H,), dtype=jnp.float32)
    bn_gamma = jnp.ones((D_H,), dtype=jnp.float32)
    bn_beta = jnp.zeros((D_H,), dtype=jnp.float32)
    bn_mean = jnp.zeros((D_H,), dtype=jnp.float32)
    bn_var = jnp.ones((D_H,), dtype=jnp.float32)
    # convnn (EdgeConv mlp): Linear(2*(D_H+D_IN), D_MID)+ReLU+Dropout(eval=id)+Linear(D_MID, D_H)+ReLU
    W1 = jax.random.normal(ks[3], (2 * (D_H + D_IN), D_MID), dtype=jnp.float32) * 0.05
    b1 = jnp.zeros((D_MID,), dtype=jnp.float32)
    W2 = jax.random.normal(ks[4], (D_MID, D_H), dtype=jnp.float32) * 0.05
    b2 = jnp.zeros((D_H,), dtype=jnp.float32)
    # edgenetwork: Linear(2*(n_iters*D_H + D_IN), 1) + Sigmoid
    We = jax.random.normal(ks[5], (2 * (D_H + D_IN), 1), dtype=jnp.float32) * 0.05
    be = jnp.zeros((1,), dtype=jnp.float32)
    return {
        "x": x, "edge_index": edge_index,
        "W_in": W_in, "b_in": b_in,
        "bn_gamma": bn_gamma, "bn_beta": bn_beta, "bn_mean": bn_mean, "bn_var": bn_var,
        "W1": W1, "b1": b1, "W2": W2, "b2": b2,
        "We": We, "be": be,
    }


def reference(x, edge_index, W_in, b_in, bn_gamma, bn_beta, bn_mean, bn_var, W1, b1, W2, b2, We, be):
    eps = 1e-5
    row = edge_index[0]  # source j
    col = edge_index[1]  # target i
    # inputnet (BatchNorm in eval mode with running stats)
    H = jnp.tanh(((x @ W_in + b_in) - bn_mean) / jnp.sqrt(bn_var + eps) * bn_gamma + bn_beta)
    xcat = jnp.concatenate([H, x], axis=-1)  # [N, D_H + D_IN]
    Hcat = x  # [N, D_IN]
    # n_iters = 1 EdgeConv iteration (PyG EdgeConv: message = nn(cat([x_i, x_j - x_i])))
    xi = xcat[col]  # target features, gather
    xj = xcat[row]  # source features, gather
    m = jnp.concatenate([xi, xj - xi], axis=-1)  # [E, 2*(D_H+D_IN)]
    m = jax.nn.relu(m @ W1 + b1)  # dropout is identity in eval
    m = jax.nn.relu(m @ W2 + b2)  # [E, D_H]
    Hn = jax.ops.segment_sum(m, col, num_segments=x.shape[0])  # aggr='add' at target
    Hcat = jnp.concatenate([Hn, Hcat], axis=-1)  # [N, D_H + D_IN]
    # edgenetwork over edges
    e = jnp.concatenate([Hcat[row], Hcat[col]], axis=-1)  # [E, 2*(D_H+D_IN)]
    out = jax.nn.sigmoid(e @ We + be).squeeze(-1)  # [E]
    return out

if __name__ == "__main__":
    import jax
    _d = setup_inputs()
    print(jax.jit(kernel)(*tuple(_d.values())))

</pallas_src>

<mosaic_0001>
#map = affine_map<(d0, d1) -> (0, 0)>
#map1 = affine_map<(d0, d1) -> (0)>
#map2 = affine_map<(d0, d1) -> (0, 0, 0)>
module attributes {stable_mosaic.version = 14 : i64} {
  func.func @_scatter_add(%arg0: i32, %arg1: i32, %arg2: memref<160000x128xf32, #tpu.memory_space<hbm>>, %arg3: memref<160000x128xf32, #tpu.memory_space<hbm>>, %arg4: memref<320000xi32, #tpu.memory_space<hbm>>, %arg5: memref<10240x128xf32, #tpu.memory_space<hbm>>, %arg6: memref<2x10240x128xf32, #tpu.memory_space<hbm>>, %arg7: memref<80xi32, #tpu.memory_space<vmem>>, %arg8: memref<80x128xf32, #tpu.memory_space<vmem>>, %arg9: memref<10240x128xf32, #tpu.memory_space<vmem_shared>>) attributes {dimension_semantics = [#tpu.dimension_semantics<core_parallel>, #tpu.dimension_semantics<subcore_parallel>], iteration_bounds = array<i64: 2, 16>, scalar_prefetch = 0 : i64, scratch_operands = 3 : i64, tpu.core_type = #tpu.core_type<sc_vector_subcore>, window_params = [{transform_indices = #map}, {transform_indices = #map}, {transform_indices = #map1}, {transform_indices = #map}, {transform_indices = #map2}]} {
    %mul3A = arith.constant 640 : i32
    %mul3A_0 = arith.muli %arg1, %mul3A : i32
    "tpu.region"() ({
      %run_scoped3A = tpu.sem_alloc : memref<!tpu.dma_semaphore, #tpu.memory_space<semaphore_mem>>
      %dma_start3A = arith.constant 0 : i32
      %dma_start3A_9 = tpu.memref_slice %arg9[%mul3A_0, %dma_start3A] : memref<10240x128xf32, #tpu.memory_space<vmem_shared>> -> memref<640x128xf32, #tpu.memory_space<vmem_shared>>
      %dma_start3A_10 = arith.constant 0 : i32
      %dma_start3A_11 = tpu.memref_slice %arg5[%mul3A_0, %dma_start3A_10] : memref<10240x128xf32, #tpu.memory_space<hbm>> -> memref<640x128xf32, #tpu.memory_space<hbm>>
      tpu.enqueue_dma source(%dma_start3A_11 : memref<640x128xf32, #tpu.memory_space<hbm>>) target(%dma_start3A_9 : memref<640x128xf32, #tpu.memory_space<vmem_shared>>) target_semaphore(%run_scoped3A : memref<!tpu.dma_semaphore, #tpu.memory_space<semaphore_mem>>)
      %dma_wait3A = arith.constant 0 : i32
      %dma_wait3A_12 = tpu.memref_slice %arg9[%mul3A_0, %dma_wait3A] : memref<10240x128xf32, #tpu.memory_space<vmem_shared>> -> memref<640x128xf32, #tpu.memory_space<vmem_shared>>
      %dma_wait3A_13 = arith.constant 0 : i32
      %dma_wait3A_14 = tpu.memref_slice %arg5[%mul3A_0, %dma_wait3A_13] : memref<10240x128xf32, #tpu.memory_space<hbm>> -> memref<640x128xf32, #tpu.memory_space<hbm>>
      tpu.wait_dma2 semaphore(%run_scoped3A : memref<!tpu.dma_semaphore, #tpu.memory_space<semaphore_mem>>) src(%dma_wait3A_14 : memref<640x128xf32, #tpu.memory_space<hbm>>) dst(%dma_wait3A_12 : memref<640x128xf32, #tpu.memory_space<vmem_shared>>)
      tpu.yield
    }) : () -> ()
    %barrier3A = arith.constant 0 : index
    tpu.barrier barrier_id(%barrier3A)
    %eq3A = arith.constant 0 : i32
    %eq3A_1 = arith.cmpi eq, %arg0, %eq3A : i32
    %convert_element_type3A = arith.extui %eq3A_1 : i1 to i32
    %cond3A = arith.constant 0 : i32
    %cond3A_2 = arith.cmpi ne, %convert_element_type3A, %cond3A : i32
    scf.if %cond3A_2 {
      %mul3A_9 = arith.constant 160000 : i32
      %mul3A_10 = arith.muli %arg0, %mul3A_9 : i32
      %mul3A_11 = arith.constant 10000 : i32
      %mul3A_12 = arith.muli %arg1, %mul3A_11 : i32
      %add3A = arith.addi %mul3A_10, %mul3A_12 : i32
      %mul3A_13 = arith.constant 10000 : i32
      %mul3A_14 = arith.muli %arg1, %mul3A_13 : i32
      %scan3A = arith.constant 0 : i32
      %scan3A_15 = arith.constant 0 : i32
      %scan3A_16 = arith.constant 125 : i32
      %scan3A_17 = arith.addi %scan3A_15, %scan3A_16 : i32
      %scan3A_18 = arith.constant 1 : i32
      scf.for %scan3A_20 = %scan3A_15 to %scan3A_17 step %scan3A_18  : i32 {
        %mul3A_21 = arith.constant 80 : i32
        %mul3A_22 = arith.muli %scan3A_20, %mul3A_21 : i32
        %add3A_23 = arith.addi %add3A, %mul3A_22 : i32
        "tpu.region"() ({
          %run_scoped3A = tpu.sem_alloc : memref<!tpu.dma_semaphore, #tpu.memory_space<semaphore_mem>>
          %dma_start3A = tpu.memref_slice %arg4[%add3A_23] : memref<320000xi32, #tpu.memory_space<hbm>> -> memref<80xi32, #tpu.memory_space<hbm>>
          %dma_start3A_27 = tpu.memref_slice %arg4[%add3A_23] : memref<320000xi32, #tpu.memory_space<hbm>> -> memref<80xi32, #tpu.memory_space<hbm>>
          tpu.enqueue_dma source(%dma_start3A_27 : memref<80xi32, #tpu.memory_space<hbm>>) target(%arg7 : memref<80xi32, #tpu.memory_space<vmem>>) target_semaphore(%run_scoped3A : memref<!tpu.dma_semaphore, #tpu.memory_space<semaphore_mem>>)
          %dma_wait3A = tpu.memref_slice %arg4[%add3A_23] : memref<320000xi32, #tpu.memory_space<hbm>> -> memref<80xi32, #tpu.memory_space<hbm>>
          %dma_wait3A_28 = tpu.memref_slice %arg4[%add3A_23] : memref<320000xi32, #tpu.memory_space<hbm>> -> memref<80xi32, #tpu.memory_space<hbm>>
          tpu.wait_dma2 semaphore(%run_scoped3A : memref<!tpu.dma_semaphore, #tpu.memory_space<semaphore_mem>>) src(%dma_wait3A_28 : memref<80xi32, #tpu.memory_space<hbm>>) dst(%arg7 : memref<80xi32, #tpu.memory_space<vmem>>)
          tpu.yield
        }) : () -> ()
        %mul3A_24 = arith.constant 80 : i32
        %mul3A_25 = arith.muli %scan3A_20, %mul3A_24 : i32
        %add3A_26 = arith.addi %mul3A_14, %mul3A_25 : i32
        "tpu.region"() ({
          %run_scoped3A = tpu.sem_alloc : memref<!tpu.dma_semaphore, #tpu.memory_space<semaphore_mem>>
          %dma_start3A = arith.constant 0 : i32
          %dma_start3A_27 = tpu.memref_slice %arg2[%add3A_26, %dma_start3A] : memref<160000x128xf32, #tpu.memory_space<hbm>> -> memref<80x128xf32, #tpu.memory_space<hbm>>
          %dma_start3A_28 = arith.constant 0 : i32
          %dma_start3A_29 = tpu.memref_slice %arg2[%add3A_26, %dma_start3A_28] : memref<160000x128xf32, #tpu.memory_space<hbm>> -> memref<80x128xf32, #tpu.memory_space<hbm>>
          tpu.enqueue_dma source(%dma_start3A_29 : memref<80x128xf32, #tpu.memory_space<hbm>>) target(%arg8 : memref<80x128xf32, #tpu.memory_space<vmem>>) target_semaphore(%run_scoped3A : memref<!tpu.dma_semaphore, #tpu.memory_space<semaphore_mem>>)
          %dma_wait3A = arith.constant 0 : i32
          %dma_wait3A_30 = tpu.memref_slice %arg2[%add3A_26, %dma_wait3A] : memref<160000x128xf32, #tpu.memory_space<hbm>> -> memref<80x128xf32, #tpu.memory_space<hbm>>
          %dma_wait3A_31 = arith.constant 0 : i32
          %dma_wait3A_32 = tpu.memref_slice %arg2[%add3A_26, %dma_wait3A_31] : memref<160000x128xf32, #tpu.memory_space<hbm>> -> memref<80x128xf32, #tpu.memory_space<hbm>>
          tpu.wait_dma2 semaphore(%run_scoped3A : memref<!tpu.dma_semaphore, #tpu.memory_space<semaphore_mem>>) src(%dma_wait3A_32 : memref<80x128xf32, #tpu.memory_space<hbm>>) dst(%arg8 : memref<80x128xf32, #tpu.memory_space<vmem>>)
          tpu.yield
        }) : () -> ()
        "tpu.region"() ({
          %run_scoped3A = tpu.sem_alloc : memref<!tpu.dma_semaphore, #tpu.memory_space<semaphore_mem>>
          %dma_start3A = arith.constant 0 : i32
          %dma_start3A_27 = arith.constant 0 : i32
          %dma_start3A_28 = tpu.memref_slice %arg9[%dma_start3A, %dma_start3A_27] : memref<10240x128xf32, #tpu.memory_space<vmem_shared>> -> memref<10240x128xf32, #tpu.memory_space<vmem_shared>>
          tpu.enqueue_indirect_dma source(%arg8 : memref<80x128xf32, #tpu.memory_space<vmem>>) target(%dma_start3A_28 : memref<10240x128xf32, #tpu.memory_space<vmem_shared>>) offsets(%arg7 : memref<80xi32, #tpu.memory_space<vmem>>) semaphore(%run_scoped3A : memref<!tpu.dma_semaphore, #tpu.memory_space<semaphore_mem>>) {add = true}
          %dma_wait3A = arith.constant 0 : i32
          %dma_wait3A_29 = arith.constant 0 : i32
          %dma_wait3A_30 = tpu.memref_slice %arg9[%dma_wait3A, %dma_wait3A_29] : memref<10240x128xf32, #tpu.memory_space<vmem_shared>> -> memref<10240x128xf32, #tpu.memory_space<vmem_shared>>
          tpu.wait_indirect_dma semaphore(%run_scoped3A : memref<!tpu.dma_semaphore, #tpu.memory_space<semaphore_mem>>) src(%arg8 : memref<80x128xf32, #tpu.memory_space<vmem>>) dst(%dma_wait3A_30 : memref<10240x128xf32, #tpu.memory_space<vmem_shared>>)
          tpu.yield
        }) : () -> ()
      }
      %scan3A_19 = arith.constant 125 : i32
    } else {
    }
    %eq3A_3 = arith.constant 1 : i32
    %eq3A_4 = arith.cmpi eq, %arg0, %eq3A_3 : i32
    %convert_element_type3A_5 = arith.extui %eq3A_4 : i1 to i32
    %cond3A_6 = arith.constant 0 : i32
    %cond3A_7 = arith.cmpi ne, %convert_element_type3A_5, %cond3A_6 : i32
    scf.if %cond3A_7 {
      %mul3A_9 = arith.constant 160000 : i32
      %mul3A_10 = arith.muli %arg0, %mul3A_9 : i32
      %mul3A_11 = arith.constant 10000 : i32
      %mul3A_12 = arith.muli %arg1, %mul3A_11 : i32
      %add3A = arith.addi %mul3A_10, %mul3A_12 : i32
      %mul3A_13 = arith.constant 10000 : i32
      %mul3A_14 = arith.muli %arg1, %mul3A_13 : i32
      %scan3A = arith.constant 0 : i32
      %scan3A_15 = arith.constant 0 : i32
      %scan3A_16 = arith.constant 125 : i32
      %scan3A_17 = arith.addi %scan3A_15, %scan3A_16 : i32
      %scan3A_18 = arith.constant 1 : i32
      scf.for %scan3A_20 = %scan3A_15 to %scan3A_17 step %scan3A_18  : i32 {
        %mul3A_21 = arith.constant 80 : i32
        %mul3A_22 = arith.muli %scan3A_20, %mul3A_21 : i32
        %add3A_23 = arith.addi %add3A, %mul3A_22 : i32
        "tpu.region"() ({
          %run_scoped3A = tpu.sem_alloc : memref<!tpu.dma_semaphore, #tpu.memory_space<semaphore_mem>>
          %dma_start3A = tpu.memref_slice %arg4[%add3A_23] : memref<320000xi32, #tpu.memory_space<hbm>> -> memref<80xi32, #tpu.memory_space<hbm>>
          %dma_start3A_27 = tpu.memref_slice %arg4[%add3A_23] : memref<320000xi32, #tpu.memory_space<hbm>> -> memref<80xi32, #tpu.memory_space<hbm>>
          tpu.enqueue_dma source(%dma_start3A_27 : memref<80xi32, #tpu.memory_space<hbm>>) target(%arg7 : memref<80xi32, #tpu.memory_space<vmem>>) target_semaphore(%run_scoped3A : memref<!tpu.dma_semaphore, #tpu.memory_space<semaphore_mem>>)
          %dma_wait3A = tpu.memref_slice %arg4[%add3A_23] : memref<320000xi32, #tpu.memory_space<hbm>> -> memref<80xi32, #tpu.memory_space<hbm>>
          %dma_wait3A_28 = tpu.memref_slice %arg4[%add3A_23] : memref<320000xi32, #tpu.memory_space<hbm>> -> memref<80xi32, #tpu.memory_space<hbm>>
          tpu.wait_dma2 semaphore(%run_scoped3A : memref<!tpu.dma_semaphore, #tpu.memory_space<semaphore_mem>>) src(%dma_wait3A_28 : memref<80xi32, #tpu.memory_space<hbm>>) dst(%arg7 : memref<80xi32, #tpu.memory_space<vmem>>)
          tpu.yield
        }) : () -> ()
        %mul3A_24 = arith.constant 80 : i32
        %mul3A_25 = arith.muli %scan3A_20, %mul3A_24 : i32
        %add3A_26 = arith.addi %mul3A_14, %mul3A_25 : i32
        "tpu.region"() ({
          %run_scoped3A = tpu.sem_alloc : memref<!tpu.dma_semaphore, #tpu.memory_space<semaphore_mem>>
          %dma_start3A = arith.constant 0 : i32
          %dma_start3A_27 = tpu.memref_slice %arg3[%add3A_26, %dma_start3A] : memref<160000x128xf32, #tpu.memory_space<hbm>> -> memref<80x128xf32, #tpu.memory_space<hbm>>
          %dma_start3A_28 = arith.constant 0 : i32
          %dma_start3A_29 = tpu.memref_slice %arg3[%add3A_26, %dma_start3A_28] : memref<160000x128xf32, #tpu.memory_space<hbm>> -> memref<80x128xf32, #tpu.memory_space<hbm>>
          tpu.enqueue_dma source(%dma_start3A_29 : memref<80x128xf32, #tpu.memory_space<hbm>>) target(%arg8 : memref<80x128xf32, #tpu.memory_space<vmem>>) target_semaphore(%run_scoped3A : memref<!tpu.dma_semaphore, #tpu.memory_space<semaphore_mem>>)
          %dma_wait3A = arith.constant 0 : i32
          %dma_wait3A_30 = tpu.memref_slice %arg3[%add3A_26, %dma_wait3A] : memref<160000x128xf32, #tpu.memory_space<hbm>> -> memref<80x128xf32, #tpu.memory_space<hbm>>
          %dma_wait3A_31 = arith.constant 0 : i32
          %dma_wait3A_32 = tpu.memref_slice %arg3[%add3A_26, %dma_wait3A_31] : memref<160000x128xf32, #tpu.memory_space<hbm>> -> memref<80x128xf32, #tpu.memory_space<hbm>>
          tpu.wait_dma2 semaphore(%run_scoped3A : memref<!tpu.dma_semaphore, #tpu.memory_space<semaphore_mem>>) src(%dma_wait3A_32 : memref<80x128xf32, #tpu.memory_space<hbm>>) dst(%arg8 : memref<80x128xf32, #tpu.memory_space<vmem>>)
          tpu.yield
        }) : () -> ()
        "tpu.region"() ({
          %run_scoped3A = tpu.sem_alloc : memref<!tpu.dma_semaphore, #tpu.memory_space<semaphore_mem>>
          %dma_start3A = arith.constant 0 : i32
          %dma_start3A_27 = arith.constant 0 : i32
          %dma_start3A_28 = tpu.memref_slice %arg9[%dma_start3A, %dma_start3A_27] : memref<10240x128xf32, #tpu.memory_space<vmem_shared>> -> memref<10240x128xf32, #tpu.memory_space<vmem_shared>>
          tpu.enqueue_indirect_dma source(%arg8 : memref<80x128xf32, #tpu.memory_space<vmem>>) target(%dma_start3A_28 : memref<10240x128xf32, #tpu.memory_space<vmem_shared>>) offsets(%arg7 : memref<80xi32, #tpu.memory_space<vmem>>) semaphore(%run_scoped3A : memref<!tpu.dma_semaphore, #tpu.memory_space<semaphore_mem>>) {add = true}
          %dma_wait3A = arith.constant 0 : i32
          %dma_wait3A_29 = arith.constant 0 : i32
          %dma_wait3A_30 = tpu.memref_slice %arg9[%dma_wait3A, %dma_wait3A_29] : memref<10240x128xf32, #tpu.memory_space<vmem_shared>> -> memref<10240x128xf32, #tpu.memory_space<vmem_shared>>
          tpu.wait_indirect_dma semaphore(%run_scoped3A : memref<!tpu.dma_semaphore, #tpu.memory_space<semaphore_mem>>) src(%arg8 : memref<80x128xf32, #tpu.memory_space<vmem>>) dst(%dma_wait3A_30 : memref<10240x128xf32, #tpu.memory_space<vmem_shared>>)
          tpu.yield
        }) : () -> ()
      }
      %scan3A_19 = arith.constant 125 : i32
    } else {
    }
    %barrier3A_8 = arith.constant 0 : index
    tpu.barrier barrier_id(%barrier3A_8)
    "tpu.region"() ({
      %run_scoped3A = tpu.sem_alloc : memref<!tpu.dma_semaphore, #tpu.memory_space<semaphore_mem>>
      %dma_start3A = arith.constant 0 : i32
      %dma_start3A_9 = tpu.memref_slice %arg6[%arg0, %mul3A_0, %dma_start3A] : memref<2x10240x128xf32, #tpu.memory_space<hbm>> -> memref<1x640x128xf32, #tpu.memory_space<hbm>>
      %dma_start3A_10 = tpu.memref_squeeze %dma_start3A_9 : memref<1x640x128xf32, #tpu.memory_space<hbm>> -> memref<640x128xf32, #tpu.memory_space<hbm>>
      %dma_start3A_11 = arith.constant 0 : i32
      %dma_start3A_12 = tpu.memref_slice %arg9[%mul3A_0, %dma_start3A_11] : memref<10240x128xf32, #tpu.memory_space<vmem_shared>> -> memref<640x128xf32, #tpu.memory_space<vmem_shared>>
      tpu.enqueue_dma source(%dma_start3A_12 : memref<640x128xf32, #tpu.memory_space<vmem_shared>>) target(%dma_start3A_10 : memref<640x128xf32, #tpu.memory_space<hbm>>) target_semaphore(%run_scoped3A : memref<!tpu.dma_semaphore, #tpu.memory_space<semaphore_mem>>)
      %dma_wait3A = arith.constant 0 : i32
      %dma_wait3A_13 = tpu.memref_slice %arg6[%arg0, %mul3A_0, %dma_wait3A] : memref<2x10240x128xf32, #tpu.memory_space<hbm>> -> memref<1x640x128xf32, #tpu.memory_space<hbm>>
      %dma_wait3A_14 = tpu.memref_squeeze %dma_wait3A_13 : memref<1x640x128xf32, #tpu.memory_space<hbm>> -> memref<640x128xf32, #tpu.memory_space<hbm>>
      %dma_wait3A_15 = arith.constant 0 : i32
      %dma_wait3A_16 = tpu.memref_slice %arg9[%mul3A_0, %dma_wait3A_15] : memref<10240x128xf32, #tpu.memory_space<vmem_shared>> -> memref<640x128xf32, #tpu.memory_space<vmem_shared>>
      tpu.wait_dma2 semaphore(%run_scoped3A : memref<!tpu.dma_semaphore, #tpu.memory_space<semaphore_mem>>) src(%dma_wait3A_16 : memref<640x128xf32, #tpu.memory_space<vmem_shared>>) dst(%dma_wait3A_14 : memref<640x128xf32, #tpu.memory_space<hbm>>)
      tpu.yield
    }) : () -> ()
    return
  }
}

#map = affine_map<(d0, d1) -> (0, 0)>
#map1 = affine_map<(d0, d1) -> (0)>
module attributes {stable_mosaic.version = 14 : i64} {
  func.func @_gather_cat(%arg0: i32, %arg1: i32, %arg2: memref<10000x256xf32, #tpu.memory_space<hbm>>, %arg3: memref<160000xi32, #tpu.memory_space<hbm>>, %arg4: memref<160000xi32, #tpu.memory_space<hbm>>, %arg5: memref<160000x256xf32, #tpu.memory_space<hbm>>, %arg6: memref<160000x256xf32, #tpu.memory_space<hbm>>, %arg7: memref<5000xi32, #tpu.memory_space<vmem>>, %arg8: memref<5000xi32, #tpu.memory_space<vmem>>, %arg9: memref<2x40x256xf32, #tpu.memory_space<vmem>>, %arg10: memref<2x40x256xf32, #tpu.memory_space<vmem>>, %arg11: memref<!tpu.dma_semaphore, #tpu.memory_space<semaphore_mem>>, %arg12: memref<!tpu.dma_semaphore, #tpu.memory_space<semaphore_mem>>, %arg13: memref<!tpu.dma_semaphore, #tpu.memory_space<semaphore_mem>>, %arg14: memref<!tpu.dma_semaphore, #tpu.memory_space<semaphore_mem>>) attributes {dimension_semantics = [#tpu.dimension_semantics<core_parallel>, #tpu.dimension_semantics<subcore_parallel>], iteration_bounds = array<i64: 2, 16>, scalar_prefetch = 0 : i64, scratch_operands = 8 : i64, tpu.core_type = #tpu.core_type<sc_vector_subcore>, window_params = [{transform_indices = #map}, {transform_indices = #map1}, {transform_indices = #map1}, {transform_indices = #map}, {transform_indices = #map}]} {
    %mul3A = arith.constant 2 : i32
    %mul3A_0 = arith.muli %arg1, %mul3A : i32
    %add3A = arith.addi %mul3A_0, %arg0 : i32
    %mul3A_1 = arith.constant 5000 : i32
    %mul3A_2 = arith.muli %add3A, %mul3A_1 : i32
    "tpu.region"() ({
      %run_scoped3A = tpu.sem_alloc : memref<!tpu.dma_semaphore, #tpu.memory_space<semaphore_mem>>
      %dma_start3A_144 = tpu.memref_slice %arg3[%mul3A_2] : memref<160000xi32, #tpu.memory_space<hbm>> -> memref<5000xi32, #tpu.memory_space<hbm>>
      %dma_start3A_145 = tpu.memref_slice %arg3[%mul3A_2] : memref<160000xi32, #tpu.memory_space<hbm>> -> memref<5000xi32, #tpu.memory_space<hbm>>
      tpu.enqueue_dma source(%dma_start3A_145 : memref<5000xi32, #tpu.memory_space<hbm>>) target(%arg7 : memref<5000xi32, #tpu.memory_space<vmem>>) target_semaphore(%run_scoped3A : memref<!tpu.dma_semaphore, #tpu.memory_space<semaphore_mem>>)
      %dma_wait3A_146 = tpu.memref_slice %arg3[%mul3A_2] : memref<160000xi32, #tpu.memory_space<hbm>> -> memref<5000xi32, #tpu.memory_space<hbm>>
      %dma_wait3A_147 = tpu.memref_slice %arg3[%mul3A_2] : memref<160000xi32, #tpu.memory_space<hbm>> -> memref<5000xi32, #tpu.memory_space<hbm>>
      tpu.wait_dma2 semaphore(%run_scoped3A : memref<!tpu.dma_semaphore, #tpu.memory_space<semaphore_mem>>) src(%dma_wait3A_147 : memref<5000xi32, #tpu.memory_space<hbm>>) dst(%arg7 : memref<5000xi32, #tpu.memory_space<vmem>>)
      tpu.yield
    }) : () -> ()
    "tpu.region"() ({
      %run_scoped3A = tpu.sem_alloc : memref<!tpu.dma_semaphore, #tpu.memory_space<semaphore_mem>>
      %dma_start3A_144 = tpu.memref_slice %arg4[%mul3A_2] : memref<160000xi32, #tpu.memory_space<hbm>> -> memref<5000xi32, #tpu.memory_space<hbm>>
      %dma_start3A_145 = tpu.memref_slice %arg4[%mul3A_2] : memref<160000xi32, #tpu.memory_space<hbm>> -> memref<5000xi32, #tpu.memory_space<hbm>>
      tpu.enqueue_dma source(%dma_start3A_145 : memref<5000xi32, #tpu.memory_space<hbm>>) target(%arg8 : memref<5000xi32, #tpu.memory_space<vmem>>) target_semaphore(%run_scoped3A : memref<!tpu.dma_semaphore, #tpu.memory_space<semaphore_mem>>)
      %dma_wait3A_146 = tpu.memref_slice %arg4[%mul3A_2] : memref<160000xi32, #tpu.memory_space<hbm>> -> memref<5000xi32, #tpu.memory_space<hbm>>
      %dma_wait3A_147 = tpu.memref_slice %arg4[%mul3A_2] : memref<160000xi32, #tpu.memory_space<hbm>> -> memref<5000xi32, #tpu.memory_space<hbm>>
      tpu.wait_dma2 semaphore(%run_scoped3A : memref<!tpu.dma_semaphore, #tpu.memory_space<semaphore_mem>>) src(%dma_wait3A_147 : memref<5000xi32, #tpu.memory_space<hbm>>) dst(%arg8 : memref<5000xi32, #tpu.memory_space<vmem>>)
      tpu.yield
    }) : () -> ()
    %dma_start3A = arith.constant 0 : i32
    %dma_start3A_3 = arith.constant 0 : i32
    %dma_start3A_4 = arith.constant 0 : i32
    %dma_start3A_5 = tpu.memref_slice %arg9[%dma_start3A, %dma_start3A_3, %dma_start3A_4] : memref<2x40x256xf32, #tpu.memory_space<vmem>> -> memref<1x40x256xf32, #tpu.memory_space<vmem>>
    %dma_start3A_6 = tpu.memref_squeeze %dma_start3A_5 : memref<1x40x256xf32, #tpu.memory_space<vmem>> -> memref<40x256xf32, #tpu.memory_space<vmem>>
    %dma_start3A_7 = arith.constant 0 : i32
    %dma_start3A_8 = tpu.memref_slice %arg7[%dma_start3A_7] : memref<5000xi32, #tpu.memory_space<vmem>> -> memref<40xi32, #tpu.memory_space<vmem>>
    %dma_start3A_9 = arith.constant 0 : i32
    %dma_start3A_10 = arith.constant 0 : i32
    %dma_start3A_11 = tpu.memref_slice %arg2[%dma_start3A_9, %dma_start3A_10] : memref<10000x256xf32, #tpu.memory_space<hbm>> -> memref<10000x256xf32, #tpu.memory_space<hbm>>
    tpu.enqueue_indirect_dma source(%dma_start3A_11 : memref<10000x256xf32, #tpu.memory_space<hbm>>) target(%dma_start3A_6 : memref<40x256xf32, #tpu.memory_space<vmem>>) offsets(%dma_start3A_8 : memref<40xi32, #tpu.memory_space<vmem>>) semaphore(%arg11 : memref<!tpu.dma_semaphore, #tpu.memory_space<semaphore_mem>>)
    %dma_start3A_12 = arith.constant 0 : i32
    %dma_start3A_13 = arith.constant 0 : i32
    %dma_start3A_14 = arith.constant 0 : i32
    %dma_start3A_15 = tpu.memref_slice %arg10[%dma_start3A_12, %dma_start3A_13, %dma_start3A_14] : memref<2x40x256xf32, #tpu.memory_space<vmem>> -> memref<1x40x256xf32, #tpu.memory_space<vmem>>
    %dma_start3A_16 = tpu.memref_squeeze %dma_start3A_15 : memref<1x40x256xf32, #tpu.memory_space<vmem>> -> memref<40x256xf32, #tpu.memory_space<vmem>>
    %dma_start3A_17 = arith.constant 0 : i32
    %dma_start3A_18 = tpu.memref_slice %arg8[%dma_start3A_17] : memref<5000xi32, #tpu.memory_space<vmem>> -> memref<40xi32, #tpu.memory_space<vmem>>
    %dma_start3A_19 = arith.constant 0 : i32
    %dma_start3A_20 = arith.constant 0 : i32
    %dma_start3A_21 = tpu.memref_slice %arg2[%dma_start3A_19, %dma_start3A_20] : memref<10000x256xf32, #tpu.memory_space<hbm>> -> memref<10000x256xf32, #tpu.memory_space<hbm>>
    tpu.enqueue_indirect_dma source(%dma_start3A_21 : memref<10000x256xf32, #tpu.memory_space<hbm>>) target(%dma_start3A_16 : memref<40x256xf32, #tpu.memory_space<vmem>>) offsets(%dma_start3A_18 : memref<40xi32, #tpu.memory_space<vmem>>) semaphore(%arg11 : memref<!tpu.dma_semaphore, #tpu.memory_space<semaphore_mem>>)
    %scan3A = arith.constant 0 : i32
    %scan3A_22 = arith.constant 0 : i32
    %scan3A_23 = arith.constant 62 : i32
    %scan3A_24 = arith.addi %scan3A_22, %scan3A_23 : i32
    %scan3A_25 = arith.constant 1 : i32
    scf.for %scan3A_144 = %scan3A_22 to %scan3A_24 step %scan3A_25  : i32 {
      %mul3A_145 = arith.constant 2 : i32
      %mul3A_146 = arith.muli %scan3A_144, %mul3A_145 : i32
      %add3A_147 = arith.constant 0 : i32
      %add3A_148 = arith.addi %mul3A_146, %add3A_147 : i32
      %gt3A = arith.constant 0 : i32
      %gt3A_149 = arith.cmpi sgt, %add3A_148, %gt3A : i32
      %convert_element_type3A = arith.extui %gt3A_149 : i1 to i32
      %cond3A = arith.constant 0 : i32
      %cond3A_150 = arith.cmpi ne, %convert_element_type3A, %cond3A : i32
      scf.if %cond3A_150 {
        %dma_wait3A_326 = arith.constant 1 : i32
        %dma_wait3A_327 = arith.constant 0 : i32
        %dma_wait3A_328 = arith.constant 0 : i32
        %dma_wait3A_329 = tpu.memref_slice %arg9[%dma_wait3A_326, %dma_wait3A_327, %dma_wait3A_328] : memref<2x40x256xf32, #tpu.memory_space<vmem>> -> memref<1x40x256xf32, #tpu.memory_space<vmem>>
        %dma_wait3A_330 = tpu.memref_squeeze %dma_wait3A_329 : memref<1x40x256xf32, #tpu.memory_space<vmem>> -> memref<40x256xf32, #tpu.memory_space<vmem>>
        %dma_wait3A_331 = arith.constant 0 : i32
        %dma_wait3A_332 = arith.constant 0 : i32
        %dma_wait3A_333 = tpu.memref_slice %arg5[%dma_wait3A_331, %dma_wait3A_332] : memref<160000x256xf32, #tpu.memory_space<hbm>> -> memref<40x256xf32, #tpu.memory_space<hbm>>
        %dma_wait3A_334 = arith.constant 0 : i32
        %dma_wait3A_335 = arith.constant 0 : i32
        %dma_wait3A_336 = tpu.memref_slice %arg9[%dma_wait3A_326, %dma_wait3A_334, %dma_wait3A_335] : memref<2x40x256xf32, #tpu.memory_space<vmem>> -> memref<1x40x256xf32, #tpu.memory_space<vmem>>
        %dma_wait3A_337 = tpu.memref_squeeze %dma_wait3A_336 : memref<1x40x256xf32, #tpu.memory_space<vmem>> -> memref<40x256xf32, #tpu.memory_space<vmem>>
        %dma_wait3A_338 = arith.constant 0 : i32
        %dma_wait3A_339 = arith.constant 0 : i32
        %dma_wait3A_340 = tpu.memref_slice %arg5[%dma_wait3A_338, %dma_wait3A_339] : memref<160000x256xf32, #tpu.memory_space<hbm>> -> memref<40x256xf32, #tpu.memory_space<hbm>>
        tpu.wait_dma2 semaphore(%arg14 : memref<!tpu.dma_semaphore, #tpu.memory_space<semaphore_mem>>) src(%dma_wait3A_340 : memref<40x256xf32, #tpu.memory_space<hbm>>) dst(%dma_wait3A_337 : memref<40x256xf32, #tpu.memory_space<vmem>>)
        %dma_wait3A_341 = arith.constant 1 : i32
        %dma_wait3A_342 = arith.constant 0 : i32
        %dma_wait3A_343 = arith.constant 0 : i32
        %dma_wait3A_344 = tpu.memref_slice %arg10[%dma_wait3A_341, %dma_wait3A_342, %dma_wait3A_343] : memref<2x40x256xf32, #tpu.memory_space<vmem>> -> memref<1x40x256xf32, #tpu.memory_space<vmem>>
        %dma_wait3A_345 = tpu.memref_squeeze %dma_wait3A_344 : memref<1x40x256xf32, #tpu.memory_space<vmem>> -> memref<40x256xf32, #tpu.memory_space<vmem>>
        %dma_wait3A_346 = arith.constant 0 : i32
        %dma_wait3A_347 = arith.constant 0 : i32
        %dma_wait3A_348 = tpu.memref_slice %arg5[%dma_wait3A_346, %dma_wait3A_347] : memref<160000x256xf32, #tpu.memory_space<hbm>> -> memref<40x256xf32, #tpu.memory_space<hbm>>
        %dma_wait3A_349 = arith.constant 0 : i32
        %dma_wait3A_350 = arith.constant 0 : i32
        %dma_wait3A_351 = tpu.memref_slice %arg10[%dma_wait3A_341, %dma_wait3A_349, %dma_wait3A_350] : memref<2x40x256xf32, #tpu.memory_space<vmem>> -> memref<1x40x256xf32, #tpu.memory_space<vmem>>
        %dma_wait3A_352 = tpu.memref_squeeze %dma_wait3A_351 : memref<1x40x256xf32, #tpu.memory_space<vmem>> -> memref<40x256xf32, #tpu.memory_space<vmem>>
        %dma_wait3A_353 = arith.constant 0 : i32
        %dma_wait3A_354 = arith.constant 0 : i32
        %dma_wait3A_355 = tpu.memref_slice %arg5[%dma_wait3A_353, %dma_wait3A_354] : memref<160000x256xf32, #tpu.memory_space<hbm>> -> memref<40x256xf32, #tpu.memory_space<hbm>>
        tpu.wait_dma2 semaphore(%arg14 : memref<!tpu.dma_semaphore, #tpu.memory_space<semaphore_mem>>) src(%dma_wait3A_355 : memref<40x256xf32, #tpu.memory_space<hbm>>) dst(%dma_wait3A_352 : memref<40x256xf32, #tpu.memory_space<vmem>>)
      } else {
      }
      %add3A_151 = arith.constant 1 : i32
      %add3A_152 = arith.addi %add3A_148, %add3A_151 : i32
      %mul3A_153 = arith.constant 40 : i32
      %mul3A_154 = arith.muli %add3A_152, %mul3A_153 : i32
      %dma_start3A_155 = arith.constant 1 : i32
      %dma_start3A_156 = arith.constant 0 : i32
      %dma_start3A_157 = arith.constant 0 : i32
      %dma_start3A_158 = tpu.memref_slice %arg9[%dma_start3A_155, %dma_start3A_156, %dma_start3A_157] : memref<2x40x256xf32, #tpu.memory_space<vmem>> -> memref<1x40x256xf32, #tpu.memory_space<vmem>>
      %dma_start3A_159 = tpu.memref_squeeze %dma_start3A_158 : memref<1x40x256xf32, #tpu.memory_space<vmem>> -> memref<40x256xf32, #tpu.memory_space<vmem>>
      %dma_start3A_160 = tpu.memref_slice %arg7[%mul3A_154] : memref<5000xi32, #tpu.memory_space<vmem>> -> memref<40xi32, #tpu.memory_space<vmem>>
      %dma_start3A_161 = arith.constant 0 : i32
      %dma_start3A_162 = arith.constant 0 : i32
      %dma_start3A_163 = tpu.memref_slice %arg2[%dma_start3A_161, %dma_start3A_162] : memref<10000x256xf32, #tpu.memory_space<hbm>> -> memref<10000x256xf32, #tpu.memory_space<hbm>>
      tpu.enqueue_indirect_dma source(%dma_start3A_163 : memref<10000x256xf32, #tpu.memory_space<hbm>>) target(%dma_start3A_159 : memref<40x256xf32, #tpu.memory_space<vmem>>) offsets(%dma_start3A_160 : memref<40xi32, #tpu.memory_space<vmem>>) semaphore(%arg12 : memref<!tpu.dma_semaphore, #tpu.memory_space<semaphore_mem>>)
      %mul3A_164 = arith.constant 40 : i32
      %mul3A_165 = arith.muli %add3A_152, %mul3A_164 : i32
      %dma_start3A_166 = arith.constant 1 : i32
      %dma_start3A_167 = arith.constant 0 : i32
      %dma_start3A_168 = arith.constant 0 : i32
      %dma_start3A_169 = tpu.memref_slice %arg10[%dma_start3A_166, %dma_start3A_167, %dma_start3A_168] : memref<2x40x256xf32, #tpu.memory_space<vmem>> -> memref<1x40x256xf32, #tpu.memory_space<vmem>>
      %dma_start3A_170 = tpu.memref_squeeze %dma_start3A_169 : memref<1x40x256xf32, #tpu.memory_space<vmem>> -> memref<40x256xf32, #tpu.memory_space<vmem>>
      %dma_start3A_171 = tpu.memref_slice %arg8[%mul3A_165] : memref<5000xi32, #tpu.memory_space<vmem>> -> memref<40xi32, #tpu.memory_space<vmem>>
      %dma_start3A_172 = arith.constant 0 : i32
      %dma_start3A_173 = arith.constant 0 : i32
      %dma_start3A_174 = tpu.memref_slice %arg2[%dma_start3A_172, %dma_start3A_173] : memref<10000x256xf32, #tpu.memory_space<hbm>> -> memref<10000x256xf32, #tpu.memory_space<hbm>>
      tpu.enqueue_indirect_dma source(%dma_start3A_174 : memref<10000x256xf32, #tpu.memory_space<hbm>>) target(%dma_start3A_170 : memref<40x256xf32, #tpu.memory_space<vmem>>) offsets(%dma_start3A_171 : memref<40xi32, #tpu.memory_space<vmem>>) semaphore(%arg12 : memref<!tpu.dma_semaphore, #tpu.memory_space<semaphore_mem>>)
      %dma_wait3A_175 = arith.constant 0 : i32
      %dma_wait3A_176 = arith.constant 0 : i32
      %dma_wait3A_177 = arith.constant 0 : i32
      %dma_wait3A_178 = tpu.memref_slice %arg9[%dma_wait3A_175, %dma_wait3A_176, %dma_wait3A_177] : memref<2x40x256xf32, #tpu.memory_space<vmem>> -> memref<1x40x256xf32, #tpu.memory_space<vmem>>
      %dma_wait3A_179 = tpu.memref_squeeze %dma_wait3A_178 : memref<1x40x256xf32, #tpu.memory_space<vmem>> -> memref<40x256xf32, #tpu.memory_space<vmem>>
      %dma_wait3A_180 = arith.constant 0 : i32
      %dma_wait3A_181 = arith.constant 0 : i32
      %dma_wait3A_182 = tpu.memref_slice %arg2[%dma_wait3A_180, %dma_wait3A_181] : memref<10000x256xf32, #tpu.memory_space<hbm>> -> memref<40x256xf32, #tpu.memory_space<hbm>>
      %dma_wait3A_183 = arith.constant 0 : i32
      %dma_wait3A_184 = arith.constant 0 : i32
      %dma_wait3A_185 = tpu.memref_slice %arg9[%dma_wait3A_175, %dma_wait3A_183, %dma_wait3A_184] : memref<2x40x256xf32, #tpu.memory_space<vmem>> -> memref<1x40x256xf32, #tpu.memory_space<vmem>>
      %dma_wait3A_186 = tpu.memref_squeeze %dma_wait3A_185 : memref<1x40x256xf32, #tpu.memory_space<vmem>> -> memref<40x256xf32, #tpu.memory_space<vmem>>
      %dma_wait3A_187 = arith.constant 0 : i32
      %dma_wait3A_188 = arith.constant 0 : i32
      %dma_wait3A_189 = tpu.memref_slice %arg2[%dma_wait3A_187, %dma_wait3A_188] : memref<10000x256xf32, #tpu.memory_space<hbm>> -> memref<40x256xf32, #tpu.memory_space<hbm>>
      tpu.wait_dma2 semaphore(%arg11 : memref<!tpu.dma_semaphore, #tpu.memory_space<semaphore_mem>>) src(%dma_wait3A_189 : memref<40x256xf32, #tpu.memory_space<hbm>>) dst(%dma_wait3A_186 : memref<40x256xf32, #tpu.memory_space<vmem>>)
      %dma_wait3A_190 = arith.constant 0 : i32
      %dma_wait3A_191 = arith.constant 0 : i32
      %dma_wait3A_192 = arith.constant 0 : i32
      %dma_wait3A_193 = tpu.memref_slice %arg10[%dma_wait3A_190, %dma_wait3A_191, %dma_wait3A_192] : memref<2x40x256xf32, #tpu.memory_space<vmem>> -> memref<1x40x256xf32, #tpu.memory_space<vmem>>
      %dma_wait3A_194 = tpu.memref_squeeze %dma_wait3A_193 : memref<1x40x256xf32, #tpu.memory_space<vmem>> -> memref<40x256xf32, #tpu.memory_space<vmem>>
      %dma_wait3A_195 = arith.constant 0 : i32
      %dma_wait3A_196 = arith.constant 0 : i32
      %dma_wait3A_197 = tpu.memref_slice %arg2[%dma_wait3A_195, %dma_wait3A_196] : memref<10000x256xf32, #tpu.memory_space<hbm>> -> memref<40x256xf32, #tpu.memory_space<hbm>>
      %dma_wait3A_198 = arith.constant 0 : i32
      %dma_wait3A_199 = arith.constant 0 : i32
      %dma_wait3A_200 = tpu.memref_slice %arg10[%dma_wait3A_190, %dma_wait3A_198, %dma_wait3A_199] : memref<2x40x256xf32, #tpu.memory_space<vmem>> -> memref<1x40x256xf32, #tpu.memory_space<vmem>>
      %dma_wait3A_201 = tpu.memref_squeeze %dma_wait3A_200 : memref<1x40x256xf32, #tpu.memory_space<vmem>> -> memref<40x256xf32, #tpu.memory_space<vmem>>
      %dma_wait3A_202 = arith.constant 0 : i32
      %dma_wait3A_203 = arith.constant 0 : i32
      %dma_wait3A_204 = tpu.memref_slice %arg2[%dma_wait3A_202, %dma_wait3A_203] : memref<10000x256xf32, #tpu.memory_space<hbm>> -> memref<40x256xf32, #tpu.memory_space<hbm>>
      tpu.wait_dma2 semaphore(%arg11 : memref<!tpu.dma_semaphore, #tpu.memory_space<semaphore_mem>>) src(%dma_wait3A_204 : memref<40x256xf32, #tpu.memory_space<hbm>>) dst(%dma_wait3A_201 : memref<40x256xf32, #tpu.memory_space<vmem>>)
      %mul3A_205 = arith.constant 40 : i32
      %mul3A_206 = arith.muli %add3A_148, %mul3A_205 : i32
      %add3A_207 = arith.addi %mul3A_2, %mul3A_206 : i32
      %dma_start3A_208 = arith.constant 0 : i32
      %dma_start3A_209 = arith.constant 0 : i32
      %dma_start3A_210 = arith.constant 0 : i32
      %dma_start3A_211 = tpu.memref_slice %arg9[%dma_start3A_208, %dma_start3A_209, %dma_start3A_210] : memref<2x40x256xf32, #tpu.memory_space<vmem>> -> memref<1x40x256xf32, #tpu.memory_space<vmem>>
      %dma_start3A_212 = tpu.memref_squeeze %dma_start3A_211 : memref<1x40x256xf32, #tpu.memory_space<vmem>> -> memref<40x256xf32, #tpu.memory_space<vmem>>
      %dma_start3A_213 = arith.constant 0 : i32
      %dma_start3A_214 = tpu.memref_slice %arg5[%add3A_207, %dma_start3A_213] : memref<160000x256xf32, #tpu.memory_space<hbm>> -> memref<40x256xf32, #tpu.memory_space<hbm>>
      %dma_start3A_215 = arith.constant 0 : i32
      %dma_start3A_216 = tpu.memref_slice %arg5[%add3A_207, %dma_start3A_215] : memref<160000x256xf32, #tpu.memory_space<hbm>> -> memref<40x256xf32, #tpu.memory_space<hbm>>
      %dma_start3A_217 = arith.constant 0 : i32
      %dma_start3A_218 = arith.constant 0 : i32
      %dma_start3A_219 = tpu.memref_slice %arg9[%dma_start3A_208, %dma_start3A_217, %dma_start3A_218] : memref<2x40x256xf32, #tpu.memory_space<vmem>> -> memref<1x40x256xf32, #tpu.memory_space<vmem>>
      %dma_start3A_220 = tpu.memref_squeeze %dma_start3A_219 : memref<1x40x256xf32, #tpu.memory_space<vmem>> -> memref<40x256xf32, #tpu.memory_space<vmem>>
      tpu.enqueue_dma source(%dma_start3A_220 : memref<40x256xf32, #tpu.memory_space<vmem>>) target(%dma_start3A_216 : memref<40x256xf32, #tpu.memory_space<hbm>>) target_semaphore(%arg13 : memref<!tpu.dma_semaphore, #tpu.memory_space<semaphore_mem>>)
      %dma_start3A_221 = arith.constant 0 : i32
      %dma_start3A_222 = arith.constant 0 : i32
      %dma_start3A_223 = arith.constant 0 : i32
      %dma_start3A_224 = tpu.memref_slice %arg10[%dma_start3A_221, %dma_start3A_222, %dma_start3A_223] : memref<2x40x256xf32, #tpu.memory_space<vmem>> -> memref<1x40x256xf32, #tpu.memory_space<vmem>>
      %dma_start3A_225 = tpu.memref_squeeze %dma_start3A_224 : memref<1x40x256xf32, #tpu.memory_space<vmem>> -> memref<40x256xf32, #tpu.memory_space<vmem>>
      %dma_start3A_226 = arith.constant 0 : i32
      %dma_start3A_227 = tpu.memref_slice %arg6[%add3A_207, %dma_start3A_226] : memref<160000x256xf32, #tpu.memory_space<hbm>> -> memref<40x256xf32, #tpu.memory_space<hbm>>
      %dma_start3A_228 = arith.constant 0 : i32
      %dma_start3A_229 = tpu.memref_slice %arg6[%add3A_207, %dma_start3A_228] : memref<160000x256xf32, #tpu.memory_space<hbm>> -> memref<40x256xf32, #tpu.memory_space<hbm>>
      %dma_start3A_230 = arith.constant 0 : i32
      %dma_start3A_231 = arith.constant 0 : i32
      %dma_start3A_232 = tpu.memref_slice %arg10[%dma_start3A_221, %dma_start3A_230, %dma_start3A_231] : memref<2x40x256xf32, #tpu.memory_space<vmem>> -> memref<1x40x256xf32, #tpu.memory_space<vmem>>
      %dma_start3A_233 = tpu.memref_squeeze %dma_start3A_232 : memref<1x40x256xf32, #tpu.memory_space<vmem>> -> memref<40x256xf32, #tpu.memory_space<vmem>>
      tpu.enqueue_dma source(%dma_start3A_233 : memref<40x256xf32, #tpu.memory_space<vmem>>) target(%dma_start3A_229 : memref<40x256xf32, #tpu.memory_space<hbm>>) target_semaphore(%arg13 : memref<!tpu.dma_semaphore, #tpu.memory_space<semaphore_mem>>)
      %mul3A_234 = arith.constant 2 : i32
      %mul3A_235 = arith.muli %scan3A_144, %mul3A_234 : i32
      %add3A_236 = arith.constant 1 : i32
      %add3A_237 = arith.addi %mul3A_235, %add3A_236 : i32
      %gt3A_238 = arith.constant 0 : i32
      %gt3A_239 = arith.cmpi sgt, %add3A_237, %gt3A_238 : i32
      %convert_element_type3A_240 = arith.extui %gt3A_239 : i1 to i32
      %cond3A_241 = arith.constant 0 : i32
      %cond3A_242 = arith.cmpi ne, %convert_element_type3A_240, %cond3A_241 : i32
      scf.if %cond3A_242 {
        %dma_wait3A_326 = arith.constant 0 : i32
        %dma_wait3A_327 = arith.constant 0 : i32
        %dma_wait3A_328 = arith.constant 0 : i32
        %dma_wait3A_329 = tpu.memref_slice %arg9[%dma_wait3A_326, %dma_wait3A_327, %dma_wait3A_328] : memref<2x40x256xf32, #tpu.memory_space<vmem>> -> memref<1x40x256xf32, #tpu.memory_space<vmem>>
        %dma_wait3A_330 = tpu.memref_squeeze %dma_wait3A_329 : memref<1x40x256xf32, #tpu.memory_space<vmem>> -> memref<40x256xf32, #tpu.memory_space<vmem>>
        %dma_wait3A_331 = arith.constant 0 : i32
        %dma_wait3A_332 = arith.constant 0 : i32
        %dma_wait3A_333 = tpu.memref_slice %arg5[%dma_wait3A_331, %dma_wait3A_332] : memref<160000x256xf32, #tpu.memory_space<hbm>> -> memref<40x256xf32, #tpu.memory_space<hbm>>
        %dma_wait3A_334 = arith.constant 0 : i32
        %dma_wait3A_335 = arith.constant 0 : i32
        %dma_wait3A_336 = tpu.memref_slice %arg9[%dma_wait3A_326, %dma_wait3A_334, %dma_wait3A_335] : memref<2x40x256xf32, #tpu.memory_space<vmem>> -> memref<1x40x256xf32, #tpu.memory_space<vmem>>
        %dma_wait3A_337 = tpu.memref_squeeze %dma_wait3A_336 : memref<1x40x256xf32, #tpu.memory_space<vmem>> -> memref<40x256xf32, #tpu.memory_space<vmem>>
        %dma_wait3A_338 = arith.constant 0 : i32
        %dma_wait3A_339 = arith.constant 0 : i32
        %dma_wait3A_340 = tpu.memref_slice %arg5[%dma_wait3A_338, %dma_wait3A_339] : memref<160000x256xf32, #tpu.memory_space<hbm>> -> memref<40x256xf32, #tpu.memory_space<hbm>>
        tpu.wait_dma2 semaphore(%arg13 : memref<!tpu.dma_semaphore, #tpu.memory_space<semaphore_mem>>) src(%dma_wait3A_340 : memref<40x256xf32, #tpu.memory_space<hbm>>) dst(%dma_wait3A_337 : memref<40x256xf32, #tpu.memory_space<vmem>>)
        %dma_wait3A_341 = arith.constant 0 : i32
        %dma_wait3A_342 = arith.constant 0 : i32
        %dma_wait3A_343 = arith.constant 0 : i32
        %dma_wait3A_344 = tpu.memref_slice %arg10[%dma_wait3A_341, %dma_wait3A_342, %dma_wait3A_343] : memref<2x40x256xf32, #tpu.memory_space<vmem>> -> memref<1x40x256xf32, #tpu.memory_space<vmem>>
        %dma_wait3A_345 = tpu.memref_squeeze %dma_wait3A_344 : memref<1x40x256xf32, #tpu.memory_space<vmem>> -> memref<40x256xf32, #tpu.memory_space<vmem>>
        %dma_wait3A_346 = arith.constant 0 : i32
        %dma_wait3A_347 = arith.constant 0 : i32
        %dma_wait3A_348 = tpu.memref_slice %arg5[%dma_wait3A_346, %dma_wait3A_347] : memref<160000x256xf32, #tpu.memory_space<hbm>> -> memref<40x256xf32, #tpu.memory_space<hbm>>
        %dma_wait3A_349 = arith.constant 0 : i32
        %dma_wait3A_350 = arith.constant 0 : i32
        %dma_wait3A_351 = tpu.memref_slice %arg10[%dma_wait3A_341, %dma_wait3A_349, %dma_wait3A_350] : memref<2x40x256xf32, #tpu.memory_space<vmem>> -> memref<1x40x256xf32, #tpu.memory_space<vmem>>
        %dma_wait3A_352 = tpu.memref_squeeze %dma_wait3A_351 : memref<1x40x256xf32, #tpu.memory_space<vmem>> -> memref<40x256xf32, #tpu.memory_space<vmem>>
        %dma_wait3A_353 = arith.constant 0 : i32
        %dma_wait3A_354 = arith.constant 0 : i32
        %dma_wait3A_355 = tpu.memref_slice %arg5[%dma_wait3A_353, %dma_wait3A_354] : memref<160000x256xf32, #tpu.memory_space<hbm>> -> memref<40x256xf32, #tpu.memory_space<hbm>>
        tpu.wait_dma2 semaphore(%arg13 : memref<!tpu.dma_semaphore, #tpu.memory_space<semaphore_mem>>) src(%dma_wait3A_355 : memref<40x256xf32, #tpu.memory_space<hbm>>) dst(%dma_wait3A_352 : memref<40x256xf32, #tpu.memory_space<vmem>>)
      } else {
      }
      %add3A_243 = arith.constant 1 : i32
      %add3A_244 = arith.addi %add3A_237, %add3A_243 : i32
      %mul3A_245 = arith.constant 40 : i32
      %mul3A_246 = arith.muli %add3A_244, %mul3A_245 : i32
      %dma_start3A_247 = arith.constant 0 : i32
      %dma_start3A_248 = arith.constant 0 : i32
      %dma_start3A_249 = arith.constant 0 : i32
      %dma_start3A_250 = tpu.memref_slice %arg9[%dma_start3A_247, %dma_start3A_248, %dma_start3A_249] : memref<2x40x256xf32, #tpu.memory_space<vmem>> -> memref<1x40x256xf32, #tpu.memory_space<vmem>>
      %dma_start3A_251 = tpu.memref_squeeze %dma_start3A_250 : memref<1x40x256xf32, #tpu.memory_space<vmem>> -> memref<40x256xf32, #tpu.memory_space<vmem>>
      %dma_start3A_252 = tpu.memref_slice %arg7[%mul3A_246] : memref<5000xi32, #tpu.memory_space<vmem>> -> memref<40xi32, #tpu.memory_space<vmem>>
      %dma_start3A_253 = arith.constant 0 : i32
      %dma_start3A_254 = arith.constant 0 : i32
      %dma_start3A_255 = tpu.memref_slice %arg2[%dma_start3A_253, %dma_start3A_254] : memref<10000x256xf32, #tpu.memory_space<hbm>> -> memref<10000x256xf32, #tpu.memory_space<hbm>>
      tpu.enqueue_indirect_dma source(%dma_start3A_255 : memref<10000x256xf32, #tpu.memory_space<hbm>>) target(%dma_start3A_251 : memref<40x256xf32, #tpu.memory_space<vmem>>) offsets(%dma_start3A_252 : memref<40xi32, #tpu.memory_space<vmem>>) semaphore(%arg11 : memref<!tpu.dma_semaphore, #tpu.memory_space<semaphore_mem>>)
      %mul3A_256 = arith.constant 40 : i32
      %mul3A_257 = arith.muli %add3A_244, %mul3A_256 : i32
      %dma_start3A_258 = arith.constant 0 : i32
      %dma_start3A_259 = arith.constant 0 : i32
      %dma_start3A_260 = arith.constant 0 : i32
      %dma_start3A_261 = tpu.memref_slice %arg10[%dma_start3A_258, %dma_start3A_259, %dma_start3A_260] : memref<2x40x256xf32, #tpu.memory_space<vmem>> -> memref<1x40x256xf32, #tpu.memory_space<vmem>>
      %dma_start3A_262 = tpu.memref_squeeze %dma_start3A_261 : memref<1x40x256xf32, #tpu.memory_space<vmem>> -> memref<40x256xf32, #tpu.memory_space<vmem>>
      %dma_start3A_263 = tpu.memref_slice %arg8[%mul3A_257] : memref<5000xi32, #tpu.memory_space<vmem>> -> memref<40xi32, #tpu.memory_space<vmem>>
      %dma_start3A_264 = arith.constant 0 : i32
      %dma_start3A_265 = arith.constant 0 : i32
      %dma_start3A_266 = tpu.memref_slice %arg2[%dma_start3A_264, %dma_start3A_265] : memref<10000x256xf32, #tpu.memory_space<hbm>> -> memref<10000x256xf32, #tpu.memory_space<hbm>>
      tpu.enqueue_indirect_dma source(%dma_start3A_266 : memref<10000x256xf32, #tpu.memory_space<hbm>>) target(%dma_start3A_262 : memref<40x256xf32, #tpu.memory_space<vmem>>) offsets(%dma_start3A_263 : memref<40xi32, #tpu.memory_space<vmem>>) semaphore(%arg11 : memref<!tpu.dma_semaphore, #tpu.memory_space<semaphore_mem>>)
      %dma_wait3A_267 = arith.constant 1 : i32
      %dma_wait3A_268 = arith.constant 0 : i32
      %dma_wait3A_269 = arith.constant 0 : i32
      %dma_wait3A_270 = tpu.memref_slice %arg9[%dma_wait3A_267, %dma_wait3A_268, %dma_wait3A_269] : memref<2x40x256xf32, #tpu.memory_space<vmem>> -> memref<1x40x256xf32, #tpu.memory_space<vmem>>
      %dma_wait3A_271 = tpu.memref_squeeze %dma_wait3A_270 : memref<1x40x256xf32, #tpu.memory_space<vmem>> -> memref<40x256xf32, #tpu.memory_space<vmem>>
      %dma_wait3A_272 = arith.constant 0 : i32
      %dma_wait3A_273 = arith.constant 0 : i32
      %dma_wait3A_274 = tpu.memref_slice %arg2[%dma_wait3A_272, %dma_wait3A_273] : memref<10000x256xf32, #tpu.memory_space<hbm>> -> memref<40x256xf32, #tpu.memory_space<hbm>>
      %dma_wait3A_275 = arith.constant 0 : i32
      %dma_wait3A_276 = arith.constant 0 : i32
      %dma_wait3A_277 = tpu.memref_slice %arg9[%dma_wait3A_267, %dma_wait3A_275, %dma_wait3A_276] : memref<2x40x256xf32, #tpu.memory_space<vmem>> -> memref<1x40x256xf32, #tpu.memory_space<vmem>>
      %dma_wait3A_278 = tpu.memref_squeeze %dma_wait3A_277 : memref<1x40x256xf32, #tpu.memory_space<vmem>> -> memref<40x256xf32, #tpu.memory_space<vmem>>
      %dma_wait3A_279 = arith.constant 0 : i32
      %dma_wait3A_280 = arith.constant 0 : i32
      %dma_wait3A_281 = tpu.memref_slice %arg2[%dma_wait3A_279, %dma_wait3A_280] : memref<10000x256xf32, #tpu.memory_space<hbm>> -> memref<40x256xf32, #tpu.memory_space<hbm>>
      tpu.wait_dma2 semaphore(%arg12 : memref<!tpu.dma_semaphore, #tpu.memory_space<semaphore_mem>>) src(%dma_wait3A_281 : memref<40x256xf32, #tpu.memory_space<hbm>>) dst(%dma_wait3A_278 : memref<40x256xf32, #tpu.memory_space<vmem>>)
      %dma_wait3A_282 = arith.constant 1 : i32
      %dma_wait3A_283 = arith.constant 0 : i32
      %dma_wait3A_284 = arith.constant 0 : i32
      %dma_wait3A_285 = tpu.memref_slice %arg10[%dma_wait3A_282, %dma_wait3A_283, %dma_wait3A_284] : memref<2x40x256xf32, #tpu.memory_space<vmem>> -> memref<1x40x256xf32, #tpu.memory_space<vmem>>
      %dma_wait3A_286 = tpu.memref_squeeze %dma_wait3A_285 : memref<1x40x256xf32, #tpu.memory_space<vmem>> -> memref<40x256xf32, #tpu.memory_space<vmem>>
      %dma_wait3A_287 = arith.constant 0 : i32
      %dma_wait3A_288 = arith.constant 0 : i32
      %dma_wait3A_289 = tpu.memref_slice %arg2[%dma_wait3A_287, %dma_wait3A_288] : memref<10000x256xf32, #tpu.memory_space<hbm>> -> memref<40x256xf32, #tpu.memory_space<hbm>>
      %dma_wait3A_290 = arith.constant 0 : i32
      %dma_wait3A_291 = arith.constant 0 : i32
      %dma_wait3A_292 = tpu.memref_slice %arg10[%dma_wait3A_282, %dma_wait3A_290, %dma_wait3A_291] : memref<2x40x256xf32, #tpu.memory_space<vmem>> -> memref<1x40x256xf32, #tpu.memory_space<vmem>>
      %dma_wait3A_293 = tpu.memref_squeeze %dma_wait3A_292 : memref<1x40x256xf32, #tpu.memory_space<vmem>> -> memref<40x256xf32, #tpu.memory_space<vmem>>
      %dma_wait3A_294 = arith.constant 0 : i32
      %dma_wait3A_295 = arith.constant 0 : i32
      %dma_wait3A_296 = tpu.memref_slice %arg2[%dma_wait3A_294, %dma_wait3A_295] : memref<10000x256xf32, #tpu.memory_space<hbm>> -> memref<40x256xf32, #tpu.memory_space<hbm>>
      tpu.wait_dma2 semaphore(%arg12 : memref<!tpu.dma_semaphore, #tpu.memory_space<semaphore_mem>>) src(%dma_wait3A_296 : memref<40x256xf32, #tpu.memory_space<hbm>>) dst(%dma_wait3A_293 : memref<40x256xf32, #tpu.memory_space<vmem>>)
      %mul3A_297 = arith.constant 40 : i32
      %mul3A_298 = arith.muli %add3A_237, %mul3A_297 : i32
      %add3A_299 = arith.addi %mul3A_2, %mul3A_298 : i32
      %dma_start3A_300 = arith.constant 1 : i32
      %dma_start3A_301 = arith.constant 0 : i32
      %dma_start3A_302 = arith.constant 0 : i32
      %dma_start3A_303 = tpu.memref_slice %arg9[%dma_start3A_300, %dma_start3A_301, %dma_start3A_302] : memref<2x40x256xf32, #tpu.memory_space<vmem>> -> memref<1x40x256xf32, #tpu.memory_space<vmem>>
      %dma_start3A_304 = tpu.memref_squeeze %dma_start3A_303 : memref<1x40x256xf32, #tpu.memory_space<vmem>> -> memref<40x256xf32, #tpu.memory_space<vmem>>
      %dma_start3A_305 = arith.constant 0 : i32
      %dma_start3A_306 = tpu.memref_slice %arg5[%add3A_299, %dma_start3A_305] : memref<160000x256xf32, #tpu.memory_space<hbm>> -> memref<40x256xf32, #tpu.memory_space<hbm>>
      %dma_start3A_307 = arith.constant 0 : i32
      %dma_start3A_308 = tpu.memref_slice %arg5[%add3A_299, %dma_start3A_307] : memref<160000x256xf32, #tpu.memory_space<hbm>> -> memref<40x256xf32, #tpu.memory_space<hbm>>
      %dma_start3A_309 = arith.constant 0 : i32
      %dma_start3A_310 = arith.constant 0 : i32
      %dma_start3A_311 = tpu.memref_slice %arg9[%dma_start3A_300, %dma_start3A_309, %dma_start3A_310] : memref<2x40x256xf32, #tpu.memory_space<vmem>> -> memref<1x40x256xf32, #tpu.memory_space<vmem>>
      %dma_start3A_312 = tpu.memref_squeeze %dma_start3A_311 : memref<1x40x256xf32, #tpu.memory_space<vmem>> -> memref<40x256xf32, #tpu.memory_space<vmem>>
      tpu.enqueue_dma source(%dma_start3A_312 : memref<40x256xf32, #tpu.memory_space<vmem>>) target(%dma_start3A_308 : memref<40x256xf32, #tpu.memory_space<hbm>>) target_semaphore(%arg14 : memref<!tpu.dma_semaphore, #tpu.memory_space<semaphore_mem>>)
      %dma_start3A_313 = arith.constant 1 : i32
      %dma_start3A_314 = arith.constant 0 : i32
      %dma_start3A_315 = arith.constant 0 : i32
      %dma_start3A_316 = tpu.memref_slice %arg10[%dma_start3A_313, %dma_start3A_314, %dma_start3A_315] : memref<2x40x256xf32, #tpu.memory_space<vmem>> -> memref<1x40x256xf32, #tpu.memory_space<vmem>>
      %dma_start3A_317 = tpu.memref_squeeze %dma_start3A_316 : memref<1x40x256xf32, #tpu.memory_space<vmem>> -> memref<40x256xf32, #tpu.memory_space<vmem>>
      %dma_start3A_318 = arith.constant 0 : i32
      %dma_start3A_319 = tpu.memref_slice %arg6[%add3A_299, %dma_start3A_318] : memref<160000x256xf32, #tpu.memory_space<hbm>> -> memref<40x256xf32, #tpu.memory_space<hbm>>
      %dma_start3A_320 = arith.constant 0 : i32
      %dma_start3A_321 = tpu.memref_slice %arg6[%add3A_299, %dma_start3A_320] : memref<160000x256xf32, #tpu.memory_space<hbm>> -> memref<40x256xf32, #tpu.memory_space<hbm>>
      %dma_start3A_322 = arith.constant 0 : i32
      %dma_start3A_323 = arith.constant 0 : i32
      %dma_start3A_324 = tpu.memref_slice %arg10[%dma_start3A_313, %dma_start3A_322, %dma_start3A_323] : memref<2x40x256xf32, #tpu.memory_space<vmem>> -> memref<1x40x256xf32, #tpu.memory_space<vmem>>
      %dma_start3A_325 = tpu.memref_squeeze %dma_start3A_324 : memref<1x40x256xf32, #tpu.memory_space<vmem>> -> memref<40x256xf32, #tpu.memory_space<vmem>>
      tpu.enqueue_dma source(%dma_start3A_325 : memref<40x256xf32, #tpu.memory_space<vmem>>) target(%dma_start3A_321 : memref<40x256xf32, #tpu.memory_space<hbm>>) target_semaphore(%arg14 : memref<!tpu.dma_semaphore, #tpu.memory_space<semaphore_mem>>)
    }
    %scan3A_26 = arith.constant 62 : i32
    %dma_wait3A = arith.constant 0 : i32
    %dma_wait3A_27 = arith.constant 0 : i32
    %dma_wait3A_28 = arith.constant 0 : i32
    %dma_wait3A_29 = tpu.memref_slice %arg9[%dma_wait3A, %dma_wait3A_27, %dma_wait3A_28] : memref<2x40x256xf32, #tpu.memory_space<vmem>> -> memref<1x40x256xf32, #tpu.memory_space<vmem>>
    %dma_wait3A_30 = tpu.memref_squeeze %dma_wait3A_29 : memref<1x40x256xf32, #tpu.memory_space<vmem>> -> memref<40x256xf32, #tpu.memory_space<vmem>>
    %dma_wait3A_31 = arith.constant 0 : i32
    %dma_wait3A_32 = arith.constant 0 : i32
    %dma_wait3A_33 = tpu.memref_slice %arg2[%dma_wait3A_31, %dma_wait3A_32] : memref<10000x256xf32, #tpu.memory_space<hbm>> -> memref<40x256xf32, #tpu.memory_space<hbm>>
    %dma_wait3A_34 = arith.constant 0 : i32
    %dma_wait3A_35 = arith.constant 0 : i32
    %dma_wait3A_36 = tpu.memref_slice %arg9[%dma_wait3A, %dma_wait3A_34, %dma_wait3A_35] : memref<2x40x256xf32, #tpu.memory_space<vmem>> -> memref<1x40x256xf32, #tpu.memory_space<vmem>>
    %dma_wait3A_37 = tpu.memref_squeeze %dma_wait3A_36 : memref<1x40x256xf32, #tpu.memory_space<vmem>> -> memref<40x256xf32, #tpu.memory_space<vmem>>
    %dma_wait3A_38 = arith.constant 0 : i32
    %dma_wait3A_39 = arith.constant 0 : i32
    %dma_wait3A_40 = tpu.memref_slice %arg2[%dma_wait3A_38, %dma_wait3A_39] : memref<10000x256xf32, #tpu.memory_space<hbm>> -> memref<40x256xf32, #tpu.memory_space<hbm>>
    tpu.wait_dma2 semaphore(%arg11 : memref<!tpu.dma_semaphore, #tpu.memory_space<semaphore_mem>>) src(%dma_wait3A_40 : memref<40x256xf32, #tpu.memory_space<hbm>>) dst(%dma_wait3A_37 : memref<40x256xf32, #tpu.memory_space<vmem>>)
    %dma_wait3A_41 = arith.constant 0 : i32
    %dma_wait3A_42 = arith.constant 0 : i32
    %dma_wait3A_43 = arith.constant 0 : i32
    %dma_wait3A_44 = tpu.memref_slice %arg10[%dma_wait3A_41, %dma_wait3A_42, %dma_wait3A_43] : memref<2x40x256xf32, #tpu.memory_space<vmem>> -> memref<1x40x256xf32, #tpu.memory_space<vmem>>
    %dma_wait3A_45 = tpu.memref_squeeze %dma_wait3A_44 : memref<1x40x256xf32, #tpu.memory_space<vmem>> -> memref<40x256xf32, #tpu.memory_space<vmem>>
    %dma_wait3A_46 = arith.constant 0 : i32
    %dma_wait3A_47 = arith.constant 0 : i32
    %dma_wait3A_48 = tpu.memref_slice %arg2[%dma_wait3A_46, %dma_wait3A_47] : memref<10000x256xf32, #tpu.memory_space<hbm>> -> memref<40x256xf32, #tpu.memory_space<hbm>>
    %dma_wait3A_49 = arith.constant 0 : i32
    %dma_wait3A_50 = arith.constant 0 : i32
    %dma_wait3A_51 = tpu.memref_slice %arg10[%dma_wait3A_41, %dma_wait3A_49, %dma_wait3A_50] : memref<2x40x256xf32, #tpu.memory_space<vmem>> -> memref<1x40x256xf32, #tpu.memory_space<vmem>>
    %dma_wait3A_52 = tpu.memref_squeeze %dma_wait3A_51 : memref<1x40x256xf32, #tpu.memory_space<vmem>> -> memref<40x256xf32, #tpu.memory_space<vmem>>
    %dma_wait3A_53 = arith.constant 0 : i32
    %dma_wait3A_54 = arith.constant 0 : i32
    %dma_wait3A_55 = tpu.memref_slice %arg2[%dma_wait3A_53, %dma_wait3A_54] : memref<10000x256xf32, #tpu.memory_space<hbm>> -> memref<40x256xf32, #tpu.memory_space<hbm>>
    tpu.wait_dma2 semaphore(%arg11 : memref<!tpu.dma_semaphore, #tpu.memory_space<semaphore_mem>>) src(%dma_wait3A_55 : memref<40x256xf32, #tpu.memory_space<hbm>>) dst(%dma_wait3A_52 : memref<40x256xf32, #tpu.memory_space<vmem>>)
    %add3A_56 = arith.constant 4960 : i32
    %add3A_57 = arith.addi %mul3A_2, %add3A_56 : i32
    %dma_start3A_58 = arith.constant 0 : i32
    %dma_start3A_59 = arith.constant 0 : i32
    %dma_start3A_60 = arith.constant 0 : i32
    %dma_start3A_61 = tpu.memref_slice %arg9[%dma_start3A_58, %dma_start3A_59, %dma_start3A_60] : memref<2x40x256xf32, #tpu.memory_space<vmem>> -> memref<1x40x256xf32, #tpu.memory_space<vmem>>
    %dma_start3A_62 = tpu.memref_squeeze %dma_start3A_61 : memref<1x40x256xf32, #tpu.memory_space<vmem>> -> memref<40x256xf32, #tpu.memory_space<vmem>>
    %dma_start3A_63 = arith.constant 0 : i32
    %dma_start3A_64 = tpu.memref_slice %arg5[%add3A_57, %dma_start3A_63] : memref<160000x256xf32, #tpu.memory_space<hbm>> -> memref<40x256xf32, #tpu.memory_space<hbm>>
    %dma_start3A_65 = arith.constant 0 : i32
    %dma_start3A_66 = tpu.memref_slice %arg5[%add3A_57, %dma_start3A_65] : memref<160000x256xf32, #tpu.memory_space<hbm>> -> memref<40x256xf32, #tpu.memory_space<hbm>>
    %dma_start3A_67 = arith.constant 0 : i32
    %dma_start3A_68 = arith.constant 0 : i32
    %dma_start3A_69 = tpu.memref_slice %arg9[%dma_start3A_58, %dma_start3A_67, %dma_start3A_68] : memref<2x40x256xf32, #tpu.memory_space<vmem>> -> memref<1x40x256xf32, #tpu.memory_space<vmem>>
    %dma_start3A_70 = tpu.memref_squeeze %dma_start3A_69 : memref<1x40x256xf32, #tpu.memory_space<vmem>> -> memref<40x256xf32, #tpu.memory_space<vmem>>
    tpu.enqueue_dma source(%dma_start3A_70 : memref<40x256xf32, #tpu.memory_space<vmem>>) target(%dma_start3A_66 : memref<40x256xf32, #tpu.memory_space<hbm>>) target_semaphore(%arg13 : memref<!tpu.dma_semaphore, #tpu.memory_space<semaphore_mem>>)
    %dma_start3A_71 = arith.constant 0 : i32
    %dma_start3A_72 = arith.constant 0 : i32
    %dma_start3A_73 = arith.constant 0 : i32
    %dma_start3A_74 = tpu.memref_slice %arg10[%dma_start3A_71, %dma_start3A_72, %dma_start3A_73] : memref<2x40x256xf32, #tpu.memory_space<vmem>> -> memref<1x40x256xf32, #tpu.memory_space<vmem>>
    %dma_start3A_75 = tpu.memref_squeeze %dma_start3A_74 : memref<1x40x256xf32, #tpu.memory_space<vmem>> -> memref<40x256xf32, #tpu.memory_space<vmem>>
    %dma_start3A_76 = arith.constant 0 : i32
    %dma_start3A_77 = tpu.memref_slice %arg6[%add3A_57, %dma_start3A_76] : memref<160000x256xf32, #tpu.memory_space<hbm>> -> memref<40x256xf32, #tpu.memory_space<hbm>>
    %dma_start3A_78 = arith.constant 0 : i32
    %dma_start3A_79 = tpu.memref_slice %arg6[%add3A_57, %dma_start3A_78] : memref<160000x256xf32, #tpu.memory_space<hbm>> -> memref<40x256xf32, #tpu.memory_space<hbm>>
    %dma_start3A_80 = arith.constant 0 : i32
    %dma_start3A_81 = arith.constant 0 : i32
    %dma_start3A_82 = tpu.memref_slice %arg10[%dma_start3A_71, %dma_start3A_80, %dma_start3A_81] : memref<2x40x256xf32, #tpu.memory_space<vmem>> -> memref<1x40x256xf32, #tpu.memory_space<vmem>>
    %dma_start3A_83 = tpu.memref_squeeze %dma_start3A_82 : memref<1x40x256xf32, #tpu.memory_space<vmem>> -> memref<40x256xf32, #tpu.memory_space<vmem>>
    tpu.enqueue_dma source(%dma_start3A_83 : memref<40x256xf32, #tpu.memory_space<vmem>>) target(%dma_start3A_79 : memref<40x256xf32, #tpu.memory_space<hbm>>) target_semaphore(%arg13 : memref<!tpu.dma_semaphore, #tpu.memory_space<semaphore_mem>>)
    %dma_wait3A_84 = arith.constant 1 : i32
    %dma_wait3A_85 = arith.constant 0 : i32
    %dma_wait3A_86 = arith.constant 0 : i32
    %dma_wait3A_87 = tpu.memref_slice %arg9[%dma_wait3A_84, %dma_wait3A_85, %dma_wait3A_86] : memref<2x40x256xf32, #tpu.memory_space<vmem>> -> memref<1x40x256xf32, #tpu.memory_space<vmem>>
    %dma_wait3A_88 = tpu.memref_squeeze %dma_wait3A_87 : memref<1x40x256xf32, #tpu.memory_space<vmem>> -> memref<40x256xf32, #tpu.memory_space<vmem>>
    %dma_wait3A_89 = arith.constant 0 : i32
    %dma_wait3A_90 = arith.constant 0 : i32
    %dma_wait3A_91 = tpu.memref_slice %arg5[%dma_wait3A_89, %dma_wait3A_90] : memref<160000x256xf32, #tpu.memory_space<hbm>> -> memref<40x256xf32, #tpu.memory_space<hbm>>
    %dma_wait3A_92 = arith.constant 0 : i32
    %dma_wait3A_93 = arith.constant 0 : i32
    %dma_wait3A_94 = tpu.memref_slice %arg9[%dma_wait3A_84, %dma_wait3A_92, %dma_wait3A_93] : memref<2x40x256xf32, #tpu.memory_space<vmem>> -> memref<1x40x256xf32, #tpu.memory_space<vmem>>
    %dma_wait3A_95 = tpu.memref_squeeze %dma_wait3A_94 : memref<1x40x256xf32, #tpu.memory_space<vmem>> -> memref<40x256xf32, #tpu.memory_space<vmem>>
    %dma_wait3A_96 = arith.constant 0 : i32
    %dma_wait3A_97 = arith.constant 0 : i32
    %dma_wait3A_98 = tpu.memref_slice %arg5[%dma_wait3A_96, %dma_wait3A_97] : memref<160000x256xf32, #tpu.memory_space<hbm>> -> memref<40x256xf32, #tpu.memory_space<hbm>>
    tpu.wait_dma2 semaphore(%arg14 : memref<!tpu.dma_semaphore, #tpu.memory_space<semaphore_mem>>) src(%dma_wait3A_98 : memref<40x256xf32, #tpu.memory_space<hbm>>) dst(%dma_wait3A_95 : memref<40x256xf32, #tpu.memory_space<vmem>>)
    %dma_wait3A_99 = arith.constant 1 : i32
    %dma_wait3A_100 = arith.constant 0 : i32
    %dma_wait3A_101 = arith.constant 0 : i32
    %dma_wait3A_102 = tpu.memref_slice %arg10[%dma_wait3A_99, %dma_wait3A_100, %dma_wait3A_101] : memref<2x40x256xf32, #tpu.memory_space<vmem>> -> memref<1x40x256xf32, #tpu.memory_space<vmem>>
    %dma_wait3A_103 = tpu.memref_squeeze %dma_wait3A_102 : memref<1x40x256xf32, #tpu.memory_space<vmem>> -> memref<40x256xf32, #tpu.memory_space<vmem>>
    %dma_wait3A_104 = arith.constant 0 : i32
    %dma_wait3A_105 = arith.constant 0 : i32
    %dma_wait3A_106 = tpu.memref_slice %arg5[%dma_wait3A_104, %dma_wait3A_105] : memref<160000x256xf32, #tpu.memory_space<hbm>> -> memref<40x256xf32, #tpu.memory_space<hbm>>
    %dma_wait3A_107 = arith.constant 0 : i32
    %dma_wait3A_108 = arith.constant 0 : i32
    %dma_wait3A_109 = tpu.memref_slice %arg10[%dma_wait3A_99, %dma_wait3A_107, %dma_wait3A_108] : memref<2x40x256xf32, #tpu.memory_space<vmem>> -> memref<1x40x256xf32, #tpu.memory_space<vmem>>
    %dma_wait3A_110 = tpu.memref_squeeze %dma_wait3A_109 : memref<1x40x256xf32, #tpu.memory_space<vmem>> -> memref<40x256xf32, #tpu.memory_space<vmem>>
    %dma_wait3A_111 = arith.constant 0 : i32
    %dma_wait3A_112 = arith.constant 0 : i32
    %dma_wait3A_113 = tpu.memref_slice %arg5[%dma_wait3A_111, %dma_wait3A_112] : memref<160000x256xf32, #tpu.memory_space<hbm>> -> memref<40x256xf32, #tpu.memory_space<hbm>>
    tpu.wait_dma2 semaphore(%arg14 : memref<!tpu.dma_semaphore, #tpu.memory_space<semaphore_mem>>) src(%dma_wait3A_113 : memref<40x256xf32, #tpu.memory_space<hbm>>) dst(%dma_wait3A_110 : memref<40x256xf32, #tpu.memory_space<vmem>>)
    %dma_wait3A_114 = arith.constant 0 : i32
    %dma_wait3A_115 = arith.constant 0 : i32
    %dma_wait3A_116 = arith.constant 0 : i32
    %dma_wait3A_117 = tpu.memref_slice %arg9[%dma_wait3A_114, %dma_wait3A_115, %dma_wait3A_116] : memref<2x40x256xf32, #tpu.memory_space<vmem>> -> memref<1x40x256xf32, #tpu.memory_space<vmem>>
    %dma_wait3A_118 = tpu.memref_squeeze %dma_wait3A_117 : memref<1x40x256xf32, #tpu.memory_space<vmem>> -> memref<40x256xf32, #tpu.memory_space<vmem>>
    %dma_wait3A_119 = arith.constant 0 : i32
    %dma_wait3A_120 = arith.constant 0 : i32
    %dma_wait3A_121 = tpu.memref_slice %arg5[%dma_wait3A_119, %dma_wait3A_120] : memref<160000x256xf32, #tpu.memory_space<hbm>> -> memref<40x256xf32, #tpu.memory_space<hbm>>
    %dma_wait3A_122 = arith.constant 0 : i32
    %dma_wait3A_123 = arith.constant 0 : i32
    %dma_wait3A_124 = tpu.memref_slice %arg9[%dma_wait3A_114, %dma_wait3A_122, %dma_wait3A_123] : memref<2x40x256xf32, #tpu.memory_space<vmem>> -> memref<1x40x256xf32, #tpu.memory_space<vmem>>
    %dma_wait3A_125 = tpu.memref_squeeze %dma_wait3A_124 : memref<1x40x256xf32, #tpu.memory_space<vmem>> -> memref<40x256xf32, #tpu.memory_space<vmem>>
    %dma_wait3A_126 = arith.constant 0 : i32
    %dma_wait3A_127 = arith.constant 0 : i32
    %dma_wait3A_128 = tpu.memref_slice %arg5[%dma_wait3A_126, %dma_wait3A_127] : memref<160000x256xf32, #tpu.memory_space<hbm>> -> memref<40x256xf32, #tpu.memory_space<hbm>>
    tpu.wait_dma2 semaphore(%arg13 : memref<!tpu.dma_semaphore, #tpu.memory_space<semaphore_mem>>) src(%dma_wait3A_128 : memref<40x256xf32, #tpu.memory_space<hbm>>) dst(%dma_wait3A_125 : memref<40x256xf32, #tpu.memory_space<vmem>>)
    %dma_wait3A_129 = arith.constant 0 : i32
    %dma_wait3A_130 = arith.constant 0 : i32
    %dma_wait3A_131 = arith.constant 0 : i32
    %dma_wait3A_132 = tpu.memref_slice %arg10[%dma_wait3A_129, %dma_wait3A_130, %dma_wait3A_131] : memref<2x40x256xf32, #tpu.memory_space<vmem>> -> memref<1x40x256xf32, #tpu.memory_space<vmem>>
    %dma_wait3A_133 = tpu.memref_squeeze %dma_wait3A_132 : memref<1x40x256xf32, #tpu.memory_space<vmem>> -> memref<40x256xf32, #tpu.memory_space<vmem>>
    %dma_wait3A_134 = arith.constant 0 : i32
    %dma_wait3A_135 = arith.constant 0 : i32
    %dma_wait3A_136 = tpu.memref_slice %arg5[%dma_wait3A_134, %dma_wait3A_135] : memref<160000x256xf32, #tpu.memory_space<hbm>> -> memref<40x256xf32, #tpu.memory_space<hbm>>
    %dma_wait3A_137 = arith.constant 0 : i32
    %dma_wait3A_138 = arith.constant 0 : i32
    %dma_wait3A_139 = tpu.memref_slice %arg10[%dma_wait3A_129, %dma_wait3A_137, %dma_wait3A_138] : memref<2x40x256xf32, #tpu.memory_space<vmem>> -> memref<1x40x256xf32, #tpu.memory_space<vmem>>
    %dma_wait3A_140 = tpu.memref_squeeze %dma_wait3A_139 : memref<1x40x256xf32, #tpu.memory_space<vmem>> -> memref<40x256xf32, #tpu.memory_space<vmem>>
    %dma_wait3A_141 = arith.constant 0 : i32
    %dma_wait3A_142 = arith.constant 0 : i32
    %dma_wait3A_143 = tpu.memref_slice %arg5[%dma_wait3A_141, %dma_wait3A_142] : memref<160000x256xf32, #tpu.memory_space<hbm>> -> memref<40x256xf32, #tpu.memory_space<hbm>>
    tpu.wait_dma2 semaphore(%arg13 : memref<!tpu.dma_semaphore, #tpu.memory_space<semaphore_mem>>) src(%dma_wait3A_143 : memref<40x256xf32, #tpu.memory_space<hbm>>) dst(%dma_wait3A_140 : memref<40x256xf32, #tpu.memory_space<vmem>>)
    return
  }
}

#map = affine_map<(d0, d1) -> (0)>
module attributes {stable_mosaic.version = 14 : i64} {
  func.func @_edge_score(%arg0: i32, %arg1: i32, %arg2: memref<10000xf32, #tpu.memory_space<hbm>>, %arg3: memref<10000xf32, #tpu.memory_space<hbm>>, %arg4: memref<320000xi32, #tpu.memory_space<hbm>>, %arg5: memref<320000xi32, #tpu.memory_space<hbm>>, %arg6: memref<320000xf32, #tpu.memory_space<hbm>>, %arg7: memref<10000xf32, #tpu.memory_space<vmem>>, %arg8: memref<10000xf32, #tpu.memory_space<vmem>>, %arg9: memref<400xi32, #tpu.memory_space<vmem>>, %arg10: memref<400xi32, #tpu.memory_space<vmem>>, %arg11: memref<400xf32, #tpu.memory_space<vmem>>) attributes {dimension_semantics = [#tpu.dimension_semantics<core_parallel>, #tpu.dimension_semantics<subcore_parallel>], iteration_bounds = array<i64: 2, 16>, scalar_prefetch = 0 : i64, scratch_operands = 5 : i64, tpu.core_type = #tpu.core_type<sc_vector_subcore>, window_params = [{transform_indices = #map}, {transform_indices = #map}, {transform_indices = #map}, {transform_indices = #map}, {transform_indices = #map}]} {
    %mul3A = arith.constant 2 : i32
    %mul3A_0 = arith.muli %arg1, %mul3A : i32
    %add3A = arith.addi %mul3A_0, %arg0 : i32
    %mul3A_1 = arith.constant 10000 : i32
    %mul3A_2 = arith.muli %add3A, %mul3A_1 : i32
    "tpu.region"() ({
      %run_scoped3A = tpu.sem_alloc : memref<!tpu.dma_semaphore, #tpu.memory_space<semaphore_mem>>
      tpu.enqueue_dma source(%arg2 : memref<10000xf32, #tpu.memory_space<hbm>>) target(%arg7 : memref<10000xf32, #tpu.memory_space<vmem>>) target_semaphore(%run_scoped3A : memref<!tpu.dma_semaphore, #tpu.memory_space<semaphore_mem>>)
      tpu.wait_dma2 semaphore(%run_scoped3A : memref<!tpu.dma_semaphore, #tpu.memory_space<semaphore_mem>>) src(%arg2 : memref<10000xf32, #tpu.memory_space<hbm>>) dst(%arg7 : memref<10000xf32, #tpu.memory_space<vmem>>)
      tpu.yield
    }) : () -> ()
    "tpu.region"() ({
      %run_scoped3A = tpu.sem_alloc : memref<!tpu.dma_semaphore, #tpu.memory_space<semaphore_mem>>
      tpu.enqueue_dma source(%arg3 : memref<10000xf32, #tpu.memory_space<hbm>>) target(%arg8 : memref<10000xf32, #tpu.memory_space<vmem>>) target_semaphore(%run_scoped3A : memref<!tpu.dma_semaphore, #tpu.memory_space<semaphore_mem>>)
      tpu.wait_dma2 semaphore(%run_scoped3A : memref<!tpu.dma_semaphore, #tpu.memory_space<semaphore_mem>>) src(%arg3 : memref<10000xf32, #tpu.memory_space<hbm>>) dst(%arg8 : memref<10000xf32, #tpu.memory_space<vmem>>)
      tpu.yield
    }) : () -> ()
    %scan3A = arith.constant 0 : i32
    %scan3A_3 = arith.constant 0 : i32
    %scan3A_4 = arith.constant 25 : i32
    %scan3A_5 = arith.addi %scan3A_3, %scan3A_4 : i32
    %scan3A_6 = arith.constant 1 : i32
    scf.for %scan3A_8 = %scan3A_3 to %scan3A_5 step %scan3A_6  : i32 {
      %mul3A_9 = arith.constant 400 : i32
      %mul3A_10 = arith.muli %scan3A_8, %mul3A_9 : i32
      %add3A_11 = arith.addi %mul3A_2, %mul3A_10 : i32
      "tpu.region"() ({
        %run_scoped3A = tpu.sem_alloc : memref<!tpu.dma_semaphore, #tpu.memory_space<semaphore_mem>>
        %dma_start3A = tpu.memref_slice %arg4[%add3A_11] : memref<320000xi32, #tpu.memory_space<hbm>> -> memref<400xi32, #tpu.memory_space<hbm>>
        %dma_start3A_18 = tpu.memref_slice %arg4[%add3A_11] : memref<320000xi32, #tpu.memory_space<hbm>> -> memref<400xi32, #tpu.memory_space<hbm>>
        tpu.enqueue_dma source(%dma_start3A_18 : memref<400xi32, #tpu.memory_space<hbm>>) target(%arg9 : memref<400xi32, #tpu.memory_space<vmem>>) target_semaphore(%run_scoped3A : memref<!tpu.dma_semaphore, #tpu.memory_space<semaphore_mem>>)
        %dma_wait3A = tpu.memref_slice %arg4[%add3A_11] : memref<320000xi32, #tpu.memory_space<hbm>> -> memref<400xi32, #tpu.memory_space<hbm>>
        %dma_wait3A_19 = tpu.memref_slice %arg4[%add3A_11] : memref<320000xi32, #tpu.memory_space<hbm>> -> memref<400xi32, #tpu.memory_space<hbm>>
        tpu.wait_dma2 semaphore(%run_scoped3A : memref<!tpu.dma_semaphore, #tpu.memory_space<semaphore_mem>>) src(%dma_wait3A_19 : memref<400xi32, #tpu.memory_space<hbm>>) dst(%arg9 : memref<400xi32, #tpu.memory_space<vmem>>)
        tpu.yield
      }) : () -> ()
      "tpu.region"() ({
        %run_scoped3A = tpu.sem_alloc : memref<!tpu.dma_semaphore, #tpu.memory_space<semaphore_mem>>
        %dma_start3A = tpu.memref_slice %arg5[%add3A_11] : memref<320000xi32, #tpu.memory_space<hbm>> -> memref<400xi32, #tpu.memory_space<hbm>>
        %dma_start3A_18 = tpu.memref_slice %arg5[%add3A_11] : memref<320000xi32, #tpu.memory_space<hbm>> -> memref<400xi32, #tpu.memory_space<hbm>>
        tpu.enqueue_dma source(%dma_start3A_18 : memref<400xi32, #tpu.memory_space<hbm>>) target(%arg10 : memref<400xi32, #tpu.memory_space<vmem>>) target_semaphore(%run_scoped3A : memref<!tpu.dma_semaphore, #tpu.memory_space<semaphore_mem>>)
        %dma_wait3A = tpu.memref_slice %arg5[%add3A_11] : memref<320000xi32, #tpu.memory_space<hbm>> -> memref<400xi32, #tpu.memory_space<hbm>>
        %dma_wait3A_19 = tpu.memref_slice %arg5[%add3A_11] : memref<320000xi32, #tpu.memory_space<hbm>> -> memref<400xi32, #tpu.memory_space<hbm>>
        tpu.wait_dma2 semaphore(%run_scoped3A : memref<!tpu.dma_semaphore, #tpu.memory_space<semaphore_mem>>) src(%dma_wait3A_19 : memref<400xi32, #tpu.memory_space<hbm>>) dst(%arg10 : memref<400xi32, #tpu.memory_space<vmem>>)
        tpu.yield
      }) : () -> ()
      %scan3A_12 = arith.constant 0 : i32
      %scan3A_13 = arith.constant 0 : i32
      %scan3A_14 = arith.constant 25 : i32
      %scan3A_15 = arith.addi %scan3A_13, %scan3A_14 : i32
      %scan3A_16 = arith.constant 1 : i32
      scf.for %scan3A_18 = %scan3A_13 to %scan3A_15 step %scan3A_16  : i32 {
        %mul3A_19 = arith.constant 16 : i32
        %mul3A_20 = arith.muli %scan3A_18, %mul3A_19 : i32
        %get3A = arith.index_cast %mul3A_20 : i32 to index
        %get3A_21 = tpu.vector_load %arg9[%get3A] {strides = array<i32>} : memref<400xi32, #tpu.memory_space<vmem>>, vector<16xi32>,
        %gather3A = tpu.vector_load_idx %arg7[%get3A_21] : memref<10000xf32, #tpu.memory_space<vmem>>[vector<16xi32>], vector<16xf32>,
        %get3A_22 = arith.index_cast %mul3A_20 : i32 to index
        %get3A_23 = tpu.vector_load %arg10[%get3A_22] {strides = array<i32>} : memref<400xi32, #tpu.memory_space<vmem>>, vector<16xi32>,
        %gather3A_24 = tpu.vector_load_idx %arg8[%get3A_23] : memref<10000xf32, #tpu.memory_space<vmem>>[vector<16xi32>], vector<16xf32>,
        %add3A_25 = arith.addf %gather3A, %gather3A_24 : vector<16xf32>
        %neg3A = arith.constant 0.000000e+00 : f32
        %neg3A_26 = vector.broadcast %neg3A : f32 to vector<16xf32>
        %neg3A_27 = arith.subf %neg3A_26, %add3A_25 : vector<16xf32>
        %exp3A = math.exp %neg3A_27 : vector<16xf32>
        %add3A_28 = arith.constant 1.000000e+00 : f32
        %add3A_29 = vector.broadcast %add3A_28 : f32 to vector<16xf32>
        %add3A_30 = arith.addf %add3A_29, %exp3A : vector<16xf32>
        %div3A = arith.constant 1.000000e+00 : f32
        %div3A_31 = vector.broadcast %div3A : f32 to vector<16xf32>
        %div3A_32 = arith.divf %div3A_31, %add3A_30 : vector<16xf32>
        %swap3A = arith.index_cast %mul3A_20 : i32 to index
        %swap3A_33 = tpu.vector_load %arg11[%swap3A] {strides = array<i32>} : memref<400xf32, #tpu.memory_space<vmem>>, vector<16xf32>,
        tpu.vector_store %arg11[%swap3A], %div3A_32 {strides = array<i32>} : memref<400xf32, #tpu.memory_space<vmem>>, vector<16xf32>,
      }
      %scan3A_17 = arith.constant 25 : i32
      "tpu.region"() ({
        %run_scoped3A = tpu.sem_alloc : memref<!tpu.dma_semaphore, #tpu.memory_space<semaphore_mem>>
        %dma_start3A = tpu.memref_slice %arg6[%add3A_11] : memref<320000xf32, #tpu.memory_space<hbm>> -> memref<400xf32, #tpu.memory_space<hbm>>
        %dma_start3A_18 = tpu.memref_slice %arg6[%add3A_11] : memref<320000xf32, #tpu.memory_space<hbm>> -> memref<400xf32, #tpu.memory_space<hbm>>
        tpu.enqueue_dma source(%arg11 : memref<400xf32, #tpu.memory_space<vmem>>) target(%dma_start3A_18 : memref<400xf32, #tpu.memory_space<hbm>>) target_semaphore(%run_scoped3A : memref<!tpu.dma_semaphore, #tpu.memory_space<semaphore_mem>>)
        %dma_wait3A = tpu.memref_slice %arg6[%add3A_11] : memref<320000xf32, #tpu.memory_space<hbm>> -> memref<400xf32, #tpu.memory_space<hbm>>
        %dma_wait3A_19 = tpu.memref_slice %arg6[%add3A_11] : memref<320000xf32, #tpu.memory_space<hbm>> -> memref<400xf32, #tpu.memory_space<hbm>>
        tpu.wait_dma2 semaphore(%run_scoped3A : memref<!tpu.dma_semaphore, #tpu.memory_space<semaphore_mem>>) src(%arg11 : memref<400xf32, #tpu.memory_space<vmem>>) dst(%dma_wait3A_19 : memref<400xf32, #tpu.memory_space<hbm>>)
        tpu.yield
      }) : () -> ()
    }
    %scan3A_7 = arith.constant 25 : i32
    return
  }
}

#map = affine_map<(d0, d1) -> (0, 0)>
#map1 = affine_map<(d0, d1) -> (0)>
module attributes {stable_mosaic.version = 14 : i64} {
  func.func @_gather_cat(%arg0: i32, %arg1: i32, %arg2: memref<10000x256xf32, #tpu.memory_space<hbm>>, %arg3: memref<160000xi32, #tpu.memory_space<hbm>>, %arg4: memref<160000xi32, #tpu.memory_space<hbm>>, %arg5: memref<160000x256xf32, #tpu.memory_space<hbm>>, %arg6: memref<160000x256xf32, #tpu.memory_space<hbm>>, %arg7: memref<5000xi32, #tpu.memory_space<vmem>>, %arg8: memref<5000xi32, #tpu.memory_space<vmem>>, %arg9: memref<2x40x256xf32, #tpu.memory_space<vmem>>, %arg10: memref<2x40x256xf32, #tpu.memory_space<vmem>>, %arg11: memref<!tpu.dma_semaphore, #tpu.memory_space<semaphore_mem>>, %arg12: memref<!tpu.dma_semaphore, #tpu.memory_space<semaphore_mem>>, %arg13: memref<!tpu.dma_semaphore, #tpu.memory_space<semaphore_mem>>, %arg14: memref<!tpu.dma_semaphore, #tpu.memory_space<semaphore_mem>>) attributes {dimension_semantics = [#tpu.dimension_semantics<core_parallel>, #tpu.dimension_semantics<subcore_parallel>], iteration_bounds = array<i64: 2, 16>, scalar_prefetch = 0 : i64, scratch_operands = 8 : i64, tpu.core_type = #tpu.core_type<sc_vector_subcore>, window_params = [{transform_indices = #map}, {transform_indices = #map1}, {transform_indices = #map1}, {transform_indices = #map}, {transform_indices = #map}]} {
    %mul3A = arith.constant 2 : i32
    %mul3A_0 = arith.muli %arg1, %mul3A : i32
    %add3A = arith.addi %mul3A_0, %arg0 : i32
    %mul3A_1 = arith.constant 5000 : i32
    %mul3A_2 = arith.muli %add3A, %mul3A_1 : i32
    "tpu.region"() ({
      %run_scoped3A = tpu.sem_alloc : memref<!tpu.dma_semaphore, #tpu.memory_space<semaphore_mem>>
      %dma_start3A_144 = tpu.memref_slice %arg3[%mul3A_2] : memref<160000xi32, #tpu.memory_space<hbm>> -> memref<5000xi32, #tpu.memory_space<hbm>>
      %dma_start3A_145 = tpu.memref_slice %arg3[%mul3A_2] : memref<160000xi32, #tpu.memory_space<hbm>> -> memref<5000xi32, #tpu.memory_space<hbm>>
      tpu.enqueue_dma source(%dma_start3A_145 : memref<5000xi32, #tpu.memory_space<hbm>>) target(%arg7 : memref<5000xi32, #tpu.memory_space<vmem>>) target_semaphore(%run_scoped3A : memref<!tpu.dma_semaphore, #tpu.memory_space<semaphore_mem>>)
      %dma_wait3A_146 = tpu.memref_slice %arg3[%mul3A_2] : memref<160000xi32, #tpu.memory_space<hbm>> -> memref<5000xi32, #tpu.memory_space<hbm>>
      %dma_wait3A_147 = tpu.memref_slice %arg3[%mul3A_2] : memref<160000xi32, #tpu.memory_space<hbm>> -> memref<5000xi32, #tpu.memory_space<hbm>>
      tpu.wait_dma2 semaphore(%run_scoped3A : memref<!tpu.dma_semaphore, #tpu.memory_space<semaphore_mem>>) src(%dma_wait3A_147 : memref<5000xi32, #tpu.memory_space<hbm>>) dst(%arg7 : memref<5000xi32, #tpu.memory_space<vmem>>)
      tpu.yield
    }) : () -> ()
    "tpu.region"() ({
      %run_scoped3A = tpu.sem_alloc : memref<!tpu.dma_semaphore, #tpu.memory_space<semaphore_mem>>
      %dma_start3A_144 = tpu.memref_slice %arg4[%mul3A_2] : memref<160000xi32, #tpu.memory_space<hbm>> -> memref<5000xi32, #tpu.memory_space<hbm>>
      %dma_start3A_145 = tpu.memref_slice %arg4[%mul3A_2] : memref<160000xi32, #tpu.memory_space<hbm>> -> memref<5000xi32, #tpu.memory_space<hbm>>
      tpu.enqueue_dma source(%dma_start3A_145 : memref<5000xi32, #tpu.memory_space<hbm>>) target(%arg8 : memref<5000xi32, #tpu.memory_space<vmem>>) target_semaphore(%run_scoped3A : memref<!tpu.dma_semaphore, #tpu.memory_space<semaphore_mem>>)
      %dma_wait3A_146 = tpu.memref_slice %arg4[%mul3A_2] : memref<160000xi32, #tpu.memory_space<hbm>> -> memref<5000xi32, #tpu.memory_space<hbm>>
      %dma_wait3A_147 = tpu.memref_slice %arg4[%mul3A_2] : memref<160000xi32, #tpu.memory_space<hbm>> -> memref<5000xi32, #tpu.memory_space<hbm>>
      tpu.wait_dma2 semaphore(%run_scoped3A : memref<!tpu.dma_semaphore, #tpu.memory_space<semaphore_mem>>) src(%dma_wait3A_147 : memref<5000xi32, #tpu.memory_space<hbm>>) dst(%arg8 : memref<5000xi32, #tpu.memory_space<vmem>>)
      tpu.yield
    }) : () -> ()
    %dma_start3A = arith.constant 0 : i32
    %dma_start3A_3 = arith.constant 0 : i32
    %dma_start3A_4 = arith.constant 0 : i32
    %dma_start3A_5 = tpu.memref_slice %arg9[%dma_start3A, %dma_start3A_3, %dma_start3A_4] : memref<2x40x256xf32, #tpu.memory_space<vmem>> -> memref<1x40x256xf32, #tpu.memory_space<vmem>>
    %dma_start3A_6 = tpu.memref_squeeze %dma_start3A_5 : memref<1x40x256xf32, #tpu.memory_space<vmem>> -> memref<40x256xf32, #tpu.memory_space<vmem>>
    %dma_start3A_7 = arith.constant 0 : i32
    %dma_start3A_8 = tpu.memref_slice %arg7[%dma_start3A_7] : memref<5000xi32, #tpu.memory_space<vmem>> -> memref<40xi32, #tpu.memory_space<vmem>>
    %dma_start3A_9 = arith.constant 0 : i32
    %dma_start3A_10 = arith.constant 0 : i32
    %dma_start3A_11 = tpu.memref_slice %arg2[%dma_start3A_9, %dma_start3A_10] : memref<10000x256xf32, #tpu.memory_space<hbm>> -> memref<10000x256xf32, #tpu.memory_space<hbm>>
    tpu.enqueue_indirect_dma source(%dma_start3A_11 : memref<10000x256xf32, #tpu.memory_space<hbm>>) target(%dma_start3A_6 : memref<40x256xf32, #tpu.memory_space<vmem>>) offsets(%dma_start3A_8 : memref<40xi32, #tpu.memory_space<vmem>>) semaphore(%arg11 : memref<!tpu.dma_semaphore, #tpu.memory_space<semaphore_mem>>)
    %dma_start3A_12 = arith.constant 0 : i32
    %dma_start3A_13 = arith.constant 0 : i32
    %dma_start3A_14 = arith.constant 0 : i32
    %dma_start3A_15 = tpu.memref_slice %arg10[%dma_start3A_12, %dma_start3A_13, %dma_start3A_14] : memref<2x40x256xf32, #tpu.memory_space<vmem>> -> memref<1x40x256xf32, #tpu.memory_space<vmem>>
    %dma_start3A_16 = tpu.memref_squeeze %dma_start3A_15 : memref<1x40x256xf32, #tpu.memory_space<vmem>> -> memref<40x256xf32, #tpu.memory_space<vmem>>
    %dma_start3A_17 = arith.constant 0 : i32
    %dma_start3A_18 = tpu.memref_slice %arg8[%dma_start3A_17] : memref<5000xi32, #tpu.memory_space<vmem>> -> memref<40xi32, #tpu.memory_space<vmem>>
    %dma_start3A_19 = arith.constant 0 : i32
    %dma_start3A_20 = arith.constant 0 : i32
    %dma_start3A_21 = tpu.memref_slice %arg2[%dma_start3A_19, %dma_start3A_20] : memref<10000x256xf32, #tpu.memory_space<hbm>> -> memref<10000x256xf32, #tpu.memory_space<hbm>>
    tpu.enqueue_indirect_dma source(%dma_start3A_21 : memref<10000x256xf32, #tpu.memory_space<hbm>>) target(%dma_start3A_16 : memref<40x256xf32, #tpu.memory_space<vmem>>) offsets(%dma_start3A_18 : memref<40xi32, #tpu.memory_space<vmem>>) semaphore(%arg11 : memref<!tpu.dma_semaphore, #tpu.memory_space<semaphore_mem>>)
    %scan3A = arith.constant 0 : i32
    %scan3A_22 = arith.constant 0 : i32
    %scan3A_23 = arith.constant 62 : i32
    %scan3A_24 = arith.addi %scan3A_22, %scan3A_23 : i32
    %scan3A_25 = arith.constant 1 : i32
    scf.for %scan3A_144 = %scan3A_22 to %scan3A_24 step %scan3A_25  : i32 {
      %mul3A_145 = arith.constant 2 : i32
      %mul3A_146 = arith.muli %scan3A_144, %mul3A_145 : i32
      %add3A_147 = arith.constant 0 : i32
      %add3A_148 = arith.addi %mul3A_146, %add3A_147 : i32
      %gt3A = arith.constant 0 : i32
      %gt3A_149 = arith.cmpi sgt, %add3A_148, %gt3A : i32
      %convert_element_type3A = arith.extui %gt3A_149 : i1 to i32
      %cond3A = arith.constant 0 : i32
      %cond3A_150 = arith.cmpi ne, %convert_element_type3A, %cond3A : i32
      scf.if %cond3A_150 {
        %dma_wait3A_326 = arith.constant 1 : i32
        %dma_wait3A_327 = arith.constant 0 : i32
        %dma_wait3A_328 = arith.constant 0 : i32
        %dma_wait3A_329 = tpu.memref_slice %arg9[%dma_wait3A_326, %dma_wait3A_327, %dma_wait3A_328] : memref<2x40x256xf32, #tpu.memory_space<vmem>> -> memref<1x40x256xf32, #tpu.memory_space<vmem>>
        %dma_wait3A_330 = tpu.memref_squeeze %dma_wait3A_329 : memref<1x40x256xf32, #tpu.memory_space<vmem>> -> memref<40x256xf32, #tpu.memory_space<vmem>>
        %dma_wait3A_331 = arith.constant 0 : i32
        %dma_wait3A_332 = arith.constant 0 : i32
        %dma_wait3A_333 = tpu.memref_slice %arg5[%dma_wait3A_331, %dma_wait3A_332] : memref<160000x256xf32, #tpu.memory_space<hbm>> -> memref<40x256xf32, #tpu.memory_space<hbm>>
        %dma_wait3A_334 = arith.constant 0 : i32
        %dma_wait3A_335 = arith.constant 0 : i32
        %dma_wait3A_336 = tpu.memref_slice %arg9[%dma_wait3A_326, %dma_wait3A_334, %dma_wait3A_335] : memref<2x40x256xf32, #tpu.memory_space<vmem>> -> memref<1x40x256xf32, #tpu.memory_space<vmem>>
        %dma_wait3A_337 = tpu.memref_squeeze %dma_wait3A_336 : memref<1x40x256xf32, #tpu.memory_space<vmem>> -> memref<40x256xf32, #tpu.memory_space<vmem>>
        %dma_wait3A_338 = arith.constant 0 : i32
        %dma_wait3A_339 = arith.constant 0 : i32
        %dma_wait3A_340 = tpu.memref_slice %arg5[%dma_wait3A_338, %dma_wait3A_339] : memref<160000x256xf32, #tpu.memory_space<hbm>> -> memref<40x256xf32, #tpu.memory_space<hbm>>
        tpu.wait_dma2 semaphore(%arg14 : memref<!tpu.dma_semaphore, #tpu.memory_space<semaphore_mem>>) src(%dma_wait3A_340 : memref<40x256xf32, #tpu.memory_space<hbm>>) dst(%dma_wait3A_337 : memref<40x256xf32, #tpu.memory_space<vmem>>)
        %dma_wait3A_341 = arith.constant 1 : i32
        %dma_wait3A_342 = arith.constant 0 : i32
        %dma_wait3A_343 = arith.constant 0 : i32
        %dma_wait3A_344 = tpu.memref_slice %arg10[%dma_wait3A_341, %dma_wait3A_342, %dma_wait3A_343] : memref<2x40x256xf32, #tpu.memory_space<vmem>> -> memref<1x40x256xf32, #tpu.memory_space<vmem>>
        %dma_wait3A_345 = tpu.memref_squeeze %dma_wait3A_344 : memref<1x40x256xf32, #tpu.memory_space<vmem>> -> memref<40x256xf32, #tpu.memory_space<vmem>>
        %dma_wait3A_346 = arith.constant 0 : i32
        %dma_wait3A_347 = arith.constant 0 : i32
        %dma_wait3A_348 = tpu.memref_slice %arg5[%dma_wait3A_346, %dma_wait3A_347] : memref<160000x256xf32, #tpu.memory_space<hbm>> -> memref<40x256xf32, #tpu.memory_space<hbm>>
        %dma_wait3A_349 = arith.constant 0 : i32
        %dma_wait3A_350 = arith.constant 0 : i32
        %dma_wait3A_351 = tpu.memref_slice %arg10[%dma_wait3A_341, %dma_wait3A_349, %dma_wait3A_350] : memref<2x40x256xf32, #tpu.memory_space<vmem>> -> memref<1x40x256xf32, #tpu.memory_space<vmem>>
        %dma_wait3A_352 = tpu.memref_squeeze %dma_wait3A_351 : memref<1x40x256xf32, #tpu.memory_space<vmem>> -> memref<40x256xf32, #tpu.memory_space<vmem>>
        %dma_wait3A_353 = arith.constant 0 : i32
        %dma_wait3A_354 = arith.constant 0 : i32
        %dma_wait3A_355 = tpu.memref_slice %arg5[%dma_wait3A_353, %dma_wait3A_354] : memref<160000x256xf32, #tpu.memory_space<hbm>> -> memref<40x256xf32, #tpu.memory_space<hbm>>
        tpu.wait_dma2 semaphore(%arg14 : memref<!tpu.dma_semaphore, #tpu.memory_space<semaphore_mem>>) src(%dma_wait3A_355 : memref<40x256xf32, #tpu.memory_space<hbm>>) dst(%dma_wait3A_352 : memref<40x256xf32, #tpu.memory_space<vmem>>)
      } else {
      }
      %add3A_151 = arith.constant 1 : i32
      %add3A_152 = arith.addi %add3A_148, %add3A_151 : i32
      %mul3A_153 = arith.constant 40 : i32
      %mul3A_154 = arith.muli %add3A_152, %mul3A_153 : i32
      %dma_start3A_155 = arith.constant 1 : i32
      %dma_start3A_156 = arith.constant 0 : i32
      %dma_start3A_157 = arith.constant 0 : i32
      %dma_start3A_158 = tpu.memref_slice %arg9[%dma_start3A_155, %dma_start3A_156, %dma_start3A_157] : memref<2x40x256xf32, #tpu.memory_space<vmem>> -> memref<1x40x256xf32, #tpu.memory_space<vmem>>
      %dma_start3A_159 = tpu.memref_squeeze %dma_start3A_158 : memref<1x40x256xf32, #tpu.memory_space<vmem>> -> memref<40x256xf32, #tpu.memory_space<vmem>>
      %dma_start3A_160 = tpu.memref_slice %arg7[%mul3A_154] : memref<5000xi32, #tpu.memory_space<vmem>> -> memref<40xi32, #tpu.memory_space<vmem>>
      %dma_start3A_161 = arith.constant 0 : i32
      %dma_start3A_162 = arith.constant 0 : i32
      %dma_start3A_163 = tpu.memref_slice %arg2[%dma_start3A_161, %dma_start3A_162] : memref<10000x256xf32, #tpu.memory_space<hbm>> -> memref<10000x256xf32, #tpu.memory_space<hbm>>
      tpu.enqueue_indirect_dma source(%dma_start3A_163 : memref<10000x256xf32, #tpu.memory_space<hbm>>) target(%dma_start3A_159 : memref<40x256xf32, #tpu.memory_space<vmem>>) offsets(%dma_start3A_160 : memref<40xi32, #tpu.memory_space<vmem>>) semaphore(%arg12 : memref<!tpu.dma_semaphore, #tpu.memory_space<semaphore_mem>>)
      %mul3A_164 = arith.constant 40 : i32
      %mul3A_165 = arith.muli %add3A_152, %mul3A_164 : i32
      %dma_start3A_166 = arith.constant 1 : i32
      %dma_start3A_167 = arith.constant 0 : i32
      %dma_start3A_168 = arith.constant 0 : i32
      %dma_start3A_169 = tpu.memref_slice %arg10[%dma_start3A_166, %dma_start3A_167, %dma_start3A_168] : memref<2x40x256xf32, #tpu.memory_space<vmem>> -> memref<1x40x256xf32, #tpu.memory_space<vmem>>
      %dma_start3A_170 = tpu.memref_squeeze %dma_start3A_169 : memref<1x40x256xf32, #tpu.memory_space<vmem>> -> memref<40x256xf32, #tpu.memory_space<vmem>>
      %dma_start3A_171 = tpu.memref_slice %arg8[%mul3A_165] : memref<5000xi32, #tpu.memory_space<vmem>> -> memref<40xi32, #tpu.memory_space<vmem>>
      %dma_start3A_172 = arith.constant 0 : i32
      %dma_start3A_173 = arith.constant 0 : i32
      %dma_start3A_174 = tpu.memref_slice %arg2[%dma_start3A_172, %dma_start3A_173] : memref<10000x256xf32, #tpu.memory_space<hbm>> -> memref<10000x256xf32, #tpu.memory_space<hbm>>
      tpu.enqueue_indirect_dma source(%dma_start3A_174 : memref<10000x256xf32, #tpu.memory_space<hbm>>) target(%dma_start3A_170 : memref<40x256xf32, #tpu.memory_space<vmem>>) offsets(%dma_start3A_171 : memref<40xi32, #tpu.memory_space<vmem>>) semaphore(%arg12 : memref<!tpu.dma_semaphore, #tpu.memory_space<semaphore_mem>>)
      %dma_wait3A_175 = arith.constant 0 : i32
      %dma_wait3A_176 = arith.constant 0 : i32
      %dma_wait3A_177 = arith.constant 0 : i32
      %dma_wait3A_178 = tpu.memref_slice %arg9[%dma_wait3A_175, %dma_wait3A_176, %dma_wait3A_177] : memref<2x40x256xf32, #tpu.memory_space<vmem>> -> memref<1x40x256xf32, #tpu.memory_space<vmem>>
      %dma_wait3A_179 = tpu.memref_squeeze %dma_wait3A_178 : memref<1x40x256xf32, #tpu.memory_space<vmem>> -> memref<40x256xf32, #tpu.memory_space<vmem>>
      %dma_wait3A_180 = arith.constant 0 : i32
      %dma_wait3A_181 = arith.constant 0 : i32
      %dma_wait3A_182 = tpu.memref_slice %arg2[%dma_wait3A_180, %dma_wait3A_181] : memref<10000x256xf32, #tpu.memory_space<hbm>> -> memref<40x256xf32, #tpu.memory_space<hbm>>
      %dma_wait3A_183 = arith.constant 0 : i32
      %dma_wait3A_184 = arith.constant 0 : i32
      %dma_wait3A_185 = tpu.memref_slice %arg9[%dma_wait3A_175, %dma_wait3A_183, %dma_wait3A_184] : memref<2x40x256xf32, #tpu.memory_space<vmem>> -> memref<1x40x256xf32, #tpu.memory_space<vmem>>
      %dma_wait3A_186 = tpu.memref_squeeze %dma_wait3A_185 : memref<1x40x256xf32, #tpu.memory_space<vmem>> -> memref<40x256xf32, #tpu.memory_space<vmem>>
      %dma_wait3A_187 = arith.constant 0 : i32
      %dma_wait3A_188 = arith.constant 0 : i32
      %dma_wait3A_189 = tpu.memref_slice %arg2[%dma_wait3A_187, %dma_wait3A_188] : memref<10000x256xf32, #tpu.memory_space<hbm>> -> memref<40x256xf32, #tpu.memory_space<hbm>>
      tpu.wait_dma2 semaphore(%arg11 : memref<!tpu.dma_semaphore, #tpu.memory_space<semaphore_mem>>) src(%dma_wait3A_189 : memref<40x256xf32, #tpu.memory_space<hbm>>) dst(%dma_wait3A_186 : memref<40x256xf32, #tpu.memory_space<vmem>>)
      %dma_wait3A_190 = arith.constant 0 : i32
      %dma_wait3A_191 = arith.constant 0 : i32
      %dma_wait3A_192 = arith.constant 0 : i32
      %dma_wait3A_193 = tpu.memref_slice %arg10[%dma_wait3A_190, %dma_wait3A_191, %dma_wait3A_192] : memref<2x40x256xf32, #tpu.memory_space<vmem>> -> memref<1x40x256xf32, #tpu.memory_space<vmem>>
      %dma_wait3A_194 = tpu.memref_squeeze %dma_wait3A_193 : memref<1x40x256xf32, #tpu.memory_space<vmem>> -> memref<40x256xf32, #tpu.memory_space<vmem>>
      %dma_wait3A_195 = arith.constant 0 : i32
      %dma_wait3A_196 = arith.constant 0 : i32
      %dma_wait3A_197 = tpu.memref_slice %arg2[%dma_wait3A_195, %dma_wait3A_196] : memref<10000x256xf32, #tpu.memory_space<hbm>> -> memref<40x256xf32, #tpu.memory_space<hbm>>
      %dma_wait3A_198 = arith.constant 0 : i32
      %dma_wait3A_199 = arith.constant 0 : i32
      %dma_wait3A_200 = tpu.memref_slice %arg10[%dma_wait3A_190, %dma_wait3A_198, %dma_wait3A_199] : memref<2x40x256xf32, #tpu.memory_space<vmem>> -> memref<1x40x256xf32, #tpu.memory_space<vmem>>
      %dma_wait3A_201 = tpu.memref_squeeze %dma_wait3A_200 : memref<1x40x256xf32, #tpu.memory_space<vmem>> -> memref<40x256xf32, #tpu.memory_space<vmem>>
      %dma_wait3A_202 = arith.constant 0 : i32
      %dma_wait3A_203 = arith.constant 0 : i32
      %dma_wait3A_204 = tpu.memref_slice %arg2[%dma_wait3A_202, %dma_wait3A_203] : memref<10000x256xf32, #tpu.memory_space<hbm>> -> memref<40x256xf32, #tpu.memory_space<hbm>>
      tpu.wait_dma2 semaphore(%arg11 : memref<!tpu.dma_semaphore, #tpu.memory_space<semaphore_mem>>) src(%dma_wait3A_204 : memref<40x256xf32, #tpu.memory_space<hbm>>) dst(%dma_wait3A_201 : memref<40x256xf32, #tpu.memory_space<vmem>>)
      %mul3A_205 = arith.constant 40 : i32
      %mul3A_206 = arith.muli %add3A_148, %mul3A_205 : i32
      %add3A_207 = arith.addi %mul3A_2, %mul3A_206 : i32
      %dma_start3A_208 = arith.constant 0 : i32
      %dma_start3A_209 = arith.constant 0 : i32
      %dma_start3A_210 = arith.constant 0 : i32
      %dma_start3A_211 = tpu.memref_slice %arg9[%dma_start3A_208, %dma_start3A_209, %dma_start3A_210] : memref<2x40x256xf32, #tpu.memory_space<vmem>> -> memref<1x40x256xf32, #tpu.memory_space<vmem>>
      %dma_start3A_212 = tpu.memref_squeeze %dma_start3A_211 : memref<1x40x256xf32, #tpu.memory_space<vmem>> -> memref<40x256xf32, #tpu.memory_space<vmem>>
      %dma_start3A_213 = arith.constant 0 : i32
      %dma_start3A_214 = tpu.memref_slice %arg5[%add3A_207, %dma_start3A_213] : memref<160000x256xf32, #tpu.memory_space<hbm>> -> memref<40x256xf32, #tpu.memory_space<hbm>>
      %dma_start3A_215 = arith.constant 0 : i32
      %dma_start3A_216 = tpu.memref_slice %arg5[%add3A_207, %dma_start3A_215] : memref<160000x256xf32, #tpu.memory_space<hbm>> -> memref<40x256xf32, #tpu.memory_space<hbm>>
      %dma_start3A_217 = arith.constant 0 : i32
      %dma_start3A_218 = arith.constant 0 : i32
      %dma_start3A_219 = tpu.memref_slice %arg9[%dma_start3A_208, %dma_start3A_217, %dma_start3A_218] : memref<2x40x256xf32, #tpu.memory_space<vmem>> -> memref<1x40x256xf32, #tpu.memory_space<vmem>>
      %dma_start3A_220 = tpu.memref_squeeze %dma_start3A_219 : memref<1x40x256xf32, #tpu.memory_space<vmem>> -> memref<40x256xf32, #tpu.memory_space<vmem>>
      tpu.enqueue_dma source(%dma_start3A_220 : memref<40x256xf32, #tpu.memory_space<vmem>>) target(%dma_start3A_216 : memref<40x256xf32, #tpu.memory_space<hbm>>) target_semaphore(%arg13 : memref<!tpu.dma_semaphore, #tpu.memory_space<semaphore_mem>>)
      %dma_start3A_221 = arith.constant 0 : i32
      %dma_start3A_222 = arith.constant 0 : i32
      %dma_start3A_223 = arith.constant 0 : i32
      %dma_start3A_224 = tpu.memref_slice %arg10[%dma_start3A_221, %dma_start3A_222, %dma_start3A_223] : memref<2x40x256xf32, #tpu.memory_space<vmem>> -> memref<1x40x256xf32, #tpu.memory_space<vmem>>
      %dma_start3A_225 = tpu.memref_squeeze %dma_start3A_224 : memref<1x40x256xf32, #tpu.memory_space<vmem>> -> memref<40x256xf32, #tpu.memory_space<vmem>>
      %dma_start3A_226 = arith.constant 0 : i32
      %dma_start3A_227 = tpu.memref_slice %arg6[%add3A_207, %dma_start3A_226] : memref<160000x256xf32, #tpu.memory_space<hbm>> -> memref<40x256xf32, #tpu.memory_space<hbm>>
      %dma_start3A_228 = arith.constant 0 : i32
      %dma_start3A_229 = tpu.memref_slice %arg6[%add3A_207, %dma_start3A_228] : memref<160000x256xf32, #tpu.memory_space<hbm>> -> memref<40x256xf32, #tpu.memory_space<hbm>>
      %dma_start3A_230 = arith.constant 0 : i32
      %dma_start3A_231 = arith.constant 0 : i32
      %dma_start3A_232 = tpu.memref_slice %arg10[%dma_start3A_221, %dma_start3A_230, %dma_start3A_231] : memref<2x40x256xf32, #tpu.memory_space<vmem>> -> memref<1x40x256xf32, #tpu.memory_space<vmem>>
      %dma_start3A_233 = tpu.memref_squeeze %dma_start3A_232 : memref<1x40x256xf32, #tpu.memory_space<vmem>> -> memref<40x256xf32, #tpu.memory_space<vmem>>
      tpu.enqueue_dma source(%dma_start3A_233 : memref<40x256xf32, #tpu.memory_space<vmem>>) target(%dma_start3A_229 : memref<40x256xf32, #tpu.memory_space<hbm>>) target_semaphore(%arg13 : memref<!tpu.dma_semaphore, #tpu.memory_space<semaphore_mem>>)
      %mul3A_234 = arith.constant 2 : i32
      %mul3A_235 = arith.muli %scan3A_144, %mul3A_234 : i32
      %add3A_236 = arith.constant 1 : i32
      %add3A_237 = arith.addi %mul3A_235, %add3A_236 : i32
      %gt3A_238 = arith.constant 0 : i32
      %gt3A_239 = arith.cmpi sgt, %add3A_237, %gt3A_238 : i32
      %convert_element_type3A_240 = arith.extui %gt3A_239 : i1 to i32
      %cond3A_241 = arith.constant 0 : i32
      %cond3A_242 = arith.cmpi ne, %convert_element_type3A_240, %cond3A_241 : i32
      scf.if %cond3A_242 {
        %dma_wait3A_326 = arith.constant 0 : i32
        %dma_wait3A_327 = arith.constant 0 : i32
        %dma_wait3A_328 = arith.constant 0 : i32
        %dma_wait3A_329 = tpu.memref_slice %arg9[%dma_wait3A_326, %dma_wait3A_327, %dma_wait3A_328] : memref<2x40x256xf32, #tpu.memory_space<vmem>> -> memref<1x40x256xf32, #tpu.memory_space<vmem>>
        %dma_wait3A_330 = tpu.memref_squeeze %dma_wait3A_329 : memref<1x40x256xf32, #tpu.memory_space<vmem>> -> memref<40x256xf32, #tpu.memory_space<vmem>>
        %dma_wait3A_331 = arith.constant 0 : i32
        %dma_wait3A_332 = arith.constant 0 : i32
        %dma_wait3A_333 = tpu.memref_slice %arg5[%dma_wait3A_331, %dma_wait3A_332] : memref<160000x256xf32, #tpu.memory_space<hbm>> -> memref<40x256xf32, #tpu.memory_space<hbm>>
        %dma_wait3A_334 = arith.constant 0 : i32
        %dma_wait3A_335 = arith.constant 0 : i32
        %dma_wait3A_336 = tpu.memref_slice %arg9[%dma_wait3A_326, %dma_wait3A_334, %dma_wait3A_335] : memref<2x40x256xf32, #tpu.memory_space<vmem>> -> memref<1x40x256xf32, #tpu.memory_space<vmem>>
        %dma_wait3A_337 = tpu.memref_squeeze %dma_wait3A_336 : memref<1x40x256xf32, #tpu.memory_space<vmem>> -> memref<40x256xf32, #tpu.memory_space<vmem>>
        %dma_wait3A_338 = arith.constant 0 : i32
        %dma_wait3A_339 = arith.constant 0 : i32
        %dma_wait3A_340 = tpu.memref_slice %arg5[%dma_wait3A_338, %dma_wait3A_339] : memref<160000x256xf32, #tpu.memory_space<hbm>> -> memref<40x256xf32, #tpu.memory_space<hbm>>
        tpu.wait_dma2 semaphore(%arg13 : memref<!tpu.dma_semaphore, #tpu.memory_space<semaphore_mem>>) src(%dma_wait3A_340 : memref<40x256xf32, #tpu.memory_space<hbm>>) dst(%dma_wait3A_337 : memref<40x256xf32, #tpu.memory_space<vmem>>)
        %dma_wait3A_341 = arith.constant 0 : i32
        %dma_wait3A_342 = arith.constant 0 : i32
        %dma_wait3A_343 = arith.constant 0 : i32
        %dma_wait3A_344 = tpu.memref_slice %arg10[%dma_wait3A_341, %dma_wait3A_342, %dma_wait3A_343] : memref<2x40x256xf32, #tpu.memory_space<vmem>> -> memref<1x40x256xf32, #tpu.memory_space<vmem>>
        %dma_wait3A_345 = tpu.memref_squeeze %dma_wait3A_344 : memref<1x40x256xf32, #tpu.memory_space<vmem>> -> memref<40x256xf32, #tpu.memory_space<vmem>>
        %dma_wait3A_346 = arith.constant 0 : i32
        %dma_wait3A_347 = arith.constant 0 : i32
        %dma_wait3A_348 = tpu.memref_slice %arg5[%dma_wait3A_346, %dma_wait3A_347] : memref<160000x256xf32, #tpu.memory_space<hbm>> -> memref<40x256xf32, #tpu.memory_space<hbm>>
        %dma_wait3A_349 = arith.constant 0 : i32
        %dma_wait3A_350 = arith.constant 0 : i32
        %dma_wait3A_351 = tpu.memref_slice %arg10[%dma_wait3A_341, %dma_wait3A_349, %dma_wait3A_350] : memref<2x40x256xf32, #tpu.memory_space<vmem>> -> memref<1x40x256xf32, #tpu.memory_space<vmem>>
        %dma_wait3A_352 = tpu.memref_squeeze %dma_wait3A_351 : memref<1x40x256xf32, #tpu.memory_space<vmem>> -> memref<40x256xf32, #tpu.memory_space<vmem>>
        %dma_wait3A_353 = arith.constant 0 : i32
        %dma_wait3A_354 = arith.constant 0 : i32
        %dma_wait3A_355 = tpu.memref_slice %arg5[%dma_wait3A_353, %dma_wait3A_354] : memref<160000x256xf32, #tpu.memory_space<hbm>> -> memref<40x256xf32, #tpu.memory_space<hbm>>
        tpu.wait_dma2 semaphore(%arg13 : memref<!tpu.dma_semaphore, #tpu.memory_space<semaphore_mem>>) src(%dma_wait3A_355 : memref<40x256xf32, #tpu.memory_space<hbm>>) dst(%dma_wait3A_352 : memref<40x256xf32, #tpu.memory_space<vmem>>)
      } else {
      }
      %add3A_243 = arith.constant 1 : i32
      %add3A_244 = arith.addi %add3A_237, %add3A_243 : i32
      %mul3A_245 = arith.constant 40 : i32
      %mul3A_246 = arith.muli %add3A_244, %mul3A_245 : i32
      %dma_start3A_247 = arith.constant 0 : i32
      %dma_start3A_248 = arith.constant 0 : i32
      %dma_start3A_249 = arith.constant 0 : i32
      %dma_start3A_250 = tpu.memref_slice %arg9[%dma_start3A_247, %dma_start3A_248, %dma_start3A_249] : memref<2x40x256xf32, #tpu.memory_space<vmem>> -> memref<1x40x256xf32, #tpu.memory_space<vmem>>
      %dma_start3A_251 = tpu.memref_squeeze %dma_start3A_250 : memref<1x40x256xf32, #tpu.memory_space<vmem>> -> memref<40x256xf32, #tpu.memory_space<vmem>>
      %dma_start3A_252 = tpu.memref_slice %arg7[%mul3A_246] : memref<5000xi32, #tpu.memory_space<vmem>> -> memref<40xi32, #tpu.memory_space<vmem>>
      %dma_start3A_253 = arith.constant 0 : i32
      %dma_start3A_254 = arith.constant 0 : i32
      %dma_start3A_255 = tpu.memref_slice %arg2[%dma_start3A_253, %dma_start3A_254] : memref<10000x256xf32, #tpu.memory_space<hbm>> -> memref<10000x256xf32, #tpu.memory_space<hbm>>
      tpu.enqueue_indirect_dma source(%dma_start3A_255 : memref<10000x256xf32, #tpu.memory_space<hbm>>) target(%dma_start3A_251 : memref<40x256xf32, #tpu.memory_space<vmem>>) offsets(%dma_start3A_252 : memref<40xi32, #tpu.memory_space<vmem>>) semaphore(%arg11 : memref<!tpu.dma_semaphore, #tpu.memory_space<semaphore_mem>>)
      %mul3A_256 = arith.constant 40 : i32
      %mul3A_257 = arith.muli %add3A_244, %mul3A_256 : i32
      %dma_start3A_258 = arith.constant 0 : i32
      %dma_start3A_259 = arith.constant 0 : i32
      %dma_start3A_260 = arith.constant 0 : i32
      %dma_start3A_261 = tpu.memref_slice %arg10[%dma_start3A_258, %dma_start3A_259, %dma_start3A_260] : memref<2x40x256xf32, #tpu.memory_space<vmem>> -> memref<1x40x256xf32, #tpu.memory_space<vmem>>
      %dma_start3A_262 = tpu.memref_squeeze %dma_start3A_261 : memref<1x40x256xf32, #tpu.memory_space<vmem>> -> memref<40x256xf32, #tpu.memory_space<vmem>>
      %dma_start3A_263 = tpu.memref_slice %arg8[%mul3A_257] : memref<5000xi32, #tpu.memory_space<vmem>> -> memref<40xi32, #tpu.memory_space<vmem>>
      %dma_start3A_264 = arith.constant 0 : i32
      %dma_start3A_265 = arith.constant 0 : i32
      %dma_start3A_266 = tpu.memref_slice %arg2[%dma_start3A_264, %dma_start3A_265] : memref<10000x256xf32, #tpu.memory_space<hbm>> -> memref<10000x256xf32, #tpu.memory_space<hbm>>
      tpu.enqueue_indirect_dma source(%dma_start3A_266 : memref<10000x256xf32, #tpu.memory_space<hbm>>) target(%dma_start3A_262 : memref<40x256xf32, #tpu.memory_space<vmem>>) offsets(%dma_start3A_263 : memref<40xi32, #tpu.memory_space<vmem>>) semaphore(%arg11 : memref<!tpu.dma_semaphore, #tpu.memory_space<semaphore_mem>>)
      %dma_wait3A_267 = arith.constant 1 : i32
      %dma_wait3A_268 = arith.constant 0 : i32
      %dma_wait3A_269 = arith.constant 0 : i32
      %dma_wait3A_270 = tpu.memref_slice %arg9[%dma_wait3A_267, %dma_wait3A_268, %dma_wait3A_269] : memref<2x40x256xf32, #tpu.memory_space<vmem>> -> memref<1x40x256xf32, #tpu.memory_space<vmem>>
      %dma_wait3A_271 = tpu.memref_squeeze %dma_wait3A_270 : memref<1x40x256xf32, #tpu.memory_space<vmem>> -> memref<40x256xf32, #tpu.memory_space<vmem>>
      %dma_wait3A_272 = arith.constant 0 : i32
      %dma_wait3A_273 = arith.constant 0 : i32
      %dma_wait3A_274 = tpu.memref_slice %arg2[%dma_wait3A_272, %dma_wait3A_273] : memref<10000x256xf32, #tpu.memory_space<hbm>> -> memref<40x256xf32, #tpu.memory_space<hbm>>
      %dma_wait3A_275 = arith.constant 0 : i32
      %dma_wait3A_276 = arith.constant 0 : i32
      %dma_wait3A_277 = tpu.memref_slice %arg9[%dma_wait3A_267, %dma_wait3A_275, %dma_wait3A_276] : memref<2x40x256xf32, #tpu.memory_space<vmem>> -> memref<1x40x256xf32, #tpu.memory_space<vmem>>
      %dma_wait3A_278 = tpu.memref_squeeze %dma_wait3A_277 : memref<1x40x256xf32, #tpu.memory_space<vmem>> -> memref<40x256xf32, #tpu.memory_space<vmem>>
      %dma_wait3A_279 = arith.constant 0 : i32
      %dma_wait3A_280 = arith.constant 0 : i32
      %dma_wait3A_281 = tpu.memref_slice %arg2[%dma_wait3A_279, %dma_wait3A_280] : memref<10000x256xf32, #tpu.memory_space<hbm>> -> memref<40x256xf32, #tpu.memory_space<hbm>>
      tpu.wait_dma2 semaphore(%arg12 : memref<!tpu.dma_semaphore, #tpu.memory_space<semaphore_mem>>) src(%dma_wait3A_281 : memref<40x256xf32, #tpu.memory_space<hbm>>) dst(%dma_wait3A_278 : memref<40x256xf32, #tpu.memory_space<vmem>>)
      %dma_wait3A_282 = arith.constant 1 : i32
      %dma_wait3A_283 = arith.constant 0 : i32
      %dma_wait3A_284 = arith.constant 0 : i32
      %dma_wait3A_285 = tpu.memref_slice %arg10[%dma_wait3A_282, %dma_wait3A_283, %dma_wait3A_284] : memref<2x40x256xf32, #tpu.memory_space<vmem>> -> memref<1x40x256xf32, #tpu.memory_space<vmem>>
      %dma_wait3A_286 = tpu.memref_squeeze %dma_wait3A_285 : memref<1x40x256xf32, #tpu.memory_space<vmem>> -> memref<40x256xf32, #tpu.memory_space<vmem>>
      %dma_wait3A_287 = arith.constant 0 : i32
      %dma_wait3A_288 = arith.constant 0 : i32
      %dma_wait3A_289 = tpu.memref_slice %arg2[%dma_wait3A_287, %dma_wait3A_288] : memref<10000x256xf32, #tpu.memory_space<hbm>> -> memref<40x256xf32, #tpu.memory_space<hbm>>
      %dma_wait3A_290 = arith.constant 0 : i32
      %dma_wait3A_291 = arith.constant 0 : i32
      %dma_wait3A_292 = tpu.memref_slice %arg10[%dma_wait3A_282, %dma_wait3A_290, %dma_wait3A_291] : memref<2x40x256xf32, #tpu.memory_space<vmem>> -> memref<1x40x256xf32, #tpu.memory_space<vmem>>
      %dma_wait3A_293 = tpu.memref_squeeze %dma_wait3A_292 : memref<1x40x256xf32, #tpu.memory_space<vmem>> -> memref<40x256xf32, #tpu.memory_space<vmem>>
      %dma_wait3A_294 = arith.constant 0 : i32
      %dma_wait3A_295 = arith.constant 0 : i32
      %dma_wait3A_296 = tpu.memref_slice %arg2[%dma_wait3A_294, %dma_wait3A_295] : memref<10000x256xf32, #tpu.memory_space<hbm>> -> memref<40x256xf32, #tpu.memory_space<hbm>>
      tpu.wait_dma2 semaphore(%arg12 : memref<!tpu.dma_semaphore, #tpu.memory_space<semaphore_mem>>) src(%dma_wait3A_296 : memref<40x256xf32, #tpu.memory_space<hbm>>) dst(%dma_wait3A_293 : memref<40x256xf32, #tpu.memory_space<vmem>>)
      %mul3A_297 = arith.constant 40 : i32
      %mul3A_298 = arith.muli %add3A_237, %mul3A_297 : i32
      %add3A_299 = arith.addi %mul3A_2, %mul3A_298 : i32
      %dma_start3A_300 = arith.constant 1 : i32
      %dma_start3A_301 = arith.constant 0 : i32
      %dma_start3A_302 = arith.constant 0 : i32
      %dma_start3A_303 = tpu.memref_slice %arg9[%dma_start3A_300, %dma_start3A_301, %dma_start3A_302] : memref<2x40x256xf32, #tpu.memory_space<vmem>> -> memref<1x40x256xf32, #tpu.memory_space<vmem>>
      %dma_start3A_304 = tpu.memref_squeeze %dma_start3A_303 : memref<1x40x256xf32, #tpu.memory_space<vmem>> -> memref<40x256xf32, #tpu.memory_space<vmem>>
      %dma_start3A_305 = arith.constant 0 : i32
      %dma_start3A_306 = tpu.memref_slice %arg5[%add3A_299, %dma_start3A_305] : memref<160000x256xf32, #tpu.memory_space<hbm>> -> memref<40x256xf32, #tpu.memory_space<hbm>>
      %dma_start3A_307 = arith.constant 0 : i32
      %dma_start3A_308 = tpu.memref_slice %arg5[%add3A_299, %dma_start3A_307] : memref<160000x256xf32, #tpu.memory_space<hbm>> -> memref<40x256xf32, #tpu.memory_space<hbm>>
      %dma_start3A_309 = arith.constant 0 : i32
      %dma_start3A_310 = arith.constant 0 : i32
      %dma_start3A_311 = tpu.memref_slice %arg9[%dma_start3A_300, %dma_start3A_309, %dma_start3A_310] : memref<2x40x256xf32, #tpu.memory_space<vmem>> -> memref<1x40x256xf32, #tpu.memory_space<vmem>>
      %dma_start3A_312 = tpu.memref_squeeze %dma_start3A_311 : memref<1x40x256xf32, #tpu.memory_space<vmem>> -> memref<40x256xf32, #tpu.memory_space<vmem>>
      tpu.enqueue_dma source(%dma_start3A_312 : memref<40x256xf32, #tpu.memory_space<vmem>>) target(%dma_start3A_308 : memref<40x256xf32, #tpu.memory_space<hbm>>) target_semaphore(%arg14 : memref<!tpu.dma_semaphore, #tpu.memory_space<semaphore_mem>>)
      %dma_start3A_313 = arith.constant 1 : i32
      %dma_start3A_314 = arith.constant 0 : i32
      %dma_start3A_315 = arith.constant 0 : i32
      %dma_start3A_316 = tpu.memref_slice %arg10[%dma_start3A_313, %dma_start3A_314, %dma_start3A_315] : memref<2x40x256xf32, #tpu.memory_space<vmem>> -> memref<1x40x256xf32, #tpu.memory_space<vmem>>
      %dma_start3A_317 = tpu.memref_squeeze %dma_start3A_316 : memref<1x40x256xf32, #tpu.memory_space<vmem>> -> memref<40x256xf32, #tpu.memory_space<vmem>>
      %dma_start3A_318 = arith.constant 0 : i32
      %dma_start3A_319 = tpu.memref_slice %arg6[%add3A_299, %dma_start3A_318] : memref<160000x256xf32, #tpu.memory_space<hbm>> -> memref<40x256xf32, #tpu.memory_space<hbm>>
      %dma_start3A_320 = arith.constant 0 : i32
      %dma_start3A_321 = tpu.memref_slice %arg6[%add3A_299, %dma_start3A_320] : memref<160000x256xf32, #tpu.memory_space<hbm>> -> memref<40x256xf32, #tpu.memory_space<hbm>>
      %dma_start3A_322 = arith.constant 0 : i32
      %dma_start3A_323 = arith.constant 0 : i32
      %dma_start3A_324 = tpu.memref_slice %arg10[%dma_start3A_313, %dma_start3A_322, %dma_start3A_323] : memref<2x40x256xf32, #tpu.memory_space<vmem>> -> memref<1x40x256xf32, #tpu.memory_space<vmem>>
      %dma_start3A_325 = tpu.memref_squeeze %dma_start3A_324 : memref<1x40x256xf32, #tpu.memory_space<vmem>> -> memref<40x256xf32, #tpu.memory_space<vmem>>
      tpu.enqueue_dma source(%dma_start3A_325 : memref<40x256xf32, #tpu.memory_space<vmem>>) target(%dma_start3A_321 : memref<40x256xf32, #tpu.memory_space<hbm>>) target_semaphore(%arg14 : memref<!tpu.dma_semaphore, #tpu.memory_space<semaphore_mem>>)
    }
    %scan3A_26 = arith.constant 62 : i32
    %dma_wait3A = arith.constant 0 : i32
    %dma_wait3A_27 = arith.constant 0 : i32
    %dma_wait3A_28 = arith.constant 0 : i32
    %dma_wait3A_29 = tpu.memref_slice %arg9[%dma_wait3A, %dma_wait3A_27, %dma_wait3A_28] : memref<2x40x256xf32, #tpu.memory_space<vmem>> -> memref<1x40x256xf32, #tpu.memory_space<vmem>>
    %dma_wait3A_30 = tpu.memref_squeeze %dma_wait3A_29 : memref<1x40x256xf32, #tpu.memory_space<vmem>> -> memref<40x256xf32, #tpu.memory_space<vmem>>
    %dma_wait3A_31 = arith.constant 0 : i32
    %dma_wait3A_32 = arith.constant 0 : i32
    %dma_wait3A_33 = tpu.memref_slice %arg2[%dma_wait3A_31, %dma_wait3A_32] : memref<10000x256xf32, #tpu.memory_space<hbm>> -> memref<40x256xf32, #tpu.memory_space<hbm>>
    %dma_wait3A_34 = arith.constant 0 : i32
    %dma_wait3A_35 = arith.constant 0 : i32
    %dma_wait3A_36 = tpu.memref_slice %arg9[%dma_wait3A, %dma_wait3A_34, %dma_wait3A_35] : memref<2x40x256xf32, #tpu.memory_space<vmem>> -> memref<1x40x256xf32, #tpu.memory_space<vmem>>
    %dma_wait3A_37 = tpu.memref_squeeze %dma_wait3A_36 : memref<1x40x256xf32, #tpu.memory_space<vmem>> -> memref<40x256xf32, #tpu.memory_space<vmem>>
    %dma_wait3A_38 = arith.constant 0 : i32
    %dma_wait3A_39 = arith.constant 0 : i32
    %dma_wait3A_40 = tpu.memref_slice %arg2[%dma_wait3A_38, %dma_wait3A_39] : memref<10000x256xf32, #tpu.memory_space<hbm>> -> memref<40x256xf32, #tpu.memory_space<hbm>>
    tpu.wait_dma2 semaphore(%arg11 : memref<!tpu.dma_semaphore, #tpu.memory_space<semaphore_mem>>) src(%dma_wait3A_40 : memref<40x256xf32, #tpu.memory_space<hbm>>) dst(%dma_wait3A_37 : memref<40x256xf32, #tpu.memory_space<vmem>>)
    %dma_wait3A_41 = arith.constant 0 : i32
    %dma_wait3A_42 = arith.constant 0 : i32
    %dma_wait3A_43 = arith.constant 0 : i32
    %dma_wait3A_44 = tpu.memref_slice %arg10[%dma_wait3A_41, %dma_wait3A_42, %dma_wait3A_43] : memref<2x40x256xf32, #tpu.memory_space<vmem>> -> memref<1x40x256xf32, #tpu.memory_space<vmem>>
    %dma_wait3A_45 = tpu.memref_squeeze %dma_wait3A_44 : memref<1x40x256xf32, #tpu.memory_space<vmem>> -> memref<40x256xf32, #tpu.memory_space<vmem>>
    %dma_wait3A_46 = arith.constant 0 : i32
    %dma_wait3A_47 = arith.constant 0 : i32
    %dma_wait3A_48 = tpu.memref_slice %arg2[%dma_wait3A_46, %dma_wait3A_47] : memref<10000x256xf32, #tpu.memory_space<hbm>> -> memref<40x256xf32, #tpu.memory_space<hbm>>
    %dma_wait3A_49 = arith.constant 0 : i32
    %dma_wait3A_50 = arith.constant 0 : i32
    %dma_wait3A_51 = tpu.memref_slice %arg10[%dma_wait3A_41, %dma_wait3A_49, %dma_wait3A_50] : memref<2x40x256xf32, #tpu.memory_space<vmem>> -> memref<1x40x256xf32, #tpu.memory_space<vmem>>
    %dma_wait3A_52 = tpu.memref_squeeze %dma_wait3A_51 : memref<1x40x256xf32, #tpu.memory_space<vmem>> -> memref<40x256xf32, #tpu.memory_space<vmem>>
    %dma_wait3A_53 = arith.constant 0 : i32
    %dma_wait3A_54 = arith.constant 0 : i32
    %dma_wait3A_55 = tpu.memref_slice %arg2[%dma_wait3A_53, %dma_wait3A_54] : memref<10000x256xf32, #tpu.memory_space<hbm>> -> memref<40x256xf32, #tpu.memory_space<hbm>>
    tpu.wait_dma2 semaphore(%arg11 : memref<!tpu.dma_semaphore, #tpu.memory_space<semaphore_mem>>) src(%dma_wait3A_55 : memref<40x256xf32, #tpu.memory_space<hbm>>) dst(%dma_wait3A_52 : memref<40x256xf32, #tpu.memory_space<vmem>>)
    %add3A_56 = arith.constant 4960 : i32
    %add3A_57 = arith.addi %mul3A_2, %add3A_56 : i32
    %dma_start3A_58 = arith.constant 0 : i32
    %dma_start3A_59 = arith.constant 0 : i32
    %dma_start3A_60 = arith.constant 0 : i32
    %dma_start3A_61 = tpu.memref_slice %arg9[%dma_start3A_58, %dma_start3A_59, %dma_start3A_60] : memref<2x40x256xf32, #tpu.memory_space<vmem>> -> memref<1x40x256xf32, #tpu.memory_space<vmem>>
    %dma_start3A_62 = tpu.memref_squeeze %dma_start3A_61 : memref<1x40x256xf32, #tpu.memory_space<vmem>> -> memref<40x256xf32, #tpu.memory_space<vmem>>
    %dma_start3A_63 = arith.constant 0 : i32
    %dma_start3A_64 = tpu.memref_slice %arg5[%add3A_57, %dma_start3A_63] : memref<160000x256xf32, #tpu.memory_space<hbm>> -> memref<40x256xf32, #tpu.memory_space<hbm>>
    %dma_start3A_65 = arith.constant 0 : i32
    %dma_start3A_66 = tpu.memref_slice %arg5[%add3A_57, %dma_start3A_65] : memref<160000x256xf32, #tpu.memory_space<hbm>> -> memref<40x256xf32, #tpu.memory_space<hbm>>
    %dma_start3A_67 = arith.constant 0 : i32
    %dma_start3A_68 = arith.constant 0 : i32
    %dma_start3A_69 = tpu.memref_slice %arg9[%dma_start3A_58, %dma_start3A_67, %dma_start3A_68] : memref<2x40x256xf32, #tpu.memory_space<vmem>> -> memref<1x40x256xf32, #tpu.memory_space<vmem>>
    %dma_start3A_70 = tpu.memref_squeeze %dma_start3A_69 : memref<1x40x256xf32, #tpu.memory_space<vmem>> -> memref<40x256xf32, #tpu.memory_space<vmem>>
    tpu.enqueue_dma source(%dma_start3A_70 : memref<40x256xf32, #tpu.memory_space<vmem>>) target(%dma_start3A_66 : memref<40x256xf32, #tpu.memory_space<hbm>>) target_semaphore(%arg13 : memref<!tpu.dma_semaphore, #tpu.memory_space<semaphore_mem>>)
    %dma_start3A_71 = arith.constant 0 : i32
    %dma_start3A_72 = arith.constant 0 : i32
    %dma_start3A_73 = arith.constant 0 : i32
    %dma_start3A_74 = tpu.memref_slice %arg10[%dma_start3A_71, %dma_start3A_72, %dma_start3A_73] : memref<2x40x256xf32, #tpu.memory_space<vmem>> -> memref<1x40x256xf32, #tpu.memory_space<vmem>>
    %dma_start3A_75 = tpu.memref_squeeze %dma_start3A_74 : memref<1x40x256xf32, #tpu.memory_space<vmem>> -> memref<40x256xf32, #tpu.memory_space<vmem>>
    %dma_start3A_76 = arith.constant 0 : i32
    %dma_start3A_77 = tpu.memref_slice %arg6[%add3A_57, %dma_start3A_76] : memref<160000x256xf32, #tpu.memory_space<hbm>> -> memref<40x256xf32, #tpu.memory_space<hbm>>
    %dma_start3A_78 = arith.constant 0 : i32
    %dma_start3A_79 = tpu.memref_slice %arg6[%add3A_57, %dma_start3A_78] : memref<160000x256xf32, #tpu.memory_space<hbm>> -> memref<40x256xf32, #tpu.memory_space<hbm>>
    %dma_start3A_80 = arith.constant 0 : i32
    %dma_start3A_81 = arith.constant 0 : i32
    %dma_start3A_82 = tpu.memref_slice %arg10[%dma_start3A_71, %dma_start3A_80, %dma_start3A_81] : memref<2x40x256xf32, #tpu.memory_space<vmem>> -> memref<1x40x256xf32, #tpu.memory_space<vmem>>
    %dma_start3A_83 = tpu.memref_squeeze %dma_start3A_82 : memref<1x40x256xf32, #tpu.memory_space<vmem>> -> memref<40x256xf32, #tpu.memory_space<vmem>>
    tpu.enqueue_dma source(%dma_start3A_83 : memref<40x256xf32, #tpu.memory_space<vmem>>) target(%dma_start3A_79 : memref<40x256xf32, #tpu.memory_space<hbm>>) target_semaphore(%arg13 : memref<!tpu.dma_semaphore, #tpu.memory_space<semaphore_mem>>)
    %dma_wait3A_84 = arith.constant 1 : i32
    %dma_wait3A_85 = arith.constant 0 : i32
    %dma_wait3A_86 = arith.constant 0 : i32
    %dma_wait3A_87 = tpu.memref_slice %arg9[%dma_wait3A_84, %dma_wait3A_85, %dma_wait3A_86] : memref<2x40x256xf32, #tpu.memory_space<vmem>> -> memref<1x40x256xf32, #tpu.memory_space<vmem>>
    %dma_wait3A_88 = tpu.memref_squeeze %dma_wait3A_87 : memref<1x40x256xf32, #tpu.memory_space<vmem>> -> memref<40x256xf32, #tpu.memory_space<vmem>>
    %dma_wait3A_89 = arith.constant 0 : i32
    %dma_wait3A_90 = arith.constant 0 : i32
    %dma_wait3A_91 = tpu.memref_slice %arg5[%dma_wait3A_89, %dma_wait3A_90] : memref<160000x256xf32, #tpu.memory_space<hbm>> -> memref<40x256xf32, #tpu.memory_space<hbm>>
    %dma_wait3A_92 = arith.constant 0 : i32
    %dma_wait3A_93 = arith.constant 0 : i32
    %dma_wait3A_94 = tpu.memref_slice %arg9[%dma_wait3A_84, %dma_wait3A_92, %dma_wait3A_93] : memref<2x40x256xf32, #tpu.memory_space<vmem>> -> memref<1x40x256xf32, #tpu.memory_space<vmem>>
    %dma_wait3A_95 = tpu.memref_squeeze %dma_wait3A_94 : memref<1x40x256xf32, #tpu.memory_space<vmem>> -> memref<40x256xf32, #tpu.memory_space<vmem>>
    %dma_wait3A_96 = arith.constant 0 : i32
    %dma_wait3A_97 = arith.constant 0 : i32
    %dma_wait3A_98 = tpu.memref_slice %arg5[%dma_wait3A_96, %dma_wait3A_97] : memref<160000x256xf32, #tpu.memory_space<hbm>> -> memref<40x256xf32, #tpu.memory_space<hbm>>
    tpu.wait_dma2 semaphore(%arg14 : memref<!tpu.dma_semaphore, #tpu.memory_space<semaphore_mem>>) src(%dma_wait3A_98 : memref<40x256xf32, #tpu.memory_space<hbm>>) dst(%dma_wait3A_95 : memref<40x256xf32, #tpu.memory_space<vmem>>)
    %dma_wait3A_99 = arith.constant 1 : i32
    %dma_wait3A_100 = arith.constant 0 : i32
    %dma_wait3A_101 = arith.constant 0 : i32
    %dma_wait3A_102 = tpu.memref_slice %arg10[%dma_wait3A_99, %dma_wait3A_100, %dma_wait3A_101] : memref<2x40x256xf32, #tpu.memory_space<vmem>> -> memref<1x40x256xf32, #tpu.memory_space<vmem>>
    %dma_wait3A_103 = tpu.memref_squeeze %dma_wait3A_102 : memref<1x40x256xf32, #tpu.memory_space<vmem>> -> memref<40x256xf32, #tpu.memory_space<vmem>>
    %dma_wait3A_104 = arith.constant 0 : i32
    %dma_wait3A_105 = arith.constant 0 : i32
    %dma_wait3A_106 = tpu.memref_slice %arg5[%dma_wait3A_104, %dma_wait3A_105] : memref<160000x256xf32, #tpu.memory_space<hbm>> -> memref<40x256xf32, #tpu.memory_space<hbm>>
    %dma_wait3A_107 = arith.constant 0 : i32
    %dma_wait3A_108 = arith.constant 0 : i32
    %dma_wait3A_109 = tpu.memref_slice %arg10[%dma_wait3A_99, %dma_wait3A_107, %dma_wait3A_108] : memref<2x40x256xf32, #tpu.memory_space<vmem>> -> memref<1x40x256xf32, #tpu.memory_space<vmem>>
    %dma_wait3A_110 = tpu.memref_squeeze %dma_wait3A_109 : memref<1x40x256xf32, #tpu.memory_space<vmem>> -> memref<40x256xf32, #tpu.memory_space<vmem>>
    %dma_wait3A_111 = arith.constant 0 : i32
    %dma_wait3A_112 = arith.constant 0 : i32
    %dma_wait3A_113 = tpu.memref_slice %arg5[%dma_wait3A_111, %dma_wait3A_112] : memref<160000x256xf32, #tpu.memory_space<hbm>> -> memref<40x256xf32, #tpu.memory_space<hbm>>
    tpu.wait_dma2 semaphore(%arg14 : memref<!tpu.dma_semaphore, #tpu.memory_space<semaphore_mem>>) src(%dma_wait3A_113 : memref<40x256xf32, #tpu.memory_space<hbm>>) dst(%dma_wait3A_110 : memref<40x256xf32, #tpu.memory_space<vmem>>)
    %dma_wait3A_114 = arith.constant 0 : i32
    %dma_wait3A_115 = arith.constant 0 : i32
    %dma_wait3A_116 = arith.constant 0 : i32
    %dma_wait3A_117 = tpu.memref_slice %arg9[%dma_wait3A_114, %dma_wait3A_115, %dma_wait3A_116] : memref<2x40x256xf32, #tpu.memory_space<vmem>> -> memref<1x40x256xf32, #tpu.memory_space<vmem>>
    %dma_wait3A_118 = tpu.memref_squeeze %dma_wait3A_117 : memref<1x40x256xf32, #tpu.memory_space<vmem>> -> memref<40x256xf32, #tpu.memory_space<vmem>>
    %dma_wait3A_119 = arith.constant 0 : i32
    %dma_wait3A_120 = arith.constant 0 : i32
    %dma_wait3A_121 = tpu.memref_slice %arg5[%dma_wait3A_119, %dma_wait3A_120] : memref<160000x256xf32, #tpu.memory_space<hbm>> -> memref<40x256xf32, #tpu.memory_space<hbm>>
    %dma_wait3A_122 = arith.constant 0 : i32
    %dma_wait3A_123 = arith.constant 0 : i32
    %dma_wait3A_124 = tpu.memref_slice %arg9[%dma_wait3A_114, %dma_wait3A_122, %dma_wait3A_123] : memref<2x40x256xf32, #tpu.memory_space<vmem>> -> memref<1x40x256xf32, #tpu.memory_space<vmem>>
    %dma_wait3A_125 = tpu.memref_squeeze %dma_wait3A_124 : memref<1x40x256xf32, #tpu.memory_space<vmem>> -> memref<40x256xf32, #tpu.memory_space<vmem>>
    %dma_wait3A_126 = arith.constant 0 : i32
    %dma_wait3A_127 = arith.constant 0 : i32
    %dma_wait3A_128 = tpu.memref_slice %arg5[%dma_wait3A_126, %dma_wait3A_127] : memref<160000x256xf32, #tpu.memory_space<hbm>> -> memref<40x256xf32, #tpu.memory_space<hbm>>
    tpu.wait_dma2 semaphore(%arg13 : memref<!tpu.dma_semaphore, #tpu.memory_space<semaphore_mem>>) src(%dma_wait3A_128 : memref<40x256xf32, #tpu.memory_space<hbm>>) dst(%dma_wait3A_125 : memref<40x256xf32, #tpu.memory_space<vmem>>)
    %dma_wait3A_129 = arith.constant 0 : i32
    %dma_wait3A_130 = arith.constant 0 : i32
    %dma_wait3A_131 = arith.constant 0 : i32
    %dma_wait3A_132 = tpu.memref_slice %arg10[%dma_wait3A_129, %dma_wait3A_130, %dma_wait3A_131] : memref<2x40x256xf32, #tpu.memory_space<vmem>> -> memref<1x40x256xf32, #tpu.memory_space<vmem>>
    %dma_wait3A_133 = tpu.memref_squeeze %dma_wait3A_132 : memref<1x40x256xf32, #tpu.memory_space<vmem>> -> memref<40x256xf32, #tpu.memory_space<vmem>>
    %dma_wait3A_134 = arith.constant 0 : i32
    %dma_wait3A_135 = arith.constant 0 : i32
    %dma_wait3A_136 = tpu.memref_slice %arg5[%dma_wait3A_134, %dma_wait3A_135] : memref<160000x256xf32, #tpu.memory_space<hbm>> -> memref<40x256xf32, #tpu.memory_space<hbm>>
    %dma_wait3A_137 = arith.constant 0 : i32
    %dma_wait3A_138 = arith.constant 0 : i32
    %dma_wait3A_139 = tpu.memref_slice %arg10[%dma_wait3A_129, %dma_wait3A_137, %dma_wait3A_138] : memref<2x40x256xf32, #tpu.memory_space<vmem>> -> memref<1x40x256xf32, #tpu.memory_space<vmem>>
    %dma_wait3A_140 = tpu.memref_squeeze %dma_wait3A_139 : memref<1x40x256xf32, #tpu.memory_space<vmem>> -> memref<40x256xf32, #tpu.memory_space<vmem>>
    %dma_wait3A_141 = arith.constant 0 : i32
    %dma_wait3A_142 = arith.constant 0 : i32
    %dma_wait3A_143 = tpu.memref_slice %arg5[%dma_wait3A_141, %dma_wait3A_142] : memref<160000x256xf32, #tpu.memory_space<hbm>> -> memref<40x256xf32, #tpu.memory_space<hbm>>
    tpu.wait_dma2 semaphore(%arg13 : memref<!tpu.dma_semaphore, #tpu.memory_space<semaphore_mem>>) src(%dma_wait3A_143 : memref<40x256xf32, #tpu.memory_space<hbm>>) dst(%dma_wait3A_140 : memref<40x256xf32, #tpu.memory_space<vmem>>)
    return
  }
}

module attributes {stable_mosaic.version = 14 : i64} {
  func.func @_node1_body(%arg0: i32, %arg1: memref<1000x128xf32, #tpu.memory_space<vmem>>, %arg2: memref<128x128xf32, #tpu.memory_space<vmem>>, %arg3: memref<1x128xf32, #tpu.memory_space<vmem>>, %arg4: memref<1x128xf32, #tpu.memory_space<vmem>>, %arg5: memref<1000x256xf32, #tpu.memory_space<vmem>>) attributes {dimension_semantics = [#tpu.dimension_semantics<arbitrary>], iteration_bounds = array<i64: 10>, scalar_prefetch = 0 : i64, scratch_operands = 0 : i64, tpu.core_type = #tpu.core_type<tc>, window_params = [{transform_indices = @transform_0, window_bounds = array<i64: 1000, 128>}, {pipeline_mode = #tpu.pipeline_mode<synchronous>, transform_indices = @transform_1, window_bounds = array<i64: 128, 128>}, {pipeline_mode = #tpu.pipeline_mode<synchronous>, transform_indices = @transform_2, window_bounds = array<i64: 1, 128>}, {pipeline_mode = #tpu.pipeline_mode<synchronous>, transform_indices = @transform_3, window_bounds = array<i64: 1, 128>}, {transform_indices = @transform_4, window_bounds = array<i64: 1000, 256>}]} {
    %get3A = arith.constant 0 : index
    %get3A_0 = arith.constant 0 : index
    %get3A_1 = vector.load %arg1[%get3A, %get3A_0] : memref<1000x128xf32, #tpu.memory_space<vmem>>, vector<1000x128xf32>
    %get3A_2 = arith.constant 0 : index
    %get3A_3 = arith.constant 0 : index
    %get3A_4 = vector.load %arg2[%get3A_2, %get3A_3] : memref<128x128xf32, #tpu.memory_space<vmem>>, vector<128x128xf32>
    %dot_general3A = arith.constant dense<0.000000e+00> : vector<1000x128xf32>
    %dot_general3A_5 = tpu.matmul %get3A_1, %get3A_4, %dot_general3A {dimension_numbers = #tpu.dot_dimension_numbers<[1], [0], [0], [1], [0, 0, 1, 1], [], []>, transpose_lhs_hint = false} : vector<1000x128xf32>, vector<128x128xf32>, vector<1000x128xf32> -> vector<1000x128xf32>
    %get3A_6 = arith.constant 0 : index
    %get3A_7 = arith.constant 0 : index
    %get3A_8 = vector.load %arg3[%get3A_6, %get3A_7] : memref<1x128xf32, #tpu.memory_space<vmem>>, vector<1x128xf32>
    %mul3A = vector.broadcast %get3A_8 : vector<1x128xf32> to vector<1000x128xf32>
    %mul3A_9 = arith.mulf %dot_general3A_5, %mul3A : vector<1000x128xf32>
    %get3A_10 = arith.constant 0 : index
    %get3A_11 = arith.constant 0 : index
    %get3A_12 = vector.load %arg4[%get3A_10, %get3A_11] : memref<1x128xf32, #tpu.memory_space<vmem>>, vector<1x128xf32>
    %add3A = vector.broadcast %get3A_12 : vector<1x128xf32> to vector<1000x128xf32>
    %add3A_13 = arith.addf %mul3A_9, %add3A : vector<1000x128xf32>
    %tanh3A = math.tanh %add3A_13 : vector<1000x128xf32>
    %swap3A = arith.constant 0 : index
    %swap3A_14 = arith.constant 0 : index
    %swap3A_15 = vector.load %arg5[%swap3A, %swap3A_14] : memref<1000x256xf32, #tpu.memory_space<vmem>>, vector<1000x128xf32>
    tpu.vector_store %arg5[%swap3A, %swap3A_14], %tanh3A {strides = array<i32>} : memref<1000x256xf32, #tpu.memory_space<vmem>>, vector<1000x128xf32>,
    %swap3A_16 = arith.constant 0 : index
    %swap3A_17 = arith.constant 128 : index
    %swap3A_18 = vector.load %arg5[%swap3A_16, %swap3A_17] : memref<1000x256xf32, #tpu.memory_space<vmem>>, vector<1000x128xf32>
    tpu.vector_store %arg5[%swap3A_16, %swap3A_17], %get3A_1 {strides = array<i32>} : memref<1000x256xf32, #tpu.memory_space<vmem>>, vector<1000x128xf32>,
    return
  }
  func.func @transform_0(%arg0: i32) -> (i32, i32) {
    %c0_i32 = arith.constant 0 : i32
    %c0_i32_0 = arith.constant 0 : i32
    return %arg0, %c0_i32 : i32, i32
  }
  func.func @transform_1(%arg0: i32) -> (i32, i32) {
    %c0_i32 = arith.constant 0 : i32
    %c0_i32_0 = arith.constant 0 : i32
    %c0_i32_1 = arith.constant 0 : i32
    return %c0_i32, %c0_i32_0 : i32, i32
  }
  func.func @transform_2(%arg0: i32) -> (i32, i32) {
    %c0_i32 = arith.constant 0 : i32
    %c0_i32_0 = arith.constant 0 : i32
    %c0_i32_1 = arith.constant 0 : i32
    return %c0_i32, %c0_i32_0 : i32, i32
  }
  func.func @transform_3(%arg0: i32) -> (i32, i32) {
    %c0_i32 = arith.constant 0 : i32
    %c0_i32_0 = arith.constant 0 : i32
    %c0_i32_1 = arith.constant 0 : i32
    return %c0_i32, %c0_i32_0 : i32, i32
  }
  func.func @transform_4(%arg0: i32) -> (i32, i32) {
    %c0_i32 = arith.constant 0 : i32
    %c0_i32_0 = arith.constant 0 : i32
    return %arg0, %c0_i32 : i32, i32
  }
}

module attributes {stable_mosaic.version = 14 : i64} {
  func.func @_edge_mlp_body(%arg0: i32, %arg1: memref<2000x256xf32, #tpu.memory_space<vmem>>, %arg2: memref<2000x256xf32, #tpu.memory_space<vmem>>, %arg3: memref<256x320xf32, #tpu.memory_space<vmem>>, %arg4: memref<256x320xf32, #tpu.memory_space<vmem>>, %arg5: memref<1x320xf32, #tpu.memory_space<vmem>>, %arg6: memref<320x128xf32, #tpu.memory_space<vmem>>, %arg7: memref<1x128xf32, #tpu.memory_space<vmem>>, %arg8: memref<2000x128xf32, #tpu.memory_space<vmem>>) attributes {dimension_semantics = [#tpu.dimension_semantics<arbitrary>], iteration_bounds = array<i64: 80>, scalar_prefetch = 0 : i64, scratch_operands = 0 : i64, tpu.core_type = #tpu.core_type<tc>, window_params = [{transform_indices = @transform_0, window_bounds = array<i64: 2000, 256>}, {transform_indices = @transform_1, window_bounds = array<i64: 2000, 256>}, {pipeline_mode = #tpu.pipeline_mode<synchronous>, transform_indices = @transform_2, window_bounds = array<i64: 256, 320>}, {pipeline_mode = #tpu.pipeline_mode<synchronous>, transform_indices = @transform_3, window_bounds = array<i64: 256, 320>}, {pipeline_mode = #tpu.pipeline_mode<synchronous>, transform_indices = @transform_4, window_bounds = array<i64: 1, 320>}, {pipeline_mode = #tpu.pipeline_mode<synchronous>, transform_indices = @transform_5, window_bounds = array<i64: 320, 128>}, {pipeline_mode = #tpu.pipeline_mode<synchronous>, transform_indices = @transform_6, window_bounds = array<i64: 1, 128>}, {transform_indices = @transform_7, window_bounds = array<i64: 2000, 128>}]} {
    %get3A = arith.constant 0 : index
    %get3A_0 = arith.constant 0 : index
    %get3A_1 = vector.load %arg1[%get3A, %get3A_0] : memref<2000x256xf32, #tpu.memory_space<vmem>>, vector<2000x256xf32>
    %get3A_2 = arith.constant 0 : index
    %get3A_3 = arith.constant 0 : index
    %get3A_4 = vector.load %arg2[%get3A_2, %get3A_3] : memref<2000x256xf32, #tpu.memory_space<vmem>>, vector<2000x256xf32>
    %sub3A = arith.subf %get3A_4, %get3A_1 : vector<2000x256xf32>
    %get3A_5 = arith.constant 0 : index
    %get3A_6 = arith.constant 0 : index
    %get3A_7 = vector.load %arg3[%get3A_5, %get3A_6] : memref<256x320xf32, #tpu.memory_space<vmem>>, vector<256x320xf32>
    %dot_general3A = arith.constant dense<0.000000e+00> : vector<2000x320xf32>
    %dot_general3A_8 = tpu.matmul %get3A_1, %get3A_7, %dot_general3A {dimension_numbers = #tpu.dot_dimension_numbers<[1], [0], [0], [1], [0, 0, 1, 1], [], []>, transpose_lhs_hint = false} : vector<2000x256xf32>, vector<256x320xf32>, vector<2000x320xf32> -> vector<2000x320xf32>
    %get3A_9 = arith.constant 0 : index
    %get3A_10 = arith.constant 0 : index
    %get3A_11 = vector.load %arg4[%get3A_9, %get3A_10] : memref<256x320xf32, #tpu.memory_space<vmem>>, vector<256x320xf32>
    %dot_general3A_12 = arith.constant dense<0.000000e+00> : vector<2000x320xf32>
    %dot_general3A_13 = tpu.matmul %sub3A, %get3A_11, %dot_general3A_12 {dimension_numbers = #tpu.dot_dimension_numbers<[1], [0], [0], [1], [0, 0, 1, 1], [], []>, transpose_lhs_hint = false} : vector<2000x256xf32>, vector<256x320xf32>, vector<2000x320xf32> -> vector<2000x320xf32>
    %add3A = arith.addf %dot_general3A_8, %dot_general3A_13 : vector<2000x320xf32>
    %get3A_14 = arith.constant 0 : index
    %get3A_15 = arith.constant 0 : index
    %get3A_16 = vector.load %arg5[%get3A_14, %get3A_15] : memref<1x320xf32, #tpu.memory_space<vmem>>, vector<1x320xf32>
    %add3A_17 = vector.broadcast %get3A_16 : vector<1x320xf32> to vector<2000x320xf32>
    %add3A_18 = arith.addf %add3A, %add3A_17 : vector<2000x320xf32>
    %max3A = arith.constant 0.000000e+00 : f32
    %max3A_19 = vector.broadcast %max3A : f32 to vector<2000x320xf32>
    %max3A_20 = arith.maximumf %add3A_18, %max3A_19 : vector<2000x320xf32>
    %get3A_21 = arith.constant 0 : index
    %get3A_22 = arith.constant 0 : index
    %get3A_23 = vector.load %arg6[%get3A_21, %get3A_22] : memref<320x128xf32, #tpu.memory_space<vmem>>, vector<320x128xf32>
    %dot_general3A_24 = arith.constant dense<0.000000e+00> : vector<2000x128xf32>
    %dot_general3A_25 = tpu.matmul %max3A_20, %get3A_23, %dot_general3A_24 {dimension_numbers = #tpu.dot_dimension_numbers<[1], [0], [0], [1], [0, 0, 1, 1], [], []>, transpose_lhs_hint = false} : vector<2000x320xf32>, vector<320x128xf32>, vector<2000x128xf32> -> vector<2000x128xf32>
    %get3A_26 = arith.constant 0 : index
    %get3A_27 = arith.constant 0 : index
    %get3A_28 = vector.load %arg7[%get3A_26, %get3A_27] : memref<1x128xf32, #tpu.memory_space<vmem>>, vector<1x128xf32>
    %add3A_29 = vector.broadcast %get3A_28 : vector<1x128xf32> to vector<2000x128xf32>
    %add3A_30 = arith.addf %dot_general3A_25, %add3A_29 : vector<2000x128xf32>
    %max3A_31 = arith.constant 0.000000e+00 : f32
    %max3A_32 = vector.broadcast %max3A_31 : f32 to vector<2000x128xf32>
    %max3A_33 = arith.maximumf %add3A_30, %max3A_32 : vector<2000x128xf32>
    %swap3A = arith.constant 0 : index
    %swap3A_34 = arith.constant 0 : index
    %swap3A_35 = vector.load %arg8[%swap3A, %swap3A_34] : memref<2000x128xf32, #tpu.memory_space<vmem>>, vector<2000x128xf32>
    tpu.vector_store %arg8[%swap3A, %swap3A_34], %max3A_33 {strides = array<i32>} : memref<2000x128xf32, #tpu.memory_space<vmem>>, vector<2000x128xf32>,
    return
  }
  func.func @transform_0(%arg0: i32) -> (i32, i32) {
    %c0_i32 = arith.constant 0 : i32
    %c0_i32_0 = arith.constant 0 : i32
    return %arg0, %c0_i32 : i32, i32
  }
  func.func @transform_1(%arg0: i32) -> (i32, i32) {
    %c0_i32 = arith.constant 0 : i32
    %c0_i32_0 = arith.constant 0 : i32
    return %arg0, %c0_i32 : i32, i32
  }
  func.func @transform_2(%arg0: i32) -> (i32, i32) {
    %c0_i32 = arith.constant 0 : i32
    %c0_i32_0 = arith.constant 0 : i32
    %c0_i32_1 = arith.constant 0 : i32
    return %c0_i32, %c0_i32_0 : i32, i32
  }
  func.func @transform_3(%arg0: i32) -> (i32, i32) {
    %c0_i32 = arith.constant 0 : i32
    %c0_i32_0 = arith.constant 0 : i32
    %c0_i32_1 = arith.constant 0 : i32
    return %c0_i32, %c0_i32_0 : i32, i32
  }
  func.func @transform_4(%arg0: i32) -> (i32, i32) {
    %c0_i32 = arith.constant 0 : i32
    %c0_i32_0 = arith.constant 0 : i32
    %c0_i32_1 = arith.constant 0 : i32
    return %c0_i32, %c0_i32_0 : i32, i32
  }
  func.func @transform_5(%arg0: i32) -> (i32, i32) {
    %c0_i32 = arith.constant 0 : i32
    %c0_i32_0 = arith.constant 0 : i32
    %c0_i32_1 = arith.constant 0 : i32
    return %c0_i32, %c0_i32_0 : i32, i32
  }
  func.func @transform_6(%arg0: i32) -> (i32, i32) {
    %c0_i32 = arith.constant 0 : i32
    %c0_i32_0 = arith.constant 0 : i32
    %c0_i32_1 = arith.constant 0 : i32
    return %c0_i32, %c0_i32_0 : i32, i32
  }
  func.func @transform_7(%arg0: i32) -> (i32, i32) {
    %c0_i32 = arith.constant 0 : i32
    %c0_i32_0 = arith.constant 0 : i32
    return %arg0, %c0_i32 : i32, i32
  }
}

module attributes {stable_mosaic.version = 14 : i64} {
  func.func @_node2_body(%arg0: i32, %arg1: memref<2x1000x128xf32, #tpu.memory_space<vmem>>, %arg2: memref<1000x128xf32, #tpu.memory_space<vmem>>, %arg3: memref<128x2xf32, #tpu.memory_space<vmem>>, %arg4: memref<128x2xf32, #tpu.memory_space<vmem>>, %arg5: memref<1x2xf32, #tpu.memory_space<vmem>>, %arg6: memref<1000x2xf32, #tpu.memory_space<vmem>>) attributes {dimension_semantics = [#tpu.dimension_semantics<arbitrary>], iteration_bounds = array<i64: 10>, scalar_prefetch = 0 : i64, scratch_operands = 0 : i64, tpu.core_type = #tpu.core_type<tc>, window_params = [{transform_indices = @transform_0, window_bounds = array<i64: 2, 1000, 128>}, {transform_indices = @transform_1, window_bounds = array<i64: 1000, 128>}, {pipeline_mode = #tpu.pipeline_mode<synchronous>, transform_indices = @transform_2, window_bounds = array<i64: 128, 2>}, {pipeline_mode = #tpu.pipeline_mode<synchronous>, transform_indices = @transform_3, window_bounds = array<i64: 128, 2>}, {pipeline_mode = #tpu.pipeline_mode<synchronous>, transform_indices = @transform_4, window_bounds = array<i64: 1, 2>}, {transform_indices = @transform_5, window_bounds = array<i64: 1000, 2>}]} {
    %get3A = arith.constant 0 : index
    %get3A_0 = arith.constant 0 : index
    %get3A_1 = arith.constant 0 : index
    %get3A_2 = vector.load %arg1[%get3A, %get3A_0, %get3A_1] : memref<2x1000x128xf32, #tpu.memory_space<vmem>>, vector<1x1000x128xf32>
    %get3A_3 = vector.shape_cast %get3A_2 : vector<1x1000x128xf32> to vector<1000x128xf32>
    %get3A_4 = arith.constant 1 : index
    %get3A_5 = arith.constant 0 : index
    %get3A_6 = arith.constant 0 : index
    %get3A_7 = vector.load %arg1[%get3A_4, %get3A_5, %get3A_6] : memref<2x1000x128xf32, #tpu.memory_space<vmem>>, vector<1x1000x128xf32>
    %get3A_8 = vector.shape_cast %get3A_7 : vector<1x1000x128xf32> to vector<1000x128xf32>
    %add3A = arith.addf %get3A_3, %get3A_8 : vector<1000x128xf32>
    %get3A_9 = arith.constant 0 : index
    %get3A_10 = arith.constant 0 : index
    %get3A_11 = vector.load %arg3[%get3A_9, %get3A_10] : memref<128x2xf32, #tpu.memory_space<vmem>>, vector<128x2xf32>
    %dot_general3A = arith.constant dense<0.000000e+00> : vector<1000x2xf32>
    %dot_general3A_12 = tpu.matmul %add3A, %get3A_11, %dot_general3A {dimension_numbers = #tpu.dot_dimension_numbers<[1], [0], [0], [1], [0, 0, 1, 1], [], []>, transpose_lhs_hint = false} : vector<1000x128xf32>, vector<128x2xf32>, vector<1000x2xf32> -> vector<1000x2xf32>
    %get3A_13 = arith.constant 0 : index
    %get3A_14 = arith.constant 0 : index
    %get3A_15 = vector.load %arg2[%get3A_13, %get3A_14] : memref<1000x128xf32, #tpu.memory_space<vmem>>, vector<1000x128xf32>
    %get3A_16 = arith.constant 0 : index
    %get3A_17 = arith.constant 0 : index
    %get3A_18 = vector.load %arg4[%get3A_16, %get3A_17] : memref<128x2xf32, #tpu.memory_space<vmem>>, vector<128x2xf32>
    %dot_general3A_19 = arith.constant dense<0.000000e+00> : vector<1000x2xf32>
    %dot_general3A_20 = tpu.matmul %get3A_15, %get3A_18, %dot_general3A_19 {dimension_numbers = #tpu.dot_dimension_numbers<[1], [0], [0], [1], [0, 0, 1, 1], [], []>, transpose_lhs_hint = false} : vector<1000x128xf32>, vector<128x2xf32>, vector<1000x2xf32> -> vector<1000x2xf32>
    %add3A_21 = arith.addf %dot_general3A_12, %dot_general3A_20 : vector<1000x2xf32>
    %get3A_22 = arith.constant 0 : index
    %get3A_23 = arith.constant 0 : index
    %get3A_24 = vector.load %arg5[%get3A_22, %get3A_23] : memref<1x2xf32, #tpu.memory_space<vmem>>, vector<1x2xf32>
    %add3A_25 = vector.broadcast %get3A_24 : vector<1x2xf32> to vector<1000x2xf32>
    %add3A_26 = arith.addf %add3A_21, %add3A_25 : vector<1000x2xf32>
    %swap3A = arith.constant 0 : index
    %swap3A_27 = arith.constant 0 : index
    %swap3A_28 = vector.load %arg6[%swap3A, %swap3A_27] : memref<1000x2xf32, #tpu.memory_space<vmem>>, vector<1000x2xf32>
    tpu.vector_store %arg6[%swap3A, %swap3A_27], %add3A_26 {strides = array<i32>} : memref<1000x2xf32, #tpu.memory_space<vmem>>, vector<1000x2xf32>,
    return
  }
  func.func @transform_0(%arg0: i32) -> (i32, i32, i32) {
    %c0_i32 = arith.constant 0 : i32
    %c0_i32_0 = arith.constant 0 : i32
    %c0_i32_1 = arith.constant 0 : i32
    return %c0_i32, %arg0, %c0_i32_0 : i32, i32, i32
  }
  func.func @transform_1(%arg0: i32) -> (i32, i32) {
    %c0_i32 = arith.constant 0 : i32
    %c0_i32_0 = arith.constant 0 : i32
    return %arg0, %c0_i32 : i32, i32
  }
  func.func @transform_2(%arg0: i32) -> (i32, i32) {
    %c0_i32 = arith.constant 0 : i32
    %c0_i32_0 = arith.constant 0 : i32
    %c0_i32_1 = arith.constant 0 : i32
    return %c0_i32, %c0_i32_0 : i32, i32
  }
  func.func @transform_3(%arg0: i32) -> (i32, i32) {
    %c0_i32 = arith.constant 0 : i32
    %c0_i32_0 = arith.constant 0 : i32
    %c0_i32_1 = arith.constant 0 : i32
    return %c0_i32, %c0_i32_0 : i32, i32
  }
  func.func @transform_4(%arg0: i32) -> (i32, i32) {
    %c0_i32 = arith.constant 0 : i32
    %c0_i32_0 = arith.constant 0 : i32
    %c0_i32_1 = arith.constant 0 : i32
    return %c0_i32, %c0_i32_0 : i32, i32
  }
  func.func @transform_5(%arg0: i32) -> (i32, i32) {
    %c0_i32 = arith.constant 0 : i32
    %c0_i32_0 = arith.constant 0 : i32
    return %arg0, %c0_i32 : i32, i32
  }
}

</mosaic_0001>

<sc_bundles>
// kernel: kernel.10.cloned.1.call-start
scs
__scs_entry_jumppad:
0x0: {  	(pc) =	sbr.rel $0x88, $3  }
0x1: {  	(tag) =	ssettag $0x0;
	lr =	simm.s32 $0x1  }
0x2: {  	[smem:$0x3F93] =	sst lr;
	_ =	strace $0xD0000000  }
0x3: {  	_ = 	snop  }
0x4: {  	_ = 	snop  }
0x5: {  	_ = 	snop  }
0x6: {  	_ = 	snop  }
0x7: {  	_ = 	snop  }
__scs_overlays_trampoline_lowered:
0x8: {  	[smem:$0x3FA2] =	sst s0  }
0x9: {  	[smem:$0x3FA3] =	sst s1  }
0xa: {  	[smem:$0x3FA4] =	sst s2  }
0xb: {  	[smem:$0x3FA5] =	sst s3  }
0xc: {  	[smem:$0x3FA6] =	sst s4  }
0xd: {  	[smem:$0x3FA7] =	sst s5  }
0xe: {  	[smem:$0x3FA8] =	sst s6  }
0xf: {  	[smem:$0x3FA9] =	sst s7  }
0x10: {  	[smem:$0x3FAA] =	sst s8  }
0x11: {  	[smem:$0x3FAB] =	sst s9;
	s0 =	simm.s32 @!p0 $0x0  }
0x12: {  	s1 =	sld [smem:$0x3F91];
	s0 =	simm.s32 @p0 $0x1  }
0x13: {  	[smem:$0x3FAC] =	sst s0;
	s0 =	simm.s32 @!p1 $0x0  }
0x14: {  	s2 =	sld [smem:$0x3F90];
	s0 =	simm.s32 @p1 $0x1  }
0x15: {  	[smem:$0x3FAD] =	sst s0;
	s0 =	simm.s32 @!p2 $0x0  }
0x16: {  	s3 =	sld [smem:$0x3FDB];
	s0 =	simm.s32 @p2 $0x1  }
0x17: {  	s4 =	simm.s32 $0x1BF5;
	[smem:$0x3FAF] =	sst s0  }
0x18: {  	s0 =	sld [smem:$0x3F92];
	_ =	swait.ge [sflag:s4], $0x0  }
0x19: {  	s7 =	sld [smem:$0x3F93]  }
0x1a: {  	s8 =	sadd.s32 $0xFFFFE003, lr  }
0x1b: {  	s9 =	sadd.s32 $0xFFFFFEF7, lr;
	s5 =	simm.s32 $0xFFFFFFFF;
	p2 =	slt.u32 s8, $0xFFFFF086  }
0x1c: {  	p1 =	slt.u32 s9, $0xF7A;
	s5 =	simm.s32 @!p2 $0x0  }
0x1d: {  	s5 =	simm.s32 @p1 $0x1;
	p0 =	seq.s32 s7, s2  }
0x1e: {  	s7 =	smul.u32 @!p0 $0xF7A, s2;
	p2 =	seq.s32 @!p0 s5, $0x0  }
0x1f: {  	s9 =	smul.u32 $0xF7A, s1;
	s8 =	simm.s32 @!p0 $0x1BF5;
	p2 =	por !p2, p0  }
0x20: {  	[sflag:s8] =	ssyncset.s32 @!p0 $0xFFFFF086;
	s6 =	sadd.s32 @!p0 s3, s7;
	s7 =	simm.s32 @!p0 $0x108  }
0x21: {  	s3 =	sadd.s32 s3, s9;
	s6 =	sadd.s32 @!p0 $0x88, s6;
	s7 =	simm.s32 @p2 $0x1082  }
0x22: {  	[simem:s7], [sflag:s8] =	dma.local @!p0 [hbm:s6], $0xF7A  }
0x23: {  	s9 =	sor.u32 $0xD0000000, s2;
	s6 =	simm.s32 $0x108;
	_ =	swait.ge @!p0 [sflag:s8], $0x0  }
0x24: {  	s3 =	sadd.s32 $0x88, s3;
	s6 =	simm.s32 @!p1 $0x1082;
	[sflag:s4] =	ssyncset.s32 $0xFFFFF086  }
0x25: {  	[simem:s6], [sflag:s4] =	dma.local [hbm:s3], $0xF7A  }
0x26: {  	[smem:$0x3F93] =	sst s1;
	(tag) =	ssettag s2;
	_ =	strace s9  }
0x27: {  	s1 =	sld [smem:$0x3FA3]  }
0x28: {  	s2 =	sld [smem:$0x3FA4]  }
0x29: {  	s4 =	sld [smem:$0x3FA6]  }
0x2a: {  	p0 =	seq.s32 s5, $0x0;
	s5 =	sld [smem:$0x3FA7]  }
0x2b: {  	s6 =	sld [smem:$0x3FA8]  }
0x2c: {  	s7 =	sld [smem:$0x3FA9]  }
0x2d: {  	s3 =	simm.s32 $0x108;
	s8 =	sld [smem:$0x3FAA]  }
0x2e: {  	s3 =	simm.s32 @!p0 $0x1082;
	s9 =	sld [smem:$0x3FAB]  }
0x2f: {  	lr =	sadd.s32 s0, s3;
	s0 =	sld [smem:$0x3FA2]  }
0x30: {  	s3 =	sld [smem:$0x3FA5]  }
0x31: {  	[smem:$0x3FAE] =	sst s10  }
0x32: {  	s10 =	sld [smem:$0x3FAC];
	_ =	sdelay $0x3  }
0x33: {  	p0 =	seq.s32 s10, $0x1;
	s10 =	sld [smem:$0x3FAE];
	_ =	sdelay $0x3  }
0x34: {  	[smem:$0x3FAE] =	sst s10  }
0x35: {  	s10 =	sld [smem:$0x3FAD];
	_ =	sdelay $0x3  }
0x36: {  	p1 =	seq.s32 s10, $0x1;
	s10 =	sld [smem:$0x3FAE];
	_ =	sdelay $0x3  }
0x37: {  	[smem:$0x3FAE] =	sst s10  }
0x38: {  	s10 =	sld [smem:$0x3FAF]  }
0x39: {  	_ = 	snop;
	(pc) =	sbr.ind lr, $3  }
0x3a: {  	_ = 	snop  }
0x3b: {  	_ = 	snop  }
0x3c: {  	p2 =	seq.s32 s10, $0x1;
	s10 =	sld [smem:$0x3FAE]  }
0x3d: {  	_ =	shalt  }
0x3e: {  	_ =	shalt  }
0x3f: {  	_ =	shalt  }
0x40: {  	_ =	shalt  }
0x41: {  	_ =	shalt  }
0x42: {  	_ =	shalt  }
0x43: {  	_ =	shalt  }
0x44: {  	_ =	shalt  }
0x45: {  	_ =	shalt  }
0x46: {  	_ =	shalt  }
0x47: {  	_ =	shalt  }
0x48: {  	_ =	shalt  }
0x49: {  	_ =	shalt  }
0x4a: {  	_ =	shalt  }
0x4b: {  	_ =	shalt  }
0x4c: {  	_ =	shalt  }
0x4d: {  	_ =	shalt  }
0x4e: {  	_ =	shalt  }
0x4f: {  	_ =	shalt  }
0x50: {  	_ =	shalt  }
0x51: {  	_ =	shalt  }
0x52: {  	_ =	shalt  }
0x53: {  	_ =	shalt  }
0x54: {  	_ =	shalt  }
0x55: {  	_ =	shalt  }
0x56: {  	_ =	shalt  }
0x57: {  	_ =	shalt  }
0x58: {  	_ =	shalt  }
0x59: {  	_ =	shalt  }
0x5a: {  	_ =	shalt  }
0x5b: {  	_ =	shalt  }
0x5c: {  	_ =	shalt  }
0x5d: {  	_ =	shalt  }
0x5e: {  	_ =	shalt  }
0x5f: {  	_ =	shalt  }
0x60: {  	_ =	shalt  }
0x61: {  	_ =	shalt  }
0x62: {  	_ =	shalt  }
0x63: {  	_ =	shalt  }
0x64: {  	_ =	shalt  }
0x65: {  	_ =	shalt  }
0x66: {  	_ =	shalt  }
0x67: {  	_ =	shalt  }
0x68: {  	_ =	shalt  }
0x69: {  	_ =	shalt  }
0x6a: {  	_ =	shalt  }
0x6b: {  	_ =	shalt  }
0x6c: {  	_ =	shalt  }
0x6d: {  	_ =	shalt  }
0x6e: {  	_ =	shalt  }
0x6f: {  	_ =	shalt  }
0x70: {  	_ =	shalt  }
0x71: {  	_ =	shalt  }
0x72: {  	_ =	shalt  }
0x73: {  	_ =	shalt  }
0x74: {  	_ =	shalt  }
0x75: {  	_ =	shalt  }
0x76: {  	_ =	shalt  }
0x77: {  	_ =	shalt  }
0x78: {  	_ =	shalt  }
0x79: {  	_ =	shalt  }
0x7a: {  	_ =	shalt  }
0x7b: {  	_ =	shalt  }
0x7c: {  	_ =	shalt  }
0x7d: {  	_ =	shalt  }
0x7e: {  	_ =	shalt  }
0x7f: {  	_ =	shalt  }
0x80: {  	_ =	shalt  }
0x81: {  	_ =	shalt  }
0x82: {  	_ =	shalt  }
0x83: {  	_ =	shalt  }
0x84: {  	_ =	shalt  }
0x85: {  	_ =	shalt  }
0x86: {  	_ =	shalt  }
0x87: {  	_ =	shalt  }
.Lfunc_end0:
.L_simem_size_0:
called_computation_lowered:
.L_overlay_start_0:
0x88: {  	s2 =	sld [smem:$0x3FD9]  }
0x89: {  	s3 =	sld [smem:$0x3FFE];
	_ =	sdelay $0x1  }
0x8a: {  	s1 =	srdreg.scid  }
0x8b: {  	s0 =	sand.u32 $0x1, s1  }
0x8c: {  	s17 =	sshll.u32 s0, $0xA;
	s2 =	sadd.s32 s3, s2  }
0x8d: {  	s2 =	sadd.s32 s2, s17  }
0x8e: {  	[smem:$0x3FBA] =	sst s2  }
0x8f: {  	_ = 	snop  }
0x90: {  	s18 =	sld [smem:$0x3FD0];
	(tm) =	ssettm $0x1  }
0x91: {  	s19 =	sld [smem:$0x3FFB];
	_ =	sdelay $0x3  }
0x92: {  	_ =	strace s19  }
0x93: {  	s2 =	sld [smem:$0x3FFC];
	_ =	sdelay $0x3  }
0x94: {  	_ =	strace s2  }
0x95: {  	s2 =	sld [smem:$0x3FFD];
	_ =	sdelay $0x3  }
0x96: {  	_ =	strace s2  }
0x97: {  	_ =	strace $0x8FFFFFFF  }
0x98: {  	s20 =	sld [smem:$0x3FDB];
	_ =	sdelay $0x1  }
0x99: {  	s4 =	simm.s32 $_scs_section_size  }
0x9a: {  	s5 =	simm.s32 $_size__tile_overlayer_lowered;
	s6 =	simm.s32 $_tile_overlayer_lowered  }
0x9b: {  	s7 =	simm.s32 $0x1BFF;
	s21 =	sshll.u32 s6, $0x1;
	s4 =	sadd.s32 s4, s20  }
0x9c: {  	s22 =	simm.s32 $0x0;
	s5 =	sshll.u32 s5, $0x1;
	s6 =	sadd.s32 s21, s4  }
0x9d: {  	[timem:s22], [sflag:s7] =	dma.local [hbm:s6], s5  }
0x9e: {  	_ =	swait.ge [sflag:s7], s5  }
0x9f: {  	s5 =	ssub.s32 $0x0, s5;
	[sflag:s7] =	ssyncset.done $0x0  }
0xa0: {  	[sflag:s7] =	ssyncadd.s32 s5;
	_ =	sdelay $0x1  }
0xa1: {  	s23 =	simm.s32 $0x1B8B  }
0xa2: {  	_ =	swait.ge [sflag:s23], $0x1  }
0xa3: {  	[sflag:s23] =	ssyncset.done $0x0  }
0xa4: {  	[sflag:s23] =	ssyncadd.s32 $0xFFFFFFFF  }
0xa5: {  	s5 =	sld [smem:$0x0]  }
0xa6: {  	s6 =	sand.u32 $0xFFFFFFFE, s1  }
0xa7: {  	p0 =	sne.s32 s1, s6  }
0xa8: {  	s6 =	sshll.u32 @p0 s6, $0xE  }
0xa9: {  	s6 =	sadd.s32 @p0 $0x11B8D, s6;
	s7 =	sshll.u32 @p0 s5, $0x11  }
0xaa: {  	s6 =	sor.u32 @p0 s7, s6  }
0xab: {  	[sflag:s6] =	ssyncadd.remote.s32 @p0 $0x1;
	_ =	sdelay $0x1  }
0xac: {  	s6 =	simm.s32 @p0 $0x1B8D  }
0xad: {  	_ =	swait.eq @p0 [sflag:s6], $0x1  }
0xae: {  	[sflag:s6] =	ssyncadd.s32 @p0 $0xFFFFFFFF  }
0xaf: {  	s7 =	sshll.u32 @!p0 s1, $0xE  }
0xb0: {  	s7 =	sor.u32 @!p0 $0x4000, s7;
	s6 =	simm.s32 @!p0 $0x1B8D  }
0xb1: {  	s5 =	sshll.u32 @!p0 s5, $0x11;
	s7 =	sadd.s32 @!p0 $0x11B8D, s7;
	_ =	swait.eq @!p0 [sflag:s6], $0x1  }
0xb2: {  	s5 =	sor.u32 @!p0 s5, s7;
	[sflag:s6] =	ssyncadd.s32 @!p0 $0xFFFFFFFF  }
0xb3: {  	s25 =	simm.s32 $0x1B8E;
	s24 =	sld [smem:$0x3FFE];
	[sflag:s5] =	ssyncadd.remote.s32 @!p0 $0x1  }
0xb4: {  	s26 =	simm.s32 $execute0_lowered;
	[smem:$0x3FD2] =	sst s25  }
0xb5: {  	s6 =	sshll.u32 s26, $0x1;
	_ =	strace $0x80000049;
	[dreg:$0x1] =	wrdreg $0xFFFFFFFF  }
0xb6: {  	s28 =	simm.s32 $_size_execute0_lowered;
	s4 =	sadd.s32 s4, s6;
	[dreg:$0x0] =	wrdreg $0x0  }
0xb7: {  	s6 =	sshll.u32 s28, $0x1;
	[dreg:$0x2] =	wrdreg s4  }
0xb8: {  	[dreg:$0x3] =	wrdreg s6  }
0xb9: {  	[dreg:$0x4] =	wrdreg $0xC0  }
0xba: {  	_ =	task [dreg:s22], $0x5FFFF  }
0xbb: {  	[dreg:$0x1] =	wrdreg $0xFFFFFFFF  }
0xbc: {  	[dreg:$0x0] =	wrdreg $0x60  }
0xbd: {  	[dreg:$0x2] =	wrdreg s24  }
0xbe: {  	[dreg:$0x3] =	wrdreg s18  }
0xbf: {  	[dreg:$0x4] =	wrdreg $0x9  }
0xc0: {  	_ =	task.clear_ibuf [dreg:s22], $0x5FFFF;
	_ =	strace $0x90000049  }
0xc1: {  	s29 =	simm.s32 $0x9;
	_ =	strace $0x8000004B  }
0xc2: {  	_ =	swait.ge [sflag:s29], $0x1  }
0xc3: {  	[sflag:s29] =	ssyncadd.s32 $0xFFFFFFFF  }
0xc4: {  	_ =	strace $0x9000004B  }
0xc5: {  	_ =	sfence  }
0xc6: {  	s30 =	sld [smem:$0x0];
	_ =	sdelay $0x2  }
0xc7: {  	s31 =	sshll.u32 s1, $0xD;
	s1 =	sshrl.u32 s1, $0x2  }
0xc8: {  	s4 =	sand.u32 $0x4000, s31;
	s1 =	sadd.s32 s1, s30  }
0xc9: {  	s0 =	sor.u32 s4, s0;
	s1 =	sshll.u32 s1, $0x11  }
0xca: {  	s0 =	sor.u32 s1, s0  }
0xcb: {  	s0 =	sadd.s32 $0x8F2B, s0  }
0xcc: {  	[sflag:s0] =	ssyncadd.remote.s32 $0x1  }
0xcd: {  	_ =	sfence.sel $0xFFFF  }
0xce: {  	[dreg:$0x0] =	wrdreg $0xFFFFFFFF;
	(pc) =	sbr.abs _section_cstart, $3  }
0xcf: {  	[dreg:$0x1] =	wrdreg $0xFFFFFFFF  }
0xd0: {  	_ =	task.clear_ibuf [dreg:s22], $0x2FFFF;
	_ =	strace $0x9FFFFFFF  }
0xd1: {  	(tm) =	ssettm $0x7FFFFFFF  }
tec
execute0_lowered:
.L_overlay_start_1:
0x0: {  	(tag) =	ssettag $0x1  }
0x1: {  	s0 =	srdreg.scid;
	s1 =	rddreg [dreg:$0x0]  }
0x2: {  	s11 =	stileid.u32;
	s4 =	rddreg [dreg:$0x1];
	s12 =	simm.s32 $0x3000  }
0x3: {  	s13 =	simm.s32 $0x3800;
	s14 =	simm.s32 $0x4000;
	s15 =	simm.s32 $0x4800  }
0x4: {  	s16 =	simm.s32 $0x7800;
	s17 =	simm.s32 $0x8000;
	s23 =	simm.s32 $0x5800  }
0x5: {  	s24 =	simm.s32 $0x6000;
	s25 =	simm.s32 $0x6800;
	s26 =	simm.s32 $0x7000  }
0x6: {  	s28 =	simm.s32 $0x1;
	s29 =	simm.s32 $0x3;
	s30 =	simm.s32 $0x2  }
0x7: {  	s31 =	simm.s32 $0x4;
	s0 =	sand.u32 $0x1, s0;
	s2 =	sshll.u32 s11, $0x1  }
0x8: {  	s9 =	sadd.s32 $0xA37600, s1;
	s5 =	sor.u32 s0, s2;
	s2 =	simm.s32 $0x0  }
0x9: {  	s18 =	smul.u32 $0x4E200, s11;
	s8 =	ssub.s32 $0x2, s0;
	[smem:$0x7FF] =	sst s2  }
0xa: {  	s0 =	smul.u32 $0x27100, s0;
	_ =	strace $0x8000004A;
	[dreg:$0x5] =	wrdreg s23  }
0xb: {  	s11 =	simm.s32 $0x2800;
	s3 =	smul.u32 $0x1388, s5;
	[dreg:$0x6] =	wrdreg s24  }
0xc: {  	s10 =	sshrl.u32 s8, $0x1;
	s5 =	smul.u32 $0x138800, s5;
	[dreg:$0x7] =	wrdreg s25  }
0xd: {  	s22 =	sadd.s32 s18, s9;
	s8 =	ssub.s32 s8, s10;
	[dreg:$0x8] =	wrdreg s26  }
0xe: {  	s23 =	simm.s32 $0xA800;
	s24 =	simm.s32 $0xB000;
	s25 =	simm.s32 $0xB800  }
0xf: {  	s26 =	simm.s32 $0xC000;
	s6 =	sshrl.u32 s3, $0x3;
	s3 =	sadd.s32 $0x20400, s1  }
0x10: {  	s5 =	sshrl.u32 s5, $0x3;
	s8 =	smax.u32 s8, $0x1;
	s7 =	sadd.s32 s6, s1  }
0x11: {  	s1 =	sadd.s32 $0xF19600, s1;
	s4 =	sadd.s32 s4, s6;
	s19 =	sadd.s32 $0x26C00, s5  }
0x12: {  	s7 =	sadd.s32 $0xA32600, s7;
	[dreg:$0xa] =	wrdreg s4;
	s20 =	sadd.s32 s18, s1  }
0x13: {  	s21 =	sadd.s32 s9, s19;
	s9 =	simm.s32 $0x5;
	[dreg:$0x9] =	wrdreg s7  }
0x14: {  	s18 =	simm.s32 $0x8800;
	[dreg:$0xb] =	wrdreg s21;
	s5 =	sadd.s32 s0, s20  }
0x15: {  	v2 =	vlaneseq.u32;
	s7 =	sadd.s32 s1, s19;
	s0 =	sadd.s32 s0, s22;
	s19 =	simm.s32 $0x9000  }
0x16: {  	vm0 =	vmmov $0xffff;
	v1 =	vshrl.u32 v2, $0x3;
	s20 =	simm.s32 $0x9800;
	s21 =	simm.s32 $0x5000;
	[dreg:$0x3] =	wrdreg s5  }
0x17: {  	v0 =	vand.u32 $0x7, v2;
	v2 =	vor.u32 $0x8, v2;
	v1 =	vmul.u32 $0x8, v1;
	s22 =	simm.s32 $0xA000;
	s1 =	simm.s32 $0x0;
	[dreg:$0x4] =	wrdreg s0  }
.LBB2_1:
0x18: {  	s0 =	rddreg [dreg:$0x9]  }
0x19: {  	[tilespmem:s2], [sflag:$0x5] =	stream.linear.gather [hbm4b:s0+s2], $0x1388, $0x38;
	[tilespmem:$0xC800] =	vst v63  }
0x1a: {  	_ =	swait.ge [sflag:s9], $0x1388  }
0x1b: {  	[sflag:s9] =	ssyncset.done $0x0  }
0x1c: {  	s4 =	simm.s32 $0x1400;
	s10 =	rddreg [dreg:$0xa];
	[sflag:s9] =	ssyncadd.s32 $0xFFFFEC78  }
0x1d: {  	[tilespmem:s4], [sflag:$0x5] =	stream.linear.gather [hbm4b:s10+s2], $0x1388, $0x38;
	[tilespmem:$0xC800] =	vst v63  }
0x1e: {  	_ =	swait.ge [sflag:s9], $0x1388  }
0x1f: {  	[sflag:s9] =	ssyncset.done $0x0  }
0x20: {  	[sflag:s9] =	ssyncadd.s32 $0xFFFFEC78  }
0x21: {  	v3 =	vld [tilespmem:$0x0];
	_ =	sdelay $0x4  }
0x22: {  	v4 =	vshll.u32 v3, $0x1  }
0x23: {  	v3 =	vand.u32 $0x7, v3;
	v4 =	vand.u32 $0xFFFFFFF0, v4  }
0x24: {  	v3 =	vor.u32 v3, v4  }
0x25: {  	v4 =	vperm.xlane v3, v0;
	_ =	sdelay $0x1  }
0x26: {  	v3 =	vperm.xlane v3, v2;
	v4 =	vadd.s32 v1, v4;
	_ =	sdelay $0x1  }
0x27: {  	v3 =	vadd.s32 v1, v3;
	_ =	sdelay $0x2  }
0x28: {  	[tilespmem:s11], [sflag:$0x1] =	stream.indirect_vreg.gather [hbm4b:s3+s2], $0x80, v4, vm0, $0xb8;
	[tilespmem:$0xC800] =	vst v63  }
0x29: {  	_ = 	snop  }
0x2a: {  	[tilespmem:s12], [sflag:$0x1] =	stream.indirect_vreg.gather [hbm4b:s3+s2], $0x80, v3, vm0, $0xb8;
	[tilespmem:$0xC800] =	vst v63  }
0x2b: {  	v3 =	vld [tilespmem:$0x10];
	_ =	sdelay $0x4  }
0x2c: {  	v59 =	vshll.u32 v3, $0x1  }
0x2d: {  	v3 =	vand.u32 $0x7, v3;
	v4 =	vand.u32 $0xFFFFFFF0, v59  }
0x2e: {  	v3 =	vor.u32 v3, v4  }
0x2f: {  	v4 =	vperm.xlane v3, v0;
	_ =	sdelay $0x1  }
0x30: {  	v3 =	vperm.xlane v3, v2;
	v4 =	vadd.s32 v1, v4;
	_ =	sdelay $0x1  }
0x31: {  	v3 =	vadd.s32 v1, v3;
	_ =	sdelay $0x2  }
0x32: {  	[tilespmem:s13], [sflag:$0x1] =	stream.indirect_vreg.gather [hbm4b:s3+s2], $0x80, v4, vm0, $0xb8;
	[tilespmem:$0xC800] =	vst v63  }
0x33: {  	_ = 	snop  }
0x34: {  	[tilespmem:s14], [sflag:$0x1] =	stream.indirect_vreg.gather [hbm4b:s3+s2], $0x80, v3, vm0, $0xb8;
	[tilespmem:$0xC800] =	vst v63  }
0x35: {  	v3 =	vld.msk [tilespmem:$0x20], $0xff;
	_ =	sdelay $0x4  }
0x36: {  	v60 =	vshll.u32 v3, $0x1  }
0x37: {  	v3 =	vand.u32 $0x7, v3;
	v4 =	vand.u32 $0xFFFFFFF0, v60  }
0x38: {  	v3 =	vor.u32 v3, v4  }
0x39: {  	v3 =	vperm.xlane v3, v0;
	_ =	sdelay $0x1  }
0x3a: {  	v3 =	vadd.s32 v1, v3;
	_ =	sdelay $0x4  }
0x3b: {  	[tilespmem:s15], [sflag:$0x1] =	stream.indirect_vreg.gather [hbm4b:s3+s2], $0x80, v3, vm0, $0xb8;
	[tilespmem:$0xC800] =	vst v63  }
0x3c: {  	v3 =	vld [tilespmem:$0x1400];
	_ =	sdelay $0x4  }
0x3d: {  	v61 =	vshll.u32 v3, $0x1  }
0x3e: {  	v3 =	vand.u32 $0x7, v3;
	v4 =	vand.u32 $0xFFFFFFF0, v61  }
0x3f: {  	v3 =	vor.u32 v3, v4  }
0x40: {  	v4 =	vperm.xlane v3, v0;
	_ =	sdelay $0x1  }
0x41: {  	v3 =	vperm.xlane v3, v2;
	v4 =	vadd.s32 v1, v4;
	_ =	sdelay $0x1  }
0x42: {  	v3 =	vadd.s32 v1, v3;
	_ =	sdelay $0x2  }
0x43: {  	[tilespmem:s16], [sflag:$0x1] =	stream.indirect_vreg.gather [hbm4b:s3+s2], $0x80, v4, vm0, $0xb8;
	[tilespmem:$0xC800] =	vst v63  }
0x44: {  	_ = 	snop  }
0x45: {  	[tilespmem:s17], [sflag:$0x1] =	stream.indirect_vreg.gather [hbm4b:s3+s2], $0x80, v3, vm0, $0xb8;
	[tilespmem:$0xC800] =	vst v63  }
0x46: {  	v3 =	vld [tilespmem:$0x1410];
	_ =	sdelay $0x4  }
0x47: {  	v62 =	vshll.u32 v3, $0x1  }
0x48: {  	v3 =	vand.u32 $0x7, v3;
	v4 =	vand.u32 $0xFFFFFFF0, v62  }
0x49: {  	v3 =	vor.u32 v3, v4  }
0x4a: {  	v4 =	vperm.xlane v3, v0;
	_ =	sdelay $0x1  }
0x4b: {  	v3 =	vperm.xlane v3, v2;
	v4 =	vadd.s32 v1, v4;
	_ =	sdelay $0x1  }
0x4c: {  	v3 =	vadd.s32 v1, v3;
	_ =	sdelay $0x2  }
0x4d: {  	[tilespmem:s18], [sflag:$0x1] =	stream.indirect_vreg.gather [hbm4b:s3+s2], $0x80, v4, vm0, $0xb8;
	[tilespmem:$0xC800] =	vst v63  }
0x4e: {  	_ = 	snop  }
0x4f: {  	[tilespmem:s19], [sflag:$0x1] =	stream.indirect_vreg.gather [hbm4b:s3+s2], $0x80, v3, vm0, $0xb8;
	[tilespmem:$0xC800] =	vst v63  }
0x50: {  	v3 =	vld.msk [tilespmem:$0x1420], $0xff;
	_ =	sdelay $0x4  }
0x51: {  	v63 =	vshll.u32 v3, $0x1  }
0x52: {  	v3 =	vand.u32 $0x7, v3;
	v4 =	vand.u32 $0xFFFFFFF0, v63  }
0x53: {  	v3 =	vor.u32 v3, v4  }
0x54: {  	v3 =	vperm.xlane v3, v0;
	_ =	sdelay $0x1  }
0x55: {  	v3 =	vadd.s32 v1, v3;
	_ =	sdelay $0x3  }
0x56: {  	s0 =	simm.s32 $0x38;
	s10 =	simm.s32 $0x1438;
	s4 =	simm.s32 $0x0  }
0x57: {  	[tilespmem:s20], [sflag:$0x1] =	stream.indirect_vreg.gather [hbm4b:s3+s2], $0x80, v3, vm0, $0xb8;
	[tilespmem:$0xC800] =	vst v63  }
.LBB2_2:
0x58: {  	p0 =	seq.s32 s4, $0x0  }
0x59: {  	s5 =	simm.s32 @!p0 $0x4  }
0x5a: {  	_ =	swait.ge @!p0 [sflag:s5], $0x2800  }
0x5b: {  	[sflag:s5] =	ssyncset.done @!p0 $0x0  }
0x5c: {  	[sflag:s5] =	ssyncadd.s32 @!p0 $0xFFFFD800  }
0x5d: {  	_ =	swait.ge @!p0 [sflag:s5], $0x2800  }
0x5e: {  	[sflag:s5] =	ssyncset.done @!p0 $0x0  }
0x5f: {  	[sflag:s5] =	ssyncadd.s32 @!p0 $0xFFFFD800  }
0x60: {  	v3 =	vld [tilespmem:s0+$0xFFFFFFF0];
	_ =	sdelay $0x4  }
0x61: {  	v4 =	vshll.u32 v3, $0x1  }
0x62: {  	v3 =	vand.u32 $0x7, v3;
	v4 =	vand.u32 $0xFFFFFFF0, v4  }
0x63: {  	v3 =	vor.u32 v3, v4  }
0x64: {  	v4 =	vperm.xlane v3, v0;
	_ =	sdelay $0x1  }
0x65: {  	v3 =	vperm.xlane v3, v2;
	v4 =	vadd.s32 v1, v4;
	_ =	sdelay $0x1  }
0x66: {  	v3 =	vadd.s32 v1, v3;
	_ =	sdelay $0x2  }
0x67: {  	[tilespmem:s21], [sflag:$0x2] =	stream.indirect_vreg.gather [hbm4b:s3+s2], $0x80, v4, vm0, $0xb8;
	[tilespmem:$0xC800] =	vst v63  }
0x68: {  	s6 =	rddreg [dreg:$0x5]  }
0x69: {  	[tilespmem:s6], [sflag:$0x2] =	stream.indirect_vreg.gather [hbm4b:s3+s2], $0x80, v3, vm0, $0xb8;
	[tilespmem:$0xC800] =	vst v63  }
0x6a: {  	v3 =	vld [tilespmem:s0+$0x0];
	_ =	sdelay $0x4  }
0x6b: {  	v53 =	vshll.u32 v3, $0x1  }
0x6c: {  	v3 =	vand.u32 $0x7, v3;
	v4 =	vand.u32 $0xFFFFFFF0, v53  }
0x6d: {  	v3 =	vor.u32 v3, v4  }
0x6e: {  	v4 =	vperm.xlane v3, v0;
	_ =	sdelay $0x1  }
0x6f: {  	v3 =	vperm.xlane v3, v2;
	v4 =	vadd.s32 v1, v4;
	_ =	sdelay $0x1  }
0x70: {  	v3 =	vadd.s32 v1, v3;
	_ =	sdelay $0x1  }
0x71: {  	s5 =	rddreg [dreg:$0x6]  }
0x72: {  	[tilespmem:s5], [sflag:$0x2] =	stream.indirect_vreg.gather [hbm4b:s3+s2], $0x80, v4, vm0, $0xb8;
	[tilespmem:$0xC800] =	vst v63  }
0x73: {  	s6 =	rddreg [dreg:$0x7]  }
0x74: {  	[tilespmem:s6], [sflag:$0x2] =	stream.indirect_vreg.gather [hbm4b:s3+s2], $0x80, v3, vm0, $0xb8;
	[tilespmem:$0xC800] =	vst v63  }
0x75: {  	v3 =	vld.msk [tilespmem:s0+$0x10], $0xff;
	_ =	sdelay $0x4  }
0x76: {  	v54 =	vshll.u32 v3, $0x1  }
0x77: {  	v3 =	vand.u32 $0x7, v3;
	v4 =	vand.u32 $0xFFFFFFF0, v54  }
0x78: {  	v3 =	vor.u32 v3, v4  }
0x79: {  	v3 =	vperm.xlane v3, v0;
	_ =	sdelay $0x1  }
0x7a: {  	v3 =	vadd.s32 v1, v3;
	_ =	sdelay $0x3  }
0x7b: {  	s6 =	rddreg [dreg:$0x8]  }
0x7c: {  	[tilespmem:s6], [sflag:$0x2] =	stream.indirect_vreg.gather [hbm4b:s3+s2], $0x80, v3, vm0, $0xb8;
	[tilespmem:$0xC800] =	vst v63  }
0x7d: {  	v3 =	vld [tilespmem:s10+$0xFFFFFFF0];
	_ =	sdelay $0x4  }
0x7e: {  	v55 =	vshll.u32 v3, $0x1  }
0x7f: {  	v3 =	vand.u32 $0x7, v3;
	v4 =	vand.u32 $0xFFFFFFF0, v55  }
0x80: {  	v3 =	vor.u32 v3, v4  }
0x81: {  	v4 =	vperm.xlane v3, v0;
	_ =	sdelay $0x1  }
0x82: {  	v3 =	vperm.xlane v3, v2;
	v4 =	vadd.s32 v1, v4;
	_ =	sdelay $0x1  }
0x83: {  	v3 =	vadd.s32 v1, v3;
	_ =	sdelay $0x2  }
0x84: {  	[tilespmem:s22], [sflag:$0x2] =	stream.indirect_vreg.gather [hbm4b:s3+s2], $0x80, v4, vm0, $0xb8;
	[tilespmem:$0xC800] =	vst v63  }
0x85: {  	_ = 	snop  }
0x86: {  	[tilespmem:s23], [sflag:$0x2] =	stream.indirect_vreg.gather [hbm4b:s3+s2], $0x80, v3, vm0, $0xb8;
	[tilespmem:$0xC800] =	vst v63  }
0x87: {  	v3 =	vld [tilespmem:s10+$0x0];
	_ =	sdelay $0x4  }
0x88: {  	v56 =	vshll.u32 v3, $0x1  }
0x89: {  	v3 =	vand.u32 $0x7, v3;
	v4 =	vand.u32 $0xFFFFFFF0, v56  }
0x8a: {  	v3 =	vor.u32 v3, v4  }
0x8b: {  	v4 =	vperm.xlane v3, v0;
	_ =	sdelay $0x1  }
0x8c: {  	v3 =	vperm.xlane v3, v2;
	v4 =	vadd.s32 v1, v4;
	_ =	sdelay $0x1  }
0x8d: {  	v3 =	vadd.s32 v1, v3;
	_ =	sdelay $0x2  }
0x8e: {  	[tilespmem:s24], [sflag:$0x2] =	stream.indirect_vreg.gather [hbm4b:s3+s2], $0x80, v4, vm0, $0xb8;
	[tilespmem:$0xC800] =	vst v63  }
0x8f: {  	_ = 	snop  }
0x90: {  	[tilespmem:s25], [sflag:$0x2] =	stream.indirect_vreg.gather [hbm4b:s3+s2], $0x80, v3, vm0, $0xb8;
	[tilespmem:$0xC800] =	vst v63  }
0x91: {  	v3 =	vld.msk [tilespmem:s10+$0x10], $0xff;
	_ =	sdelay $0x4  }
0x92: {  	v57 =	vshll.u32 v3, $0x1  }
0x93: {  	v3 =	vand.u32 $0x7, v3;
	v4 =	vand.u32 $0xFFFFFFF0, v57  }
0x94: {  	v3 =	vor.u32 v3, v4  }
0x95: {  	v3 =	vperm.xlane v3, v0;
	_ =	sdelay $0x1  }
0x96: {  	v3 =	vadd.s32 v1, v3;
	_ =	sdelay $0x4  }
0x97: {  	[tilespmem:s26], [sflag:$0x2] =	stream.indirect_vreg.gather [hbm4b:s3+s2], $0x80, v3, vm0, $0xb8;
	[tilespmem:$0xC800] =	vst v63  }
0x98: {  	_ =	swait.ge [sflag:s28], $0x2800  }
0x99: {  	[sflag:s28] =	ssyncset.done $0x0  }
0x9a: {  	[sflag:s28] =	ssyncadd.s32 $0xFFFFD800  }
0x9b: {  	_ =	swait.ge [sflag:s28], $0x2800  }
0x9c: {  	s5 =	rddreg [dreg:$0x4];
	[sflag:s28] =	ssyncset.done $0x0  }
0x9d: {  	s6 =	rddreg [dreg:$0x3];
	[sflag:s28] =	ssyncadd.s32 $0xFFFFD800;
	s5 =	sadd.s32 s4, s5  }
0x9e: {  	[hbm4b:s5+s2] =	stream.linear.scatter [tilespmem:s11], [sflag:$0x3], $0x2800, $0x38;
	[tilespmem:$0xC800] =	vst v63  }
0x9f: {  	s6 =	sadd.s32 s4, s6  }
0xa0: {  	[hbm4b:s6+s2] =	stream.linear.scatter [tilespmem:s16], [sflag:$0x3], $0x2800, $0x38;
	[tilespmem:$0xC800] =	vst v63  }
0xa1: {  	_ =	swait.ge [sflag:s29], $0x2800  }
0xa2: {  	[sflag:s29] =	ssyncset.done $0x0  }
0xa3: {  	[sflag:s29] =	ssyncadd.s32 $0xFFFFD800  }
0xa4: {  	_ =	swait.ge [sflag:s29], $0x2800  }
0xa5: {  	[sflag:s29] =	ssyncset.done $0x0  }
0xa6: {  	[sflag:s29] =	ssyncadd.s32 $0xFFFFD800  }
0xa7: {  	v3 =	vld [tilespmem:s0+$0x18];
	_ =	sdelay $0x4  }
0xa8: {  	v58 =	vshll.u32 v3, $0x1  }
0xa9: {  	v3 =	vand.u32 $0x7, v3;
	v4 =	vand.u32 $0xFFFFFFF0, v58  }
0xaa: {  	v3 =	vor.u32 v3, v4  }
0xab: {  	v4 =	vperm.xlane v3, v0;
	_ =	sdelay $0x1  }
0xac: {  	v3 =	vperm.xlane v3, v2;
	v4 =	vadd.s32 v1, v4;
	_ =	sdelay $0x1  }
0xad: {  	v3 =	vadd.s32 v1, v3;
	_ =	sdelay $0x2  }
0xae: {  	[tilespmem:s11], [sflag:$0x1] =	stream.indirect_vreg.gather [hbm4b:s3+s2], $0x80, v4, vm0, $0xb8;
	[tilespmem:$0xC800] =	vst v63  }
0xaf: {  	_ = 	snop  }
0xb0: {  	[tilespmem:s12], [sflag:$0x1] =	stream.indirect_vreg.gather [hbm4b:s3+s2], $0x80, v3, vm0, $0xb8;
	[tilespmem:$0xC800] =	vst v63  }
0xb1: {  	v3 =	vld [tilespmem:s0+$0x28];
	_ =	sdelay $0x4  }
0xb2: {  	v59 =	vshll.u32 v3, $0x1  }
0xb3: {  	v3 =	vand.u32 $0x7, v3;
	v4 =	vand.u32 $0xFFFFFFF0, v59  }
0xb4: {  	v3 =	vor.u32 v3, v4  }
0xb5: {  	v4 =	vperm.xlane v3, v0;
	_ =	sdelay $0x1  }
0xb6: {  	v3 =	vperm.xlane v3, v2;
	v4 =	vadd.s32 v1, v4;
	_ =	sdelay $0x1  }
0xb7: {  	v3 =	vadd.s32 v1, v3;
	_ =	sdelay $0x2  }
0xb8: {  	[tilespmem:s13], [sflag:$0x1] =	stream.indirect_vreg.gather [hbm4b:s3+s2], $0x80, v4, vm0, $0xb8;
	[tilespmem:$0xC800] =	vst v63  }
0xb9: {  	_ = 	snop  }
0xba: {  	[tilespmem:s14], [sflag:$0x1] =	stream.indirect_vreg.gather [hbm4b:s3+s2], $0x80, v3, vm0, $0xb8;
	[tilespmem:$0xC800] =	vst v63  }
0xbb: {  	v3 =	vld.msk [tilespmem:s0+$0x38], $0xff;
	_ =	sdelay $0x4  }
0xbc: {  	v60 =	vshll.u32 v3, $0x1  }
0xbd: {  	v3 =	vand.u32 $0x7, v3;
	v4 =	vand.u32 $0xFFFFFFF0, v60  }
0xbe: {  	v3 =	vor.u32 v3, v4  }
0xbf: {  	v3 =	vperm.xlane v3, v0;
	_ =	sdelay $0x1  }
0xc0: {  	v3 =	vadd.s32 v1, v3;
	_ =	sdelay $0x4  }
0xc1: {  	[tilespmem:s15], [sflag:$0x1] =	stream.indirect_vreg.gather [hbm4b:s3+s2], $0x80, v3, vm0, $0xb8;
	[tilespmem:$0xC800] =	vst v63  }
0xc2: {  	v3 =	vld [tilespmem:s10+$0x18];
	_ =	sdelay $0x4  }
0xc3: {  	v61 =	vshll.u32 v3, $0x1  }
0xc4: {  	v3 =	vand.u32 $0x7, v3;
	v4 =	vand.u32 $0xFFFFFFF0, v61  }
0xc5: {  	v3 =	vor.u32 v3, v4  }
0xc6: {  	v4 =	vperm.xlane v3, v0;
	_ =	sdelay $0x1  }
0xc7: {  	v3 =	vperm.xlane v3, v2;
	v4 =	vadd.s32 v1, v4;
	_ =	sdelay $0x1  }
0xc8: {  	v3 =	vadd.s32 v1, v3;
	_ =	sdelay $0x2  }
0xc9: {  	[tilespmem:s16], [sflag:$0x1] =	stream.indirect_vreg.gather [hbm4b:s3+s2], $0x80, v4, vm0, $0xb8;
	[tilespmem:$0xC800] =	vst v63  }
0xca: {  	_ = 	snop  }
0xcb: {  	[tilespmem:s17], [sflag:$0x1] =	stream.indirect_vreg.gather [hbm4b:s3+s2], $0x80, v3, vm0, $0xb8;
	[tilespmem:$0xC800] =	vst v63  }
0xcc: {  	v3 =	vld [tilespmem:s10+$0x28];
	_ =	sdelay $0x4  }
0xcd: {  	v62 =	vshll.u32 v3, $0x1  }
0xce: {  	v3 =	vand.u32 $0x7, v3;
	v4 =	vand.u32 $0xFFFFFFF0, v62  }
0xcf: {  	v3 =	vor.u32 v3, v4  }
0xd0: {  	v4 =	vperm.xlane v3, v0;
	_ =	sdelay $0x1  }
0xd1: {  	v3 =	vperm.xlane v3, v2;
	v4 =	vadd.s32 v1, v4;
	_ =	sdelay $0x1  }
0xd2: {  	v3 =	vadd.s32 v1, v3;
	_ =	sdelay $0x2  }
0xd3: {  	[tilespmem:s18], [sflag:$0x1] =	stream.indirect_vreg.gather [hbm4b:s3+s2], $0x80, v4, vm0, $0xb8;
	[tilespmem:$0xC800] =	vst v63  }
0xd4: {  	_ = 	snop  }
0xd5: {  	[tilespmem:s19], [sflag:$0x1] =	stream.indirect_vreg.gather [hbm4b:s3+s2], $0x80, v3, vm0, $0xb8;
	[tilespmem:$0xC800] =	vst v63  }
0xd6: {  	v3 =	vld.msk [tilespmem:s10+$0x38], $0xff;
	_ =	sdelay $0x4  }
0xd7: {  	v63 =	vshll.u32 v3, $0x1  }
0xd8: {  	v3 =	vand.u32 $0x7, v3;
	v4 =	vand.u32 $0xFFFFFFF0, v63  }
0xd9: {  	v3 =	vor.u32 v3, v4  }
0xda: {  	v3 =	vperm.xlane v3, v0;
	_ =	sdelay $0x1  }
0xdb: {  	v3 =	vadd.s32 v1, v3;
	_ =	sdelay $0x4  }
0xdc: {  	[tilespmem:s20], [sflag:$0x1] =	stream.indirect_vreg.gather [hbm4b:s3+s2], $0x80, v3, vm0, $0xb8;
	[tilespmem:$0xC800] =	vst v63  }
0xdd: {  	_ =	swait.ge [sflag:s30], $0x2800  }
0xde: {  	[sflag:s30] =	ssyncset.done $0x0  }
0xdf: {  	s4 =	sadd.s32 $0xA00, s4;
	[sflag:s30] =	ssyncadd.s32 $0xFFFFD800  }
0xe0: {  	p0 =	sne.s32 s4, $0x26C00;
	_ =	swait.ge [sflag:s30], $0x2800  }
.Ltmp0:
0xe1: {  	[sflag:s30] =	ssyncset.done $0x0;
	(pc) =	sbr.rel @p0 .LBB2_2-.Ltmp0, $4  }
0xe2: {  	s5 =	sadd.s32 $0x500, s5;
	[sflag:s30] =	ssyncadd.s32 $0xFFFFD800  }
0xe3: {  	[hbm4b:s5+s2] =	stream.linear.scatter [tilespmem:s21], [sflag:$0x4], $0x2800, $0x38;
	[tilespmem:$0xC800] =	vst v63  }
0xe4: {  	s6 =	sadd.s32 $0x500, s6;
	s0 =	sadd.s32 $0x50, s0;
	s10 =	sadd.s32 $0x50, s10  }
0xe5: {  	[hbm4b:s6+s2] =	stream.linear.scatter [tilespmem:s22], [sflag:$0x4], $0x2800, $0x38;
	[tilespmem:$0xC800] =	vst v63  }
0xe6: {  	_ =	swait.ge [sflag:s28], $0x2800  }
0xe7: {  	[sflag:s28] =	ssyncset.done $0x0  }
0xe8: {  	[sflag:s28] =	ssyncadd.s32 $0xFFFFD800  }
0xe9: {  	_ =	swait.ge [sflag:s28], $0x2800  }
0xea: {  	[sflag:s28] =	ssyncset.done $0x0  }
0xeb: {  	s0 =	rddreg [dreg:$0xb];
	[sflag:s28] =	ssyncadd.s32 $0xFFFFD800  }
0xec: {  	[hbm4b:s0+s2] =	stream.linear.scatter [tilespmem:s11], [sflag:$0x3], $0x2800, $0x38;
	[tilespmem:$0xC800] =	vst v63  }
0xed: {  	_ = 	snop  }
0xee: {  	[hbm4b:s7+s2] =	stream.linear.scatter [tilespmem:s16], [sflag:$0x3], $0x2800, $0x38;
	[tilespmem:$0xC800] =	vst v63  }
0xef: {  	_ =	swait.ge [sflag:s31], $0x2800  }
0xf0: {  	[sflag:s31] =	ssyncset.done $0x0  }
0xf1: {  	[sflag:s31] =	ssyncadd.s32 $0xFFFFD800  }
0xf2: {  	_ =	swait.ge [sflag:s31], $0x2800  }
0xf3: {  	[sflag:s31] =	ssyncset.done $0x0  }
0xf4: {  	s1 =	sadd.s32 $0x1, s1;
	[sflag:s31] =	ssyncadd.s32 $0xFFFFD800  }
0xf5: {  	p0 =	sne.s32 s1, s8;
	_ =	swait.ge [sflag:s29], $0x2800  }
.Ltmp1:
0xf6: {  	[sflag:s29] =	ssyncset.done $0x0;
	(pc) =	sbr.rel @p0 .LBB2_1-.Ltmp1, $4  }
0xf7: {  	[sflag:s29] =	ssyncadd.s32 $0xFFFFD800  }
0xf8: {  	_ =	swait.ge [sflag:s29], $0x2800  }
0xf9: {  	[sflag:s29] =	ssyncset.done $0x0  }
0xfa: {  	[sflag:s29] =	ssyncadd.s32 $0xFFFFD800  }
0xfb: {  	_ =	sfence.sel $0x180000  }
0xfc: {  	[bflag:$0x0] =	sbarrier.arrive $0xFFFF  }
0xfd: {  	_ =	strace $0x9000004A  }
0xfe: {  	s0 =	stileid.u32;
	[bflag:$0x2] =	sbarrier.arrive $0xFFFF  }
0xff: {  	p0 =	sne.s32 s0, $0x0;
	s0 =	rddreg [dreg:$0x2]  }
0x100: {  	s0 =	sadd.s32 @!p0 $0x100000, s0  }
0x101: {  	[sflag:s0] =	ssyncadd.tile.s32 @!p0 $0x1;
	_ =	shalt  }
.Lfunc_end2:
_tile_overlayer_lowered:
.L_overlay_start_2:
0x102: {  	(tag) =	ssettag $0x2  }
0x103: {  	s0 =	rddreg [dreg:$0x0];
	s2 =	stileid.u32  }
0x104: {  	s1 =	rddreg [dreg:$0x1];
	p0 =	sne.s32 s2, $0x0  }
0x105: {  	s3 =	rddreg [dreg:$0x2];
	[bflag:$0x3] =	sbarrier.arrive $0xFFFF;
	s2 =	simm.s32 @!p0 $0x1C05  }
0x106: {  	[timem:s3], [sflag:s2] =	dma.local @!p0 [hbm:s0], s1  }
0x107: {  	s0 =	simm.s32 @!p0 $0x5  }
0x108: {  	_ =	swait.ge @!p0 [sflag:s0], s1  }
0x109: {  	s1 =	ssub.s32 @!p0 $0x0, s1;
	[sflag:s0] =	ssyncset.done @!p0 $0x0  }
0x10a: {  	[sflag:s0] =	ssyncadd.s32 @!p0 s1  }
0x10b: {  	[bflag:$0x3] =	sbarrier.arrive $0xFFFF  }
0x10c: {  	_ =	shalt  }

// kernel: kernel.13.cloned.1.call-start
scs
__scs_entry_jumppad:
0x0: {  	(pc) =	sbr.rel $0x88, $3  }
0x1: {  	(tag) =	ssettag $0x0;
	lr =	simm.s32 $0x1  }
0x2: {  	[smem:$0x3F93] =	sst lr;
	_ =	strace $0xD0000000  }
0x3: {  	_ = 	snop  }
0x4: {  	_ = 	snop  }
0x5: {  	_ = 	snop  }
0x6: {  	_ = 	snop  }
0x7: {  	_ = 	snop  }
__scs_overlays_trampoline_lowered:
0x8: {  	[smem:$0x3FA2] =	sst s0  }
0x9: {  	[smem:$0x3FA3] =	sst s1  }
0xa: {  	[smem:$0x3FA4] =	sst s2  }
0xb: {  	[smem:$0x3FA5] =	sst s3  }
0xc: {  	[smem:$0x3FA6] =	sst s4  }
0xd: {  	[smem:$0x3FA7] =	sst s5  }
0xe: {  	[smem:$0x3FA8] =	sst s6  }
0xf: {  	[smem:$0x3FA9] =	sst s7  }
0x10: {  	[smem:$0x3FAA] =	sst s8  }
0x11: {  	[smem:$0x3FAB] =	sst s9;
	s0 =	simm.s32 @!p0 $0x0  }
0x12: {  	s1 =	sld [smem:$0x3F91];
	s0 =	simm.s32 @p0 $0x1  }
0x13: {  	[smem:$0x3FAC] =	sst s0;
	s0 =	simm.s32 @!p1 $0x0  }
0x14: {  	s2 =	sld [smem:$0x3F90];
	s0 =	simm.s32 @p1 $0x1  }
0x15: {  	[smem:$0x3FAD] =	sst s0;
	s0 =	simm.s32 @!p2 $0x0  }
0x16: {  	s3 =	sld [smem:$0x3FDB];
	s0 =	simm.s32 @p2 $0x1  }
0x17: {  	s4 =	simm.s32 $0x1BF5;
	[smem:$0x3FAF] =	sst s0  }
0x18: {  	s0 =	sld [smem:$0x3F92];
	_ =	swait.ge [sflag:s4], $0x0  }
0x19: {  	s7 =	sld [smem:$0x3F93]  }
0x1a: {  	s8 =	sadd.s32 $0xFFFFE003, lr  }
0x1b: {  	s9 =	sadd.s32 $0xFFFFFEF7, lr;
	s5 =	simm.s32 $0xFFFFFFFF;
	p2 =	slt.u32 s8, $0xFFFFF086  }
0x1c: {  	p1 =	slt.u32 s9, $0xF7A;
	s5 =	simm.s32 @!p2 $0x0  }
0x1d: {  	s5 =	simm.s32 @p1 $0x1;
	p0 =	seq.s32 s7, s2  }
0x1e: {  	s7 =	smul.u32 @!p0 $0xF7A, s2;
	p2 =	seq.s32 @!p0 s5, $0x0  }
0x1f: {  	s9 =	smul.u32 $0xF7A, s1;
	s8 =	simm.s32 @!p0 $0x1BF5;
	p2 =	por !p2, p0  }
0x20: {  	[sflag:s8] =	ssyncset.s32 @!p0 $0xFFFFF086;
	s6 =	sadd.s32 @!p0 s3, s7;
	s7 =	simm.s32 @!p0 $0x108  }
0x21: {  	s3 =	sadd.s32 s3, s9;
	s6 =	sadd.s32 @!p0 $0x88, s6;
	s7 =	simm.s32 @p2 $0x1082  }
0x22: {  	[simem:s7], [sflag:s8] =	dma.local @!p0 [hbm:s6], $0xF7A  }
0x23: {  	s9 =	sor.u32 $0xD0000000, s2;
	s6 =	simm.s32 $0x108;
	_ =	swait.ge @!p0 [sflag:s8], $0x0  }
0x24: {  	s3 =	sadd.s32 $0x88, s3;
	s6 =	simm.s32 @!p1 $0x1082;
	[sflag:s4] =	ssyncset.s32 $0xFFFFF086  }
0x25: {  	[simem:s6], [sflag:s4] =	dma.local [hbm:s3], $0xF7A  }
0x26: {  	[smem:$0x3F93] =	sst s1;
	(tag) =	ssettag s2;
	_ =	strace s9  }
0x27: {  	s1 =	sld [smem:$0x3FA3]  }
0x28: {  	s2 =	sld [smem:$0x3FA4]  }
0x29: {  	s4 =	sld [smem:$0x3FA6]  }
0x2a: {  	p0 =	seq.s32 s5, $0x0;
	s5 =	sld [smem:$0x3FA7]  }
0x2b: {  	s6 =	sld [smem:$0x3FA8]  }
0x2c: {  	s7 =	sld [smem:$0x3FA9]  }
0x2d: {  	s3 =	simm.s32 $0x108;
	s8 =	sld [smem:$0x3FAA]  }
0x2e: {  	s3 =	simm.s32 @!p0 $0x1082;
	s9 =	sld [smem:$0x3FAB]  }
0x2f: {  	lr =	sadd.s32 s0, s3;
	s0 =	sld [smem:$0x3FA2]  }
0x30: {  	s3 =	sld [smem:$0x3FA5]  }
0x31: {  	[smem:$0x3FAE] =	sst s10  }
0x32: {  	s10 =	sld [smem:$0x3FAC];
	_ =	sdelay $0x3  }
0x33: {  	p0 =	seq.s32 s10, $0x1;
	s10 =	sld [smem:$0x3FAE];
	_ =	sdelay $0x3  }
0x34: {  	[smem:$0x3FAE] =	sst s10  }
0x35: {  	s10 =	sld [smem:$0x3FAD];
	_ =	sdelay $0x3  }
0x36: {  	p1 =	seq.s32 s10, $0x1;
	s10 =	sld [smem:$0x3FAE];
	_ =	sdelay $0x3  }
0x37: {  	[smem:$0x3FAE] =	sst s10  }
0x38: {  	s10 =	sld [smem:$0x3FAF]  }
0x39: {  	_ = 	snop;
	(pc) =	sbr.ind lr, $3  }
0x3a: {  	_ = 	snop  }
0x3b: {  	_ = 	snop  }
0x3c: {  	p2 =	seq.s32 s10, $0x1;
	s10 =	sld [smem:$0x3FAE]  }
0x3d: {  	_ =	shalt  }
0x3e: {  	_ =	shalt  }
0x3f: {  	_ =	shalt  }
0x40: {  	_ =	shalt  }
0x41: {  	_ =	shalt  }
0x42: {  	_ =	shalt  }
0x43: {  	_ =	shalt  }
0x44: {  	_ =	shalt  }
0x45: {  	_ =	shalt  }
0x46: {  	_ =	shalt  }
0x47: {  	_ =	shalt  }
0x48: {  	_ =	shalt  }
0x49: {  	_ =	shalt  }
0x4a: {  	_ =	shalt  }
0x4b: {  	_ =	shalt  }
0x4c: {  	_ =	shalt  }
0x4d: {  	_ =	shalt  }
0x4e: {  	_ =	shalt  }
0x4f: {  	_ =	shalt  }
0x50: {  	_ =	shalt  }
0x51: {  	_ =	shalt  }
0x52: {  	_ =	shalt  }
0x53: {  	_ =	shalt  }
0x54: {  	_ =	shalt  }
0x55: {  	_ =	shalt  }
0x56: {  	_ =	shalt  }
0x57: {  	_ =	shalt  }
0x58: {  	_ =	shalt  }
0x59: {  	_ =	shalt  }
0x5a: {  	_ =	shalt  }
0x5b: {  	_ =	shalt  }
0x5c: {  	_ =	shalt  }
0x5d: {  	_ =	shalt  }
0x5e: {  	_ =	shalt  }
0x5f: {  	_ =	shalt  }
0x60: {  	_ =	shalt  }
0x61: {  	_ =	shalt  }
0x62: {  	_ =	shalt  }
0x63: {  	_ =	shalt  }
0x64: {  	_ =	shalt  }
0x65: {  	_ =	shalt  }
0x66: {  	_ =	shalt  }
0x67: {  	_ =	shalt  }
0x68: {  	_ =	shalt  }
0x69: {  	_ =	shalt  }
0x6a: {  	_ =	shalt  }
0x6b: {  	_ =	shalt  }
0x6c: {  	_ =	shalt  }
0x6d: {  	_ =	shalt  }
0x6e: {  	_ =	shalt  }
0x6f: {  	_ =	shalt  }
0x70: {  	_ =	shalt  }
0x71: {  	_ =	shalt  }
0x72: {  	_ =	shalt  }
0x73: {  	_ =	shalt  }
0x74: {  	_ =	shalt  }
0x75: {  	_ =	shalt  }
0x76: {  	_ =	shalt  }
0x77: {  	_ =	shalt  }
0x78: {  	_ =	shalt  }
0x79: {  	_ =	shalt  }
0x7a: {  	_ =	shalt  }
0x7b: {  	_ =	shalt  }
0x7c: {  	_ =	shalt  }
0x7d: {  	_ =	shalt  }
0x7e: {  	_ =	shalt  }
0x7f: {  	_ =	shalt  }
0x80: {  	_ =	shalt  }
0x81: {  	_ =	shalt  }
0x82: {  	_ =	shalt  }
0x83: {  	_ =	shalt  }
0x84: {  	_ =	shalt  }
0x85: {  	_ =	shalt  }
0x86: {  	_ =	shalt  }
0x87: {  	_ =	shalt  }
.Lfunc_end0:
.L_simem_size_0:
called_computation.1_lowered:
.L_overlay_start_0:
0x88: {  	s2 =	sld [smem:$0x3FD9]  }
0x89: {  	s3 =	sld [smem:$0x3FFE];
	_ =	sdelay $0x1  }
0x8a: {  	s1 =	srdreg.scid  }
0x8b: {  	s0 =	sand.u32 $0x1, s1  }
0x8c: {  	s16 =	sshll.u32 s0, $0xA;
	s2 =	sadd.s32 s3, s2  }
0x8d: {  	s2 =	sadd.s32 s2, s16  }
0x8e: {  	[smem:$0x3FBA] =	sst s2  }
0x8f: {  	_ = 	snop  }
0x90: {  	(tm) =	ssettm $0x1  }
0x91: {  	s17 =	sld [smem:$0x3FFB];
	_ =	sdelay $0x3  }
0x92: {  	_ =	strace s17  }
0x93: {  	s2 =	sld [smem:$0x3FFC];
	_ =	sdelay $0x3  }
0x94: {  	_ =	strace s2  }
0x95: {  	s2 =	sld [smem:$0x3FFD];
	_ =	sdelay $0x3  }
0x96: {  	_ =	strace s2  }
0x97: {  	_ =	strace $0x8FFFFFFF  }
0x98: {  	s18 =	sld [smem:$0x3FDB];
	_ =	sdelay $0x1  }
0x99: {  	s19 =	simm.s32 $_scs_section_size  }
0x9a: {  	s4 =	simm.s32 $_size__tile_overlayer_lowered;
	s5 =	simm.s32 $_tile_overlayer_lowered  }
0x9b: {  	s22 =	simm.s32 $0x1BFF;
	s21 =	sshll.u32 s5, $0x1;
	s2 =	sadd.s32 s19, s18  }
0x9c: {  	s6 =	simm.s32 $0x0;
	s20 =	sshll.u32 s4, $0x1;
	s4 =	sadd.s32 s21, s2  }
0x9d: {  	[timem:s6], [sflag:s22] =	dma.local [hbm:s4], s20  }
0x9e: {  	_ =	swait.ge [sflag:s22], s20  }
0x9f: {  	s3 =	ssub.s32 $0x0, s20;
	[sflag:s22] =	ssyncset.done $0x0  }
0xa0: {  	[sflag:s22] =	ssyncadd.s32 s3;
	_ =	sdelay $0x1  }
0xa1: {  	s23 =	simm.s32 $0x1B8B  }
0xa2: {  	_ =	swait.ge [sflag:s23], $0x1  }
0xa3: {  	[sflag:s23] =	ssyncset.done $0x0  }
0xa4: {  	s25 =	simm.s32 $0x1B8E;
	s24 =	sld [smem:$0x3FFE];
	[sflag:s23] =	ssyncadd.s32 $0xFFFFFFFF  }
0xa5: {  	s26 =	simm.s32 $execute0_lowered;
	[smem:$0x3FD2] =	sst s25  }
0xa6: {  	s4 =	sshll.u32 s26, $0x1;
	_ =	strace $0x80000046;
	[dreg:$0x1] =	wrdreg $0xFFFFFFFF  }
0xa7: {  	s28 =	simm.s32 $_size_execute0_lowered;
	s2 =	sadd.s32 s2, s4;
	[dreg:$0x0] =	wrdreg $0x0  }
0xa8: {  	s4 =	sshll.u32 s28, $0x1;
	[dreg:$0x2] =	wrdreg s2  }
0xa9: {  	[dreg:$0x3] =	wrdreg s4  }
0xaa: {  	[dreg:$0x4] =	wrdreg $0xC0  }
0xab: {  	_ =	task [dreg:s6], $0x5FFFF  }
0xac: {  	[dreg:$0x1] =	wrdreg $0xFFFFFFFF  }
0xad: {  	[dreg:$0x0] =	wrdreg $0x60  }
0xae: {  	[dreg:$0x2] =	wrdreg s24  }
0xaf: {  	[dreg:$0x3] =	wrdreg $0xA  }
0xb0: {  	_ =	task.clear_ibuf [dreg:s6], $0x4FFFF;
	_ =	strace $0x90000046  }
0xb1: {  	s29 =	simm.s32 $0xA;
	_ =	strace $0x80000048  }
0xb2: {  	_ =	swait.ge [sflag:s29], $0x1  }
0xb3: {  	[sflag:s29] =	ssyncadd.s32 $0xFFFFFFFF  }
0xb4: {  	_ =	strace $0x90000048  }
0xb5: {  	_ =	sfence  }
0xb6: {  	s30 =	sld [smem:$0x0];
	_ =	sdelay $0x2  }
0xb7: {  	s31 =	sshll.u32 s1, $0xD;
	s1 =	sshrl.u32 s1, $0x2  }
0xb8: {  	s3 =	sand.u32 $0x4000, s31;
	s1 =	sadd.s32 s1, s30  }
0xb9: {  	s0 =	sor.u32 s3, s0;
	s1 =	sshll.u32 s1, $0x11  }
0xba: {  	s0 =	sor.u32 s1, s0  }
0xbb: {  	s0 =	sadd.s32 $0x8F2B, s0  }
0xbc: {  	[sflag:s0] =	ssyncadd.remote.s32 $0x1  }
0xbd: {  	_ =	sfence.sel $0xFFFF  }
0xbe: {  	[dreg:$0x0] =	wrdreg $0xFFFFFFFF;
	(pc) =	sbr.abs _section_cstart, $3  }
0xbf: {  	[dreg:$0x1] =	wrdreg $0xFFFFFFFF  }
0xc0: {  	_ =	task.clear_ibuf [dreg:s6], $0x2FFFF;
	_ =	strace $0x9FFFFFFF  }
0xc1: {  	(tm) =	ssettm $0x7FFFFFFF  }
tec
execute0_lowered:
.L_overlay_start_1:
0x0: {  	(tag) =	ssettag $0x1  }
0x1: {  	s0 =	srdreg.scid  }
0x2: {  	s9 =	stileid.u32;
	s4 =	rddreg [dreg:$0x0];
	s2 =	simm.s32 $0x0  }
0x3: {  	s11 =	simm.s32 $0x2800;
	s12 =	simm.s32 $0x3000;
	s13 =	simm.s32 $0x3800  }
0x4: {  	s14 =	simm.s32 $0x4000;
	s15 =	simm.s32 $0x4800;
	s16 =	simm.s32 $0x7800  }
0x5: {  	s17 =	simm.s32 $0x8000;
	s23 =	simm.s32 $0x5800;
	s18 =	simm.s32 $0x8800  }
0x6: {  	s24 =	simm.s32 $0x6000;
	s25 =	simm.s32 $0x6800;
	s26 =	simm.s32 $0x7000  }
0x7: {  	s28 =	simm.s32 $0x1;
	s29 =	simm.s32 $0x3;
	s30 =	simm.s32 $0x2  }
0x8: {  	s31 =	simm.s32 $0x4;
	s0 =	sand.u32 $0x1, s0;
	[smem:$0x7FF] =	sst s2  }
0x9: {  	s1 =	sshll.u32 s9, $0x1;
	_ =	strace $0x80000047;
	[dreg:$0x4] =	wrdreg s23  }
0xa: {  	s7 =	sadd.s32 $0x6E600, s4;
	s19 =	smul.u32 $0x4E200, s9;
	[dreg:$0x5] =	wrdreg s24  }
0xb: {  	s9 =	simm.s32 $0x5;
	s1 =	sor.u32 s0, s1;
	[dreg:$0x6] =	wrdreg s25  }
0xc: {  	s6 =	ssub.s32 $0x2, s0;
	s0 =	smul.u32 $0x27100, s0;
	[dreg:$0x7] =	wrdreg s26  }
0xd: {  	s23 =	simm.s32 $0xA800;
	s24 =	simm.s32 $0xB000;
	s3 =	smul.u32 $0x1388, s1  }
0xe: {  	s25 =	simm.s32 $0xB800;
	s8 =	sshrl.u32 s6, $0x1;
	s1 =	smul.u32 $0x138800, s1  }
0xf: {  	s26 =	simm.s32 $0xC000;
	s6 =	ssub.s32 s6, s8;
	s8 =	sadd.s32 s19, s7  }
0x10: {  	s5 =	sshrl.u32 s3, $0x3;
	s3 =	sadd.s32 $0x20400, s4;
	s1 =	sshrl.u32 s1, $0x3  }
0x11: {  	s5 =	sadd.s32 s5, s4;
	s4 =	sadd.s32 $0x550600, s4;
	s1 =	sadd.s32 $0x26C00, s1  }
0x12: {  	s20 =	sadd.s32 $0x16400, s5;
	s5 =	sadd.s32 $0x1B400, s5;
	s21 =	sadd.s32 s19, s4  }
0x13: {  	s22 =	sadd.s32 s7, s1;
	s7 =	sadd.s32 s4, s1;
	[dreg:$0x8] =	wrdreg s20  }
0x14: {  	s19 =	simm.s32 $0x9000;
	s1 =	simm.s32 $0x0;
	[dreg:$0x9] =	wrdreg s5  }
0x15: {  	v2 =	vlaneseq.u32;
	[dreg:$0xa] =	wrdreg s22;
	s5 =	sadd.s32 s0, s21;
	s0 =	sadd.s32 s0, s8  }
0x16: {  	vm0 =	vmmov $0xffff;
	v1 =	vshrl.u32 v2, $0x3;
	s8 =	smax.u32 s6, $0x1;
	s20 =	simm.s32 $0x9800;
	[dreg:$0x2] =	wrdreg s5  }
0x17: {  	v0 =	vand.u32 $0x7, v2;
	v2 =	vor.u32 $0x8, v2;
	v1 =	vmul.u32 $0x8, v1;
	s21 =	simm.s32 $0x5000;
	s22 =	simm.s32 $0xA000;
	[dreg:$0x3] =	wrdreg s0  }
.LBB2_1:
0x18: {  	s0 =	rddreg [dreg:$0x8]  }
0x19: {  	[tilespmem:s2], [sflag:$0x5] =	stream.linear.gather [hbm4b:s0+s2], $0x1388, $0x38;
	[tilespmem:$0xC800] =	vst v63  }
0x1a: {  	_ =	swait.ge [sflag:s9], $0x1388  }
0x1b: {  	[sflag:s9] =	ssyncset.done $0x0  }
0x1c: {  	s4 =	simm.s32 $0x1400;
	s10 =	rddreg [dreg:$0x9];
	[sflag:s9] =	ssyncadd.s32 $0xFFFFEC78  }
0x1d: {  	[tilespmem:s4], [sflag:$0x5] =	stream.linear.gather [hbm4b:s10+s2], $0x1388, $0x38;
	[tilespmem:$0xC800] =	vst v63  }
0x1e: {  	_ =	swait.ge [sflag:s9], $0x1388  }
0x1f: {  	[sflag:s9] =	ssyncset.done $0x0  }
0x20: {  	[sflag:s9] =	ssyncadd.s32 $0xFFFFEC78  }
0x21: {  	v3 =	vld [tilespmem:$0x0];
	_ =	sdelay $0x4  }
0x22: {  	v4 =	vshll.u32 v3, $0x1  }
0x23: {  	v3 =	vand.u32 $0x7, v3;
	v4 =	vand.u32 $0xFFFFFFF0, v4  }
0x24: {  	v3 =	vor.u32 v3, v4  }
0x25: {  	v4 =	vperm.xlane v3, v0;
	_ =	sdelay $0x1  }
0x26: {  	v3 =	vperm.xlane v3, v2;
	v4 =	vadd.s32 v1, v4;
	_ =	sdelay $0x1  }
0x27: {  	v3 =	vadd.s32 v1, v3;
	_ =	sdelay $0x2  }
0x28: {  	[tilespmem:s11], [sflag:$0x1] =	stream.indirect_vreg.gather [hbm4b:s3+s2], $0x80, v4, vm0, $0xb8;
	[tilespmem:$0xC800] =	vst v63  }
0x29: {  	_ = 	snop  }
0x2a: {  	[tilespmem:s12], [sflag:$0x1] =	stream.indirect_vreg.gather [hbm4b:s3+s2], $0x80, v3, vm0, $0xb8;
	[tilespmem:$0xC800] =	vst v63  }
0x2b: {  	v3 =	vld [tilespmem:$0x10];
	_ =	sdelay $0x4  }
0x2c: {  	v59 =	vshll.u32 v3, $0x1  }
0x2d: {  	v3 =	vand.u32 $0x7, v3;
	v4 =	vand.u32 $0xFFFFFFF0, v59  }
0x2e: {  	v3 =	vor.u32 v3, v4  }
0x2f: {  	v4 =	vperm.xlane v3, v0;
	_ =	sdelay $0x1  }
0x30: {  	v3 =	vperm.xlane v3, v2;
	v4 =	vadd.s32 v1, v4;
	_ =	sdelay $0x1  }
0x31: {  	v3 =	vadd.s32 v1, v3;
	_ =	sdelay $0x2  }
0x32: {  	[tilespmem:s13], [sflag:$0x1] =	stream.indirect_vreg.gather [hbm4b:s3+s2], $0x80, v4, vm0, $0xb8;
	[tilespmem:$0xC800] =	vst v63  }
0x33: {  	_ = 	snop  }
0x34: {  	[tilespmem:s14], [sflag:$0x1] =	stream.indirect_vreg.gather [hbm4b:s3+s2], $0x80, v3, vm0, $0xb8;
	[tilespmem:$0xC800] =	vst v63  }
0x35: {  	v3 =	vld.msk [tilespmem:$0x20], $0xff;
	_ =	sdelay $0x4  }
0x36: {  	v60 =	vshll.u32 v3, $0x1  }
0x37: {  	v3 =	vand.u32 $0x7, v3;
	v4 =	vand.u32 $0xFFFFFFF0, v60  }
0x38: {  	v3 =	vor.u32 v3, v4  }
0x39: {  	v3 =	vperm.xlane v3, v0;
	_ =	sdelay $0x1  }
0x3a: {  	v3 =	vadd.s32 v1, v3;
	_ =	sdelay $0x4  }
0x3b: {  	[tilespmem:s15], [sflag:$0x1] =	stream.indirect_vreg.gather [hbm4b:s3+s2], $0x80, v3, vm0, $0xb8;
	[tilespmem:$0xC800] =	vst v63  }
0x3c: {  	v3 =	vld [tilespmem:$0x1400];
	_ =	sdelay $0x4  }
0x3d: {  	v61 =	vshll.u32 v3, $0x1  }
0x3e: {  	v3 =	vand.u32 $0x7, v3;
	v4 =	vand.u32 $0xFFFFFFF0, v61  }
0x3f: {  	v3 =	vor.u32 v3, v4  }
0x40: {  	v4 =	vperm.xlane v3, v0;
	_ =	sdelay $0x1  }
0x41: {  	v3 =	vperm.xlane v3, v2;
	v4 =	vadd.s32 v1, v4;
	_ =	sdelay $0x1  }
0x42: {  	v3 =	vadd.s32 v1, v3;
	_ =	sdelay $0x2  }
0x43: {  	[tilespmem:s16], [sflag:$0x1] =	stream.indirect_vreg.gather [hbm4b:s3+s2], $0x80, v4, vm0, $0xb8;
	[tilespmem:$0xC800] =	vst v63  }
0x44: {  	_ = 	snop  }
0x45: {  	[tilespmem:s17], [sflag:$0x1] =	stream.indirect_vreg.gather [hbm4b:s3+s2], $0x80, v3, vm0, $0xb8;
	[tilespmem:$0xC800] =	vst v63  }
0x46: {  	v3 =	vld [tilespmem:$0x1410];
	_ =	sdelay $0x4  }
0x47: {  	v62 =	vshll.u32 v3, $0x1  }
0x48: {  	v3 =	vand.u32 $0x7, v3;
	v4 =	vand.u32 $0xFFFFFFF0, v62  }
0x49: {  	v3 =	vor.u32 v3, v4  }
0x4a: {  	v4 =	vperm.xlane v3, v0;
	_ =	sdelay $0x1  }
0x4b: {  	v3 =	vperm.xlane v3, v2;
	v4 =	vadd.s32 v1, v4;
	_ =	sdelay $0x1  }
0x4c: {  	v3 =	vadd.s32 v1, v3;
	_ =	sdelay $0x2  }
0x4d: {  	[tilespmem:s18], [sflag:$0x1] =	stream.indirect_vreg.gather [hbm4b:s3+s2], $0x80, v4, vm0, $0xb8;
	[tilespmem:$0xC800] =	vst v63  }
0x4e: {  	_ = 	snop  }
0x4f: {  	[tilespmem:s19], [sflag:$0x1] =	stream.indirect_vreg.gather [hbm4b:s3+s2], $0x80, v3, vm0, $0xb8;
	[tilespmem:$0xC800] =	vst v63  }
0x50: {  	v3 =	vld.msk [tilespmem:$0x1420], $0xff;
	_ =	sdelay $0x4  }
0x51: {  	v63 =	vshll.u32 v3, $0x1  }
0x52: {  	v3 =	vand.u32 $0x7, v3;
	v4 =	vand.u32 $0xFFFFFFF0, v63  }
0x53: {  	v3 =	vor.u32 v3, v4  }
0x54: {  	v3 =	vperm.xlane v3, v0;
	_ =	sdelay $0x1  }
0x55: {  	v3 =	vadd.s32 v1, v3;
	_ =	sdelay $0x3  }
0x56: {  	s0 =	simm.s32 $0x38;
	s10 =	simm.s32 $0x1438;
	s4 =	simm.s32 $0x0  }
0x57: {  	[tilespmem:s20], [sflag:$0x1] =	stream.indirect_vreg.gather [hbm4b:s3+s2], $0x80, v3, vm0, $0xb8;
	[tilespmem:$0xC800] =	vst v63  }
.LBB2_2:
0x58: {  	p0 =	seq.s32 s4, $0x0  }
0x59: {  	s5 =	simm.s32 @!p0 $0x4  }
0x5a: {  	_ =	swait.ge @!p0 [sflag:s5], $0x2800  }
0x5b: {  	[sflag:s5] =	ssyncset.done @!p0 $0x0  }
0x5c: {  	[sflag:s5] =	ssyncadd.s32 @!p0 $0xFFFFD800  }
0x5d: {  	_ =	swait.ge @!p0 [sflag:s5], $0x2800  }
0x5e: {  	[sflag:s5] =	ssyncset.done @!p0 $0x0  }
0x5f: {  	[sflag:s5] =	ssyncadd.s32 @!p0 $0xFFFFD800  }
0x60: {  	v3 =	vld [tilespmem:s0+$0xFFFFFFF0];
	_ =	sdelay $0x4  }
0x61: {  	v4 =	vshll.u32 v3, $0x1  }
0x62: {  	v3 =	vand.u32 $0x7, v3;
	v4 =	vand.u32 $0xFFFFFFF0, v4  }
0x63: {  	v3 =	vor.u32 v3, v4  }
0x64: {  	v4 =	vperm.xlane v3, v0;
	_ =	sdelay $0x1  }
0x65: {  	v3 =	vperm.xlane v3, v2;
	v4 =	vadd.s32 v1, v4;
	_ =	sdelay $0x1  }
0x66: {  	v3 =	vadd.s32 v1, v3;
	_ =	sdelay $0x2  }
0x67: {  	[tilespmem:s21], [sflag:$0x2] =	stream.indirect_vreg.gather [hbm4b:s3+s2], $0x80, v4, vm0, $0xb8;
	[tilespmem:$0xC800] =	vst v63  }
0x68: {  	s6 =	rddreg [dreg:$0x4]  }
0x69: {  	[tilespmem:s6], [sflag:$0x2] =	stream.indirect_vreg.gather [hbm4b:s3+s2], $0x80, v3, vm0, $0xb8;
	[tilespmem:$0xC800] =	vst v63  }
0x6a: {  	v3 =	vld [tilespmem:s0+$0x0];
	_ =	sdelay $0x4  }
0x6b: {  	v53 =	vshll.u32 v3, $0x1  }
0x6c: {  	v3 =	vand.u32 $0x7, v3;
	v4 =	vand.u32 $0xFFFFFFF0, v53  }
0x6d: {  	v3 =	vor.u32 v3, v4  }
0x6e: {  	v4 =	vperm.xlane v3, v0;
	_ =	sdelay $0x1  }
0x6f: {  	v3 =	vperm.xlane v3, v2;
	v4 =	vadd.s32 v1, v4;
	_ =	sdelay $0x1  }
0x70: {  	v3 =	vadd.s32 v1, v3;
	_ =	sdelay $0x1  }
0x71: {  	s5 =	rddreg [dreg:$0x5]  }
0x72: {  	[tilespmem:s5], [sflag:$0x2] =	stream.indirect_vreg.gather [hbm4b:s3+s2], $0x80, v4, vm0, $0xb8;
	[tilespmem:$0xC800] =	vst v63  }
0x73: {  	s6 =	rddreg [dreg:$0x6]  }
0x74: {  	[tilespmem:s6], [sflag:$0x2] =	stream.indirect_vreg.gather [hbm4b:s3+s2], $0x80, v3, vm0, $0xb8;
	[tilespmem:$0xC800] =	vst v63  }
0x75: {  	v3 =	vld.msk [tilespmem:s0+$0x10], $0xff;
	_ =	sdelay $0x4  }
0x76: {  	v54 =	vshll.u32 v3, $0x1  }
0x77: {  	v3 =	vand.u32 $0x7, v3;
	v4 =	vand.u32 $0xFFFFFFF0, v54  }
0x78: {  	v3 =	vor.u32 v3, v4  }
0x79: {  	v3 =	vperm.xlane v3, v0;
	_ =	sdelay $0x1  }
0x7a: {  	v3 =	vadd.s32 v1, v3;
	_ =	sdelay $0x3  }
0x7b: {  	s6 =	rddreg [dreg:$0x7]  }
0x7c: {  	[tilespmem:s6], [sflag:$0x2] =	stream.indirect_vreg.gather [hbm4b:s3+s2], $0x80, v3, vm0, $0xb8;
	[tilespmem:$0xC800] =	vst v63  }
0x7d: {  	v3 =	vld [tilespmem:s10+$0xFFFFFFF0];
	_ =	sdelay $0x4  }
0x7e: {  	v55 =	vshll.u32 v3, $0x1  }
0x7f: {  	v3 =	vand.u32 $0x7, v3;
	v4 =	vand.u32 $0xFFFFFFF0, v55  }
0x80: {  	v3 =	vor.u32 v3, v4  }
0x81: {  	v4 =	vperm.xlane v3, v0;
	_ =	sdelay $0x1  }
0x82: {  	v3 =	vperm.xlane v3, v2;
	v4 =	vadd.s32 v1, v4;
	_ =	sdelay $0x1  }
0x83: {  	v3 =	vadd.s32 v1, v3;
	_ =	sdelay $0x2  }
0x84: {  	[tilespmem:s22], [sflag:$0x2] =	stream.indirect_vreg.gather [hbm4b:s3+s2], $0x80, v4, vm0, $0xb8;
	[tilespmem:$0xC800] =	vst v63  }
0x85: {  	_ = 	snop  }
0x86: {  	[tilespmem:s23], [sflag:$0x2] =	stream.indirect_vreg.gather [hbm4b:s3+s2], $0x80, v3, vm0, $0xb8;
	[tilespmem:$0xC800] =	vst v63  }
0x87: {  	v3 =	vld [tilespmem:s10+$0x0];
	_ =	sdelay $0x4  }
0x88: {  	v56 =	vshll.u32 v3, $0x1  }
0x89: {  	v3 =	vand.u32 $0x7, v3;
	v4 =	vand.u32 $0xFFFFFFF0, v56  }
0x8a: {  	v3 =	vor.u32 v3, v4  }
0x8b: {  	v4 =	vperm.xlane v3, v0;
	_ =	sdelay $0x1  }
0x8c: {  	v3 =	vperm.xlane v3, v2;
	v4 =	vadd.s32 v1, v4;
	_ =	sdelay $0x1  }
0x8d: {  	v3 =	vadd.s32 v1, v3;
	_ =	sdelay $0x2  }
0x8e: {  	[tilespmem:s24], [sflag:$0x2] =	stream.indirect_vreg.gather [hbm4b:s3+s2], $0x80, v4, vm0, $0xb8;
	[tilespmem:$0xC800] =	vst v63  }
0x8f: {  	_ = 	snop  }
0x90: {  	[tilespmem:s25], [sflag:$0x2] =	stream.indirect_vreg.gather [hbm4b:s3+s2], $0x80, v3, vm0, $0xb8;
	[tilespmem:$0xC800] =	vst v63  }
0x91: {  	v3 =	vld.msk [tilespmem:s10+$0x10], $0xff;
	_ =	sdelay $0x4  }
0x92: {  	v57 =	vshll.u32 v3, $0x1  }
0x93: {  	v3 =	vand.u32 $0x7, v3;
	v4 =	vand.u32 $0xFFFFFFF0, v57  }
0x94: {  	v3 =	vor.u32 v3, v4  }
0x95: {  	v3 =	vperm.xlane v3, v0;
	_ =	sdelay $0x1  }
0x96: {  	v3 =	vadd.s32 v1, v3;
	_ =	sdelay $0x4  }
0x97: {  	[tilespmem:s26], [sflag:$0x2] =	stream.indirect_vreg.gather [hbm4b:s3+s2], $0x80, v3, vm0, $0xb8;
	[tilespmem:$0xC800] =	vst v63  }
0x98: {  	_ =	swait.ge [sflag:s28], $0x2800  }
0x99: {  	[sflag:s28] =	ssyncset.done $0x0  }
0x9a: {  	[sflag:s28] =	ssyncadd.s32 $0xFFFFD800  }
0x9b: {  	_ =	swait.ge [sflag:s28], $0x2800  }
0x9c: {  	s5 =	rddreg [dreg:$0x3];
	[sflag:s28] =	ssyncset.done $0x0  }
0x9d: {  	s6 =	rddreg [dreg:$0x2];
	[sflag:s28] =	ssyncadd.s32 $0xFFFFD800;
	s5 =	sadd.s32 s4, s5  }
0x9e: {  	[hbm4b:s5+s2] =	stream.linear.scatter [tilespmem:s11], [sflag:$0x3], $0x2800, $0x38;
	[tilespmem:$0xC800] =	vst v63  }
0x9f: {  	s6 =	sadd.s32 s4, s6  }
0xa0: {  	[hbm4b:s6+s2] =	stream.linear.scatter [tilespmem:s16], [sflag:$0x3], $0x2800, $0x38;
	[tilespmem:$0xC800] =	vst v63  }
0xa1: {  	_ =	swait.ge [sflag:s29], $0x2800  }
0xa2: {  	[sflag:s29] =	ssyncset.done $0x0  }
0xa3: {  	[sflag:s29] =	ssyncadd.s32 $0xFFFFD800  }
0xa4: {  	_ =	swait.ge [sflag:s29], $0x2800  }
0xa5: {  	[sflag:s29] =	ssyncset.done $0x0  }
0xa6: {  	[sflag:s29] =	ssyncadd.s32 $0xFFFFD800  }
0xa7: {  	v3 =	vld [tilespmem:s0+$0x18];
	_ =	sdelay $0x4  }
0xa8: {  	v58 =	vshll.u32 v3, $0x1  }
0xa9: {  	v3 =	vand.u32 $0x7, v3;
	v4 =	vand.u32 $0xFFFFFFF0, v58  }
0xaa: {  	v3 =	vor.u32 v3, v4  }
0xab: {  	v4 =	vperm.xlane v3, v0;
	_ =	sdelay $0x1  }
0xac: {  	v3 =	vperm.xlane v3, v2;
	v4 =	vadd.s32 v1, v4;
	_ =	sdelay $0x1  }
0xad: {  	v3 =	vadd.s32 v1, v3;
	_ =	sdelay $0x2  }
0xae: {  	[tilespmem:s11], [sflag:$0x1] =	stream.indirect_vreg.gather [hbm4b:s3+s2], $0x80, v4, vm0, $0xb8;
	[tilespmem:$0xC800] =	vst v63  }
0xaf: {  	_ = 	snop  }
0xb0: {  	[tilespmem:s12], [sflag:$0x1] =	stream.indirect_vreg.gather [hbm4b:s3+s2], $0x80, v3, vm0, $0xb8;
	[tilespmem:$0xC800] =	vst v63  }
0xb1: {  	v3 =	vld [tilespmem:s0+$0x28];
	_ =	sdelay $0x4  }
0xb2: {  	v59 =	vshll.u32 v3, $0x1  }
0xb3: {  	v3 =	vand.u32 $0x7, v3;
	v4 =	vand.u32 $0xFFFFFFF0, v59  }
0xb4: {  	v3 =	vor.u32 v3, v4  }
0xb5: {  	v4 =	vperm.xlane v3, v0;
	_ =	sdelay $0x1  }
0xb6: {  	v3 =	vperm.xlane v3, v2;
	v4 =	vadd.s32 v1, v4;
	_ =	sdelay $0x1  }
0xb7: {  	v3 =	vadd.s32 v1, v3;
	_ =	sdelay $0x2  }
0xb8: {  	[tilespmem:s13], [sflag:$0x1] =	stream.indirect_vreg.gather [hbm4b:s3+s2], $0x80, v4, vm0, $0xb8;
	[tilespmem:$0xC800] =	vst v63  }
0xb9: {  	_ = 	snop  }
0xba: {  	[tilespmem:s14], [sflag:$0x1] =	stream.indirect_vreg.gather [hbm4b:s3+s2], $0x80, v3, vm0, $0xb8;
	[tilespmem:$0xC800] =	vst v63  }
0xbb: {  	v3 =	vld.msk [tilespmem:s0+$0x38], $0xff;
	_ =	sdelay $0x4  }
0xbc: {  	v60 =	vshll.u32 v3, $0x1  }
0xbd: {  	v3 =	vand.u32 $0x7, v3;
	v4 =	vand.u32 $0xFFFFFFF0, v60  }
0xbe: {  	v3 =	vor.u32 v3, v4  }
0xbf: {  	v3 =	vperm.xlane v3, v0;
	_ =	sdelay $0x1  }
0xc0: {  	v3 =	vadd.s32 v1, v3;
	_ =	sdelay $0x4  }
0xc1: {  	[tilespmem:s15], [sflag:$0x1] =	stream.indirect_vreg.gather [hbm4b:s3+s2], $0x80, v3, vm0, $0xb8;
	[tilespmem:$0xC800] =	vst v63  }
0xc2: {  	v3 =	vld [tilespmem:s10+$0x18];
	_ =	sdelay $0x4  }
0xc3: {  	v61 =	vshll.u32 v3, $0x1  }
0xc4: {  	v3 =	vand.u32 $0x7, v3;
	v4 =	vand.u32 $0xFFFFFFF0, v61  }
0xc5: {  	v3 =	vor.u32 v3, v4  }
0xc6: {  	v4 =	vperm.xlane v3, v0;
	_ =	sdelay $0x1  }
0xc7: {  	v3 =	vperm.xlane v3, v2;
	v4 =	vadd.s32 v1, v4;
	_ =	sdelay $0x1  }
0xc8: {  	v3 =	vadd.s32 v1, v3;
	_ =	sdelay $0x2  }
0xc9: {  	[tilespmem:s16], [sflag:$0x1] =	stream.indirect_vreg.gather [hbm4b:s3+s2], $0x80, v4, vm0, $0xb8;
	[tilespmem:$0xC800] =	vst v63  }
0xca: {  	_ = 	snop  }
0xcb: {  	[tilespmem:s17], [sflag:$0x1] =	stream.indirect_vreg.gather [hbm4b:s3+s2], $0x80, v3, vm0, $0xb8;
	[tilespmem:$0xC800] =	vst v63  }
0xcc: {  	v3 =	vld [tilespmem:s10+$0x28];
	_ =	sdelay $0x4  }
0xcd: {  	v62 =	vshll.u32 v3, $0x1  }
0xce: {  	v3 =	vand.u32 $0x7, v3;
	v4 =	vand.u32 $0xFFFFFFF0, v62  }
0xcf: {  	v3 =	vor.u32 v3, v4  }
0xd0: {  	v4 =	vperm.xlane v3, v0;
	_ =	sdelay $0x1  }
0xd1: {  	v3 =	vperm.xlane v3, v2;
	v4 =	vadd.s32 v1, v4;
	_ =	sdelay $0x1  }
0xd2: {  	v3 =	vadd.s32 v1, v3;
	_ =	sdelay $0x2  }
0xd3: {  	[tilespmem:s18], [sflag:$0x1] =	stream.indirect_vreg.gather [hbm4b:s3+s2], $0x80, v4, vm0, $0xb8;
	[tilespmem:$0xC800] =	vst v63  }
0xd4: {  	_ = 	snop  }
0xd5: {  	[tilespmem:s19], [sflag:$0x1] =	stream.indirect_vreg.gather [hbm4b:s3+s2], $0x80, v3, vm0, $0xb8;
	[tilespmem:$0xC800] =	vst v63  }
0xd6: {  	v3 =	vld.msk [tilespmem:s10+$0x38], $0xff;
	_ =	sdelay $0x4  }
0xd7: {  	v63 =	vshll.u32 v3, $0x1  }
0xd8: {  	v3 =	vand.u32 $0x7, v3;
	v4 =	vand.u32 $0xFFFFFFF0, v63  }
0xd9: {  	v3 =	vor.u32 v3, v4  }
0xda: {  	v3 =	vperm.xlane v3, v0;
	_ =	sdelay $0x1  }
0xdb: {  	v3 =	vadd.s32 v1, v3;
	_ =	sdelay $0x4  }
0xdc: {  	[tilespmem:s20], [sflag:$0x1] =	stream.indirect_vreg.gather [hbm4b:s3+s2], $0x80, v3, vm0, $0xb8;
	[tilespmem:$0xC800] =	vst v63  }
0xdd: {  	_ =	swait.ge [sflag:s30], $0x2800  }
0xde: {  	[sflag:s30] =	ssyncset.done $0x0  }
0xdf: {  	s4 =	sadd.s32 $0xA00, s4;
	[sflag:s30] =	ssyncadd.s32 $0xFFFFD800  }
0xe0: {  	p0 =	sne.s32 s4, $0x26C00;
	_ =	swait.ge [sflag:s30], $0x2800  }
.Ltmp0:
0xe1: {  	[sflag:s30] =	ssyncset.done $0x0;
	(pc) =	sbr.rel @p0 .LBB2_2-.Ltmp0, $4  }
0xe2: {  	s5 =	sadd.s32 $0x500, s5;
	[sflag:s30] =	ssyncadd.s32 $0xFFFFD800  }
0xe3: {  	[hbm4b:s5+s2] =	stream.linear.scatter [tilespmem:s21], [sflag:$0x4], $0x2800, $0x38;
	[tilespmem:$0xC800] =	vst v63  }
0xe4: {  	s6 =	sadd.s32 $0x500, s6;
	s0 =	sadd.s32 $0x50, s0;
	s10 =	sadd.s32 $0x50, s10  }
0xe5: {  	[hbm4b:s6+s2] =	stream.linear.scatter [tilespmem:s22], [sflag:$0x4], $0x2800, $0x38;
	[tilespmem:$0xC800] =	vst v63  }
0xe6: {  	_ =	swait.ge [sflag:s28], $0x2800  }
0xe7: {  	[sflag:s28] =	ssyncset.done $0x0  }
0xe8: {  	[sflag:s28] =	ssyncadd.s32 $0xFFFFD800  }
0xe9: {  	_ =	swait.ge [sflag:s28], $0x2800  }
0xea: {  	[sflag:s28] =	ssyncset.done $0x0  }
0xeb: {  	s0 =	rddreg [dreg:$0xa];
	[sflag:s28] =	ssyncadd.s32 $0xFFFFD800  }
0xec: {  	[hbm4b:s0+s2] =	stream.linear.scatter [tilespmem:s11], [sflag:$0x3], $0x2800, $0x38;
	[tilespmem:$0xC800] =	vst v63  }
0xed: {  	_ = 	snop  }
0xee: {  	[hbm4b:s7+s2] =	stream.linear.scatter [tilespmem:s16], [sflag:$0x3], $0x2800, $0x38;
	[tilespmem:$0xC800] =	vst v63  }
0xef: {  	_ =	swait.ge [sflag:s31], $0x2800  }
0xf0: {  	[sflag:s31] =	ssyncset.done $0x0  }
0xf1: {  	[sflag:s31] =	ssyncadd.s32 $0xFFFFD800  }
0xf2: {  	_ =	swait.ge [sflag:s31], $0x2800  }
0xf3: {  	[sflag:s31] =	ssyncset.done $0x0  }
0xf4: {  	s1 =	sadd.s32 $0x1, s1;
	[sflag:s31] =	ssyncadd.s32 $0xFFFFD800  }
0xf5: {  	p0 =	sne.s32 s1, s8;
	_ =	swait.ge [sflag:s29], $0x2800  }
.Ltmp1:
0xf6: {  	[sflag:s29] =	ssyncset.done $0x0;
	(pc) =	sbr.rel @p0 .LBB2_1-.Ltmp1, $4  }
0xf7: {  	[sflag:s29] =	ssyncadd.s32 $0xFFFFD800  }
0xf8: {  	_ =	swait.ge [sflag:s29], $0x2800  }
0xf9: {  	[sflag:s29] =	ssyncset.done $0x0  }
0xfa: {  	[sflag:s29] =	ssyncadd.s32 $0xFFFFD800  }
0xfb: {  	_ =	sfence.sel $0x180000  }
0xfc: {  	[bflag:$0x0] =	sbarrier.arrive $0xFFFF  }
0xfd: {  	_ =	strace $0x90000047  }
0xfe: {  	s0 =	stileid.u32;
	[bflag:$0x2] =	sbarrier.arrive $0xFFFF  }
0xff: {  	p0 =	sne.s32 s0, $0x0;
	s0 =	rddreg [dreg:$0x1]  }
0x100: {  	s0 =	sadd.s32 @!p0 $0x100000, s0  }
0x101: {  	[sflag:s0] =	ssyncadd.tile.s32 @!p0 $0x1;
	_ =	shalt  }
.Lfunc_end2:
_tile_overlayer_lowered:
.L_overlay_start_2:
0x102: {  	(tag) =	ssettag $0x2  }
0x103: {  	s0 =	rddreg [dreg:$0x0];
	s2 =	stileid.u32  }
0x104: {  	s1 =	rddreg [dreg:$0x1];
	p0 =	sne.s32 s2, $0x0  }
0x105: {  	s3 =	rddreg [dreg:$0x2];
	[bflag:$0x3] =	sbarrier.arrive $0xFFFF;
	s2 =	simm.s32 @!p0 $0x1C05  }
0x106: {  	[timem:s3], [sflag:s2] =	dma.local @!p0 [hbm:s0], s1  }
0x107: {  	s0 =	simm.s32 @!p0 $0x5  }
0x108: {  	_ =	swait.ge @!p0 [sflag:s0], s1  }
0x109: {  	s1 =	ssub.s32 @!p0 $0x0, s1;
	[sflag:s0] =	ssyncset.done @!p0 $0x0  }
0x10a: {  	[sflag:s0] =	ssyncadd.s32 @!p0 s1  }
0x10b: {  	[bflag:$0x3] =	sbarrier.arrive $0xFFFF  }
0x10c: {  	_ =	shalt  }

// kernel: kernel.16.cloned.1.call-start
scs
__scs_entry_jumppad:
0x0: {  	(pc) =	sbr.rel $0x88, $3  }
0x1: {  	(tag) =	ssettag $0x0;
	lr =	simm.s32 $0x1  }
0x2: {  	[smem:$0x3F93] =	sst lr;
	_ =	strace $0xD0000000  }
0x3: {  	_ = 	snop  }
0x4: {  	_ = 	snop  }
0x5: {  	_ = 	snop  }
0x6: {  	_ = 	snop  }
0x7: {  	_ = 	snop  }
__scs_overlays_trampoline_lowered:
0x8: {  	[smem:$0x3FA2] =	sst s0  }
0x9: {  	[smem:$0x3FA3] =	sst s1  }
0xa: {  	[smem:$0x3FA4] =	sst s2  }
0xb: {  	[smem:$0x3FA5] =	sst s3  }
0xc: {  	[smem:$0x3FA6] =	sst s4  }
0xd: {  	[smem:$0x3FA7] =	sst s5  }
0xe: {  	[smem:$0x3FA8] =	sst s6  }
0xf: {  	[smem:$0x3FA9] =	sst s7  }
0x10: {  	[smem:$0x3FAA] =	sst s8  }
0x11: {  	[smem:$0x3FAB] =	sst s9;
	s0 =	simm.s32 @!p0 $0x0  }
0x12: {  	s1 =	sld [smem:$0x3F91];
	s0 =	simm.s32 @p0 $0x1  }
0x13: {  	[smem:$0x3FAC] =	sst s0;
	s0 =	simm.s32 @!p1 $0x0  }
0x14: {  	s2 =	sld [smem:$0x3F90];
	s0 =	simm.s32 @p1 $0x1  }
0x15: {  	[smem:$0x3FAD] =	sst s0;
	s0 =	simm.s32 @!p2 $0x0  }
0x16: {  	s3 =	sld [smem:$0x3FDB];
	s0 =	simm.s32 @p2 $0x1  }
0x17: {  	s4 =	simm.s32 $0x1BF5;
	[smem:$0x3FAF] =	sst s0  }
0x18: {  	s0 =	sld [smem:$0x3F92];
	_ =	swait.ge [sflag:s4], $0x0  }
0x19: {  	s7 =	sld [smem:$0x3F93]  }
0x1a: {  	s8 =	sadd.s32 $0xFFFFE003, lr  }
0x1b: {  	s9 =	sadd.s32 $0xFFFFFEF7, lr;
	s5 =	simm.s32 $0xFFFFFFFF;
	p2 =	slt.u32 s8, $0xFFFFF086  }
0x1c: {  	p1 =	slt.u32 s9, $0xF7A;
	s5 =	simm.s32 @!p2 $0x0  }
0x1d: {  	s5 =	simm.s32 @p1 $0x1;
	p0 =	seq.s32 s7, s2  }
0x1e: {  	s7 =	smul.u32 @!p0 $0xF7A, s2;
	p2 =	seq.s32 @!p0 s5, $0x0  }
0x1f: {  	s9 =	smul.u32 $0xF7A, s1;
	s8 =	simm.s32 @!p0 $0x1BF5;
	p2 =	por !p2, p0  }
0x20: {  	[sflag:s8] =	ssyncset.s32 @!p0 $0xFFFFF086;
	s6 =	sadd.s32 @!p0 s3, s7;
	s7 =	simm.s32 @!p0 $0x108  }
0x21: {  	s3 =	sadd.s32 s3, s9;
	s6 =	sadd.s32 @!p0 $0x88, s6;
	s7 =	simm.s32 @p2 $0x1082  }
0x22: {  	[simem:s7], [sflag:s8] =	dma.local @!p0 [hbm:s6], $0xF7A  }
0x23: {  	s9 =	sor.u32 $0xD0000000, s2;
	s6 =	simm.s32 $0x108;
	_ =	swait.ge @!p0 [sflag:s8], $0x0  }
0x24: {  	s3 =	sadd.s32 $0x88, s3;
	s6 =	simm.s32 @!p1 $0x1082;
	[sflag:s4] =	ssyncset.s32 $0xFFFFF086  }
0x25: {  	[simem:s6], [sflag:s4] =	dma.local [hbm:s3], $0xF7A  }
0x26: {  	[smem:$0x3F93] =	sst s1;
	(tag) =	ssettag s2;
	_ =	strace s9  }
0x27: {  	s1 =	sld [smem:$0x3FA3]  }
0x28: {  	s2 =	sld [smem:$0x3FA4]  }
0x29: {  	s4 =	sld [smem:$0x3FA6]  }
0x2a: {  	p0 =	seq.s32 s5, $0x0;
	s5 =	sld [smem:$0x3FA7]  }
0x2b: {  	s6 =	sld [smem:$0x3FA8]  }
0x2c: {  	s7 =	sld [smem:$0x3FA9]  }
0x2d: {  	s3 =	simm.s32 $0x108;
	s8 =	sld [smem:$0x3FAA]  }
0x2e: {  	s3 =	simm.s32 @!p0 $0x1082;
	s9 =	sld [smem:$0x3FAB]  }
0x2f: {  	lr =	sadd.s32 s0, s3;
	s0 =	sld [smem:$0x3FA2]  }
0x30: {  	s3 =	sld [smem:$0x3FA5]  }
0x31: {  	[smem:$0x3FAE] =	sst s10  }
0x32: {  	s10 =	sld [smem:$0x3FAC];
	_ =	sdelay $0x3  }
0x33: {  	p0 =	seq.s32 s10, $0x1;
	s10 =	sld [smem:$0x3FAE];
	_ =	sdelay $0x3  }
0x34: {  	[smem:$0x3FAE] =	sst s10  }
0x35: {  	s10 =	sld [smem:$0x3FAD];
	_ =	sdelay $0x3  }
0x36: {  	p1 =	seq.s32 s10, $0x1;
	s10 =	sld [smem:$0x3FAE];
	_ =	sdelay $0x3  }
0x37: {  	[smem:$0x3FAE] =	sst s10  }
0x38: {  	s10 =	sld [smem:$0x3FAF]  }
0x39: {  	_ = 	snop;
	(pc) =	sbr.ind lr, $3  }
0x3a: {  	_ = 	snop  }
0x3b: {  	_ = 	snop  }
0x3c: {  	p2 =	seq.s32 s10, $0x1;
	s10 =	sld [smem:$0x3FAE]  }
0x3d: {  	_ =	shalt  }
0x3e: {  	_ =	shalt  }
0x3f: {  	_ =	shalt  }
0x40: {  	_ =	shalt  }
0x41: {  	_ =	shalt  }
0x42: {  	_ =	shalt  }
0x43: {  	_ =	shalt  }
0x44: {  	_ =	shalt  }
0x45: {  	_ =	shalt  }
0x46: {  	_ =	shalt  }
0x47: {  	_ =	shalt  }
0x48: {  	_ =	shalt  }
0x49: {  	_ =	shalt  }
0x4a: {  	_ =	shalt  }
0x4b: {  	_ =	shalt  }
0x4c: {  	_ =	shalt  }
0x4d: {  	_ =	shalt  }
0x4e: {  	_ =	shalt  }
0x4f: {  	_ =	shalt  }
0x50: {  	_ =	shalt  }
0x51: {  	_ =	shalt  }
0x52: {  	_ =	shalt  }
0x53: {  	_ =	shalt  }
0x54: {  	_ =	shalt  }
0x55: {  	_ =	shalt  }
0x56: {  	_ =	shalt  }
0x57: {  	_ =	shalt  }
0x58: {  	_ =	shalt  }
0x59: {  	_ =	shalt  }
0x5a: {  	_ =	shalt  }
0x5b: {  	_ =	shalt  }
0x5c: {  	_ =	shalt  }
0x5d: {  	_ =	shalt  }
0x5e: {  	_ =	shalt  }
0x5f: {  	_ =	shalt  }
0x60: {  	_ =	shalt  }
0x61: {  	_ =	shalt  }
0x62: {  	_ =	shalt  }
0x63: {  	_ =	shalt  }
0x64: {  	_ =	shalt  }
0x65: {  	_ =	shalt  }
0x66: {  	_ =	shalt  }
0x67: {  	_ =	shalt  }
0x68: {  	_ =	shalt  }
0x69: {  	_ =	shalt  }
0x6a: {  	_ =	shalt  }
0x6b: {  	_ =	shalt  }
0x6c: {  	_ =	shalt  }
0x6d: {  	_ =	shalt  }
0x6e: {  	_ =	shalt  }
0x6f: {  	_ =	shalt  }
0x70: {  	_ =	shalt  }
0x71: {  	_ =	shalt  }
0x72: {  	_ =	shalt  }
0x73: {  	_ =	shalt  }
0x74: {  	_ =	shalt  }
0x75: {  	_ =	shalt  }
0x76: {  	_ =	shalt  }
0x77: {  	_ =	shalt  }
0x78: {  	_ =	shalt  }
0x79: {  	_ =	shalt  }
0x7a: {  	_ =	shalt  }
0x7b: {  	_ =	shalt  }
0x7c: {  	_ =	shalt  }
0x7d: {  	_ =	shalt  }
0x7e: {  	_ =	shalt  }
0x7f: {  	_ =	shalt  }
0x80: {  	_ =	shalt  }
0x81: {  	_ =	shalt  }
0x82: {  	_ =	shalt  }
0x83: {  	_ =	shalt  }
0x84: {  	_ =	shalt  }
0x85: {  	_ =	shalt  }
0x86: {  	_ =	shalt  }
0x87: {  	_ =	shalt  }
.Lfunc_end0:
.L_simem_size_0:
called_computation.2_lowered:
.L_overlay_start_0:
0x88: {  	s2 =	sld [smem:$0x3FD9]  }
0x89: {  	s3 =	sld [smem:$0x3FFE];
	_ =	sdelay $0x1  }
0x8a: {  	s1 =	srdreg.scid  }
0x8b: {  	s0 =	sand.u32 $0x1, s1  }
0x8c: {  	s16 =	sshll.u32 s0, $0xA;
	s2 =	sadd.s32 s3, s2  }
0x8d: {  	s2 =	sadd.s32 s2, s16  }
0x8e: {  	[smem:$0x3FBA] =	sst s2  }
0x8f: {  	_ = 	snop  }
0x90: {  	(tm) =	ssettm $0x1  }
0x91: {  	s17 =	sld [smem:$0x3FFB];
	_ =	sdelay $0x3  }
0x92: {  	_ =	strace s17  }
0x93: {  	s2 =	sld [smem:$0x3FFC];
	_ =	sdelay $0x3  }
0x94: {  	_ =	strace s2  }
0x95: {  	s2 =	sld [smem:$0x3FFD];
	_ =	sdelay $0x3  }
0x96: {  	_ =	strace s2  }
0x97: {  	_ =	strace $0x8FFFFFFF  }
0x98: {  	s18 =	sld [smem:$0x3FDB];
	_ =	sdelay $0x1  }
0x99: {  	s19 =	simm.s32 $_scs_section_size  }
0x9a: {  	s4 =	simm.s32 $_size__tile_overlayer_lowered;
	s5 =	simm.s32 $_tile_overlayer_lowered  }
0x9b: {  	s22 =	simm.s32 $0x1BFF;
	s21 =	sshll.u32 s5, $0x1;
	s2 =	sadd.s32 s19, s18  }
0x9c: {  	s6 =	simm.s32 $0x0;
	s20 =	sshll.u32 s4, $0x1;
	s4 =	sadd.s32 s21, s2  }
0x9d: {  	[timem:s6], [sflag:s22] =	dma.local [hbm:s4], s20  }
0x9e: {  	_ =	swait.ge [sflag:s22], s20  }
0x9f: {  	s3 =	ssub.s32 $0x0, s20;
	[sflag:s22] =	ssyncset.done $0x0  }
0xa0: {  	[sflag:s22] =	ssyncadd.s32 s3;
	_ =	sdelay $0x1  }
0xa1: {  	s23 =	simm.s32 $0x1B8B  }
0xa2: {  	_ =	swait.ge [sflag:s23], $0x1  }
0xa3: {  	[sflag:s23] =	ssyncset.done $0x0  }
0xa4: {  	s25 =	simm.s32 $0x1B8E;
	s24 =	sld [smem:$0x3FFE];
	[sflag:s23] =	ssyncadd.s32 $0xFFFFFFFF  }
0xa5: {  	s26 =	simm.s32 $execute0_lowered;
	[smem:$0x3FD2] =	sst s25  }
0xa6: {  	s4 =	sshll.u32 s26, $0x1;
	_ =	strace $0x8000004C;
	[dreg:$0x1] =	wrdreg $0xFFFFFFFF  }
0xa7: {  	s28 =	simm.s32 $_size_execute0_lowered;
	s2 =	sadd.s32 s2, s4;
	[dreg:$0x0] =	wrdreg $0x0  }
0xa8: {  	s4 =	sshll.u32 s28, $0x1;
	[dreg:$0x2] =	wrdreg s2  }
0xa9: {  	[dreg:$0x3] =	wrdreg s4  }
0xaa: {  	[dreg:$0x4] =	wrdreg $0xC0  }
0xab: {  	_ =	task [dreg:s6], $0x5FFFF  }
0xac: {  	[dreg:$0x1] =	wrdreg $0xFFFFFFFF  }
0xad: {  	[dreg:$0x0] =	wrdreg $0x60  }
0xae: {  	[dreg:$0x2] =	wrdreg s24  }
0xaf: {  	[dreg:$0x3] =	wrdreg $0x28800  }
0xb0: {  	[dreg:$0x4] =	wrdreg $0x9  }
0xb1: {  	_ =	task.clear_ibuf [dreg:s6], $0x5FFFF;
	_ =	strace $0x9000004C  }
0xb2: {  	s29 =	simm.s32 $0x9;
	_ =	strace $0x8000004E  }
0xb3: {  	_ =	swait.ge [sflag:s29], $0x1  }
0xb4: {  	[sflag:s29] =	ssyncadd.s32 $0xFFFFFFFF  }
0xb5: {  	_ =	strace $0x9000004E  }
0xb6: {  	_ =	sfence  }
0xb7: {  	s30 =	sld [smem:$0x0];
	_ =	sdelay $0x2  }
0xb8: {  	s31 =	sshll.u32 s1, $0xD;
	s1 =	sshrl.u32 s1, $0x2  }
0xb9: {  	s3 =	sand.u32 $0x4000, s31;
	s1 =	sadd.s32 s1, s30  }
0xba: {  	s0 =	sor.u32 s3, s0;
	s1 =	sshll.u32 s1, $0x11  }
0xbb: {  	s0 =	sor.u32 s1, s0  }
0xbc: {  	s0 =	sadd.s32 $0x8F2B, s0  }
0xbd: {  	[sflag:s0] =	ssyncadd.remote.s32 $0x1  }
0xbe: {  	_ =	sfence.sel $0xFFFF  }
0xbf: {  	[dreg:$0x0] =	wrdreg $0xFFFFFFFF;
	(pc) =	sbr.abs _section_cstart, $3  }
0xc0: {  	[dreg:$0x1] =	wrdreg $0xFFFFFFFF  }
0xc1: {  	_ =	task.clear_ibuf [dreg:s6], $0x2FFFF;
	_ =	strace $0x9FFFFFFF  }
0xc2: {  	(tm) =	ssettm $0x7FFFFFFF  }
0xc3: {  	_ =	shalt  }
tec
execute0_lowered:
.L_overlay_start_1:
0x0: {  	(tag) =	ssettag $0x1  }
0x1: {  	s4 =	rddreg [dreg:$0x0]  }
0x2: {  	s2 =	rddreg [dreg:$0x1]  }
0x3: {  	s1 =	stileid.u32;
	s0 =	rddreg [dreg:$0x2]  }
0x4: {  	s7 =	srdreg.scid;
	s5 =	smul.u32 $0x27100, s1  }
0x5: {  	s3 =	simm.s32 $0x0;
	s13 =	simm.s32 $0x1;
	s6 =	smul.u32 $0x4E2, s1  }
0x6: {  	s14 =	simm.s32 $0x80;
	s15 =	simm.s32 $0x50;
	s8 =	smul.u32 $0x14000, s1  }
0x7: {  	s16 =	simm.s32 $0x0;
	s7 =	sand.u32 $0x1, s7;
	s28 =	smul.u32 $0x50000, s1  }
0x8: {  	[smem:$0x7FF] =	sst s3;
	s31 =	sshll.u32 s1, $0x6;
	s9 =	smul.u32 $0x140000, s7  }
0x9: {  	_ =	strace $0x8000004D;
	s26 =	ssub.s32 $0x2, s7;
	p0 =	seq.s32 s7, $0x1  }
0xa: {  	s10 =	sadd.s32 s5, s4;
	s11 =	sadd.s32 s6, s4;
	s24 =	sshrl.u32 s8, $0x3  }
0xb: {  	s29 =	sshrl.u32 s26, $0x1;
	s30 =	sshrl.u32 s28, $0x2;
	s25 =	sadd.s32 s8, s9  }
.Ltmp0:
0xc: {  	s5 =	sadd.s32 s24, s4;
	s8 =	ssub.s32 s26, s29;
	(pc) =	sbr.rel .LBB2_1-.Ltmp0, $4  }
0xd: {  	s12 =	sadd.s32 s30, s2;
	s9 =	sadd.s32 $0x2800, s11;
	s11 =	sadd.s32 $0x7620, s11  }
0xe: {  	s6 =	sshrl.u32 s25, $0x3;
	s7 =	smax.u32 s8, $0x1;
	s8 =	sadd.s32 $0x16400, s10  }
0xf: {  	s10 =	sadd.s32 $0x13FB600, s10;
	s6 =	sadd.s32 s6, s4;
	s4 =	sadd.s32 $0x287400, s5  }
0x10: {  	s12 =	sshrl.u32 s12, $0x3;
	s5 =	sor.u32 $0x1C01, s31;
	s6 =	sadd.s32 $0x2AF400, s6  }
.LBB2_7:
0x11: {  	s18 =	sadd.s32 s18, s11;
	[sflag:s13] =	ssyncadd.s32 $0xFFFFD800  }
0x12: {  	[tilespmem:s3], [sflag:$0x1] =	stream.linear.gather [hbm4b:s18+s3], $0x50, $0x38;
	[tilespmem:$0x16880] =	vst v63  }
0x13: {  	_ =	swait.ge [sflag:s13], $0x50  }
0x14: {  	[sflag:s13] =	ssyncset.done $0x0  }
0x15: {  	[sflag:s13] =	ssyncadd.s32 $0xFFFFFFB0  }
0x16: {  	[tilespmem:s14], [sflag:$0x1] =	stream.linear.gather [hbm4b:s17+s3], $0x2800, $0x38;
	[tilespmem:$0x16880] =	vst v63  }
0x17: {  	_ =	swait.ge [sflag:s13], $0x2800  }
0x18: {  	[sflag:s13] =	ssyncset.done $0x0  }
0x19: {  	[sflag:s13] =	ssyncadd.s32 $0xFFFFD800  }
0x1a: {  	[spmem:s2] =	stream.indirect.scatter.add.f32 [tilespmem:s14], [sflag:$0x1], $0x80, s3, s15, $0xb8;
	[tilespmem:$0x16880] =	vst v63  }
0x1b: {  	_ =	swait.ge [sflag:s13], $0x2800  }
0x1c: {  	[sflag:s13] =	ssyncset.done $0x0  }
0x1d: {  	[sflag:s13] =	ssyncadd.s32 $0xFFFFD800  }
.LBB2_8:
0x1e: {  	s16 =	sadd.s32 $0x1, s16  }
0x1f: {  	p1 =	sne.s32 s16, s7  }
.Ltmp1:
0x20: {  	[bflag:$0x0] =	sbarrier.arrive $0xFFFF;
	(pc) =	sbr.rel @!p1 .LBB2_9-.Ltmp1, $4  }
0x21: {  	[hbm:s6], [sflag:s5] =	dma.local [spmem:s12], $0x2800  }
0x22: {  	_ =	swait.ge [sflag:s13], $0x2800  }
0x23: {  	[sflag:s13] =	ssyncset.done $0x0  }
0x24: {  	[sflag:s13] =	ssyncadd.s32 $0xFFFFD800  }
.LBB2_1:
0x25: {  	[spmem:s12], [sflag:s5] =	dma.local [hbm:s4], $0x2800  }
.Ltmp2:
0x26: {  	_ =	swait.ge [sflag:s13], $0x2800;
	(pc) =	sbr.rel @!p0 .LBB2_2-.Ltmp2, $3  }
0x27: {  	[sflag:s13] =	ssyncset.done $0x0  }
0x28: {  	[sflag:s13] =	ssyncadd.s32 $0xFFFFD800  }
0x29: {  	[bflag:$0x0] =	sbarrier.arrive $0xFFFF;
	_ =	sdelay $0x1  }
0x2a: {  	s17 =	sadd.s32 $0x0, s11  }
0x2b: {  	[tilespmem:s3], [sflag:$0x1] =	stream.linear.gather [hbm4b:s17+s3], $0x50, $0x38;
	[tilespmem:$0x16880] =	vst v63  }
0x2c: {  	_ =	swait.ge [sflag:s13], $0x50  }
0x2d: {  	[sflag:s13] =	ssyncset.done $0x0  }
0x2e: {  	[sflag:s13] =	ssyncadd.s32 $0xFFFFFFB0  }
0x2f: {  	[tilespmem:s14], [sflag:$0x1] =	stream.linear.gather [hbm4b:s10+s3], $0x2800, $0x38;
	[tilespmem:$0x16880] =	vst v63  }
0x30: {  	_ =	swait.ge [sflag:s13], $0x2800  }
0x31: {  	[sflag:s13] =	ssyncset.done $0x0  }
0x32: {  	[sflag:s13] =	ssyncadd.s32 $0xFFFFD800  }
0x33: {  	[spmem:s2] =	stream.indirect.scatter.add.f32 [tilespmem:s14], [sflag:$0x1], $0x80, s3, s15, $0xb8;
	[tilespmem:$0x16880] =	vst v63  }
0x34: {  	s18 =	simm.s32 $0xA;
	_ =	swait.ge [sflag:s13], $0x2800  }
0x35: {  	s19 =	simm.s32 $0x14;
	s17 =	sadd.s32 $0x500, s10;
	[sflag:s13] =	ssyncset.done $0x0  }
.LBB2_6:
0x36: {  	s20 =	sadd.s32 s18, s11  }
0x37: {  	[sflag:s13] =	ssyncadd.s32 $0xFFFFD800;
	s18 =	smov.u32 s19;
	s21 =	sadd.s32 $0xA, s19  }
0x38: {  	[tilespmem:s3], [sflag:$0x1] =	stream.linear.gather [hbm4b:s20+s3], $0x50, $0x38;
	[tilespmem:$0x16880] =	vst v63  }
0x39: {  	p1 =	sne.s32 s19, $0x4D8;
	_ =	swait.ge [sflag:s13], $0x50  }
0x3a: {  	[sflag:s13] =	ssyncset.done $0x0  }
0x3b: {  	[sflag:s13] =	ssyncadd.s32 $0xFFFFFFB0  }
0x3c: {  	[tilespmem:s14], [sflag:$0x1] =	stream.linear.gather [hbm4b:s17+s3], $0x2800, $0x38;
	[tilespmem:$0x16880] =	vst v63  }
0x3d: {  	_ =	swait.ge [sflag:s13], $0x2800  }
.Ltmp3:
0x3e: {  	[sflag:s13] =	ssyncset.done $0x0;
	(pc) =	sbr.rel @p1 .LBB2_6-.Ltmp3, $4  }
0x3f: {  	[sflag:s13] =	ssyncadd.s32 $0xFFFFD800  }
0x40: {  	[spmem:s2] =	stream.indirect.scatter.add.f32 [tilespmem:s14], [sflag:$0x1], $0x80, s3, s15, $0xb8;
	[tilespmem:$0x16880] =	vst v63  }
0x41: {  	_ =	swait.ge [sflag:s13], $0x2800  }
0x42: {  	s19 =	smov.u32 s21;
	s17 =	sadd.s32 $0x500, s17;
	[sflag:s13] =	ssyncset.done $0x0  }
.Ltmp4:
0x43: {  	_ = 	snop;
	(pc) =	sbr.rel .LBB2_7-.Ltmp4, $1  }
0x44: {  	_ =	sdelay $0x3  }
.LBB2_2:
0x45: {  	s17 =	sadd.s32 $0x0, s9  }
0x46: {  	[tilespmem:s3], [sflag:$0x1] =	stream.linear.gather [hbm4b:s17+s3], $0x50, $0x38;
	[tilespmem:$0x16880] =	vst v63  }
0x47: {  	_ =	swait.ge [sflag:s13], $0x50  }
0x48: {  	[sflag:s13] =	ssyncset.done $0x0  }
0x49: {  	[sflag:s13] =	ssyncadd.s32 $0xFFFFFFB0  }
0x4a: {  	[tilespmem:s14], [sflag:$0x1] =	stream.linear.gather [hbm4b:s8+s3], $0x2800, $0x38;
	[tilespmem:$0x16880] =	vst v63  }
0x4b: {  	_ =	swait.ge [sflag:s13], $0x2800  }
0x4c: {  	[sflag:s13] =	ssyncset.done $0x0  }
0x4d: {  	[sflag:s13] =	ssyncadd.s32 $0xFFFFD800  }
0x4e: {  	[spmem:s2] =	stream.indirect.scatter.add.f32 [tilespmem:s14], [sflag:$0x1], $0x80, s3, s15, $0xb8;
	[tilespmem:$0x16880] =	vst v63  }
0x4f: {  	s18 =	simm.s32 $0xA;
	_ =	swait.ge [sflag:s13], $0x2800  }
0x50: {  	s19 =	simm.s32 $0x14;
	s17 =	sadd.s32 $0x500, s8;
	[sflag:s13] =	ssyncset.done $0x0  }
.LBB2_3:
0x51: {  	s20 =	sadd.s32 s18, s9  }
0x52: {  	[sflag:s13] =	ssyncadd.s32 $0xFFFFD800;
	s18 =	smov.u32 s19;
	s21 =	sadd.s32 $0xA, s19  }
0x53: {  	[tilespmem:s3], [sflag:$0x1] =	stream.linear.gather [hbm4b:s20+s3], $0x50, $0x38;
	[tilespmem:$0x16880] =	vst v63  }
0x54: {  	p1 =	seq.s32 s19, $0x4D8;
	_ =	swait.ge [sflag:s13], $0x50  }
0x55: {  	[sflag:s13] =	ssyncset.done $0x0  }
0x56: {  	[sflag:s13] =	ssyncadd.s32 $0xFFFFFFB0  }
0x57: {  	[tilespmem:s14], [sflag:$0x1] =	stream.linear.gather [hbm4b:s17+s3], $0x2800, $0x38;
	[tilespmem:$0x16880] =	vst v63  }
0x58: {  	_ =	swait.ge [sflag:s13], $0x2800  }
.Ltmp5:
0x59: {  	[sflag:s13] =	ssyncset.done $0x0;
	(pc) =	sbr.rel @!p1 .LBB2_3-.Ltmp5, $4  }
0x5a: {  	[sflag:s13] =	ssyncadd.s32 $0xFFFFD800  }
0x5b: {  	[spmem:s2] =	stream.indirect.scatter.add.f32 [tilespmem:s14], [sflag:$0x1], $0x80, s3, s15, $0xb8;
	[tilespmem:$0x16880] =	vst v63  }
0x5c: {  	_ =	swait.ge [sflag:s13], $0x2800  }
0x5d: {  	s19 =	smov.u32 s21;
	s17 =	sadd.s32 $0x500, s17;
	[sflag:s13] =	ssyncset.done $0x0  }
0x5e: {  	s18 =	sadd.s32 s18, s9;
	[sflag:s13] =	ssyncadd.s32 $0xFFFFD800  }
0x5f: {  	[tilespmem:s3], [sflag:$0x1] =	stream.linear.gather [hbm4b:s18+s3], $0x50, $0x38;
	[tilespmem:$0x16880] =	vst v63  }
0x60: {  	_ =	swait.ge [sflag:s13], $0x50  }
0x61: {  	[sflag:s13] =	ssyncset.done $0x0  }
0x62: {  	[sflag:s13] =	ssyncadd.s32 $0xFFFFFFB0  }
0x63: {  	[tilespmem:s14], [sflag:$0x1] =	stream.linear.gather [hbm4b:s17+s3], $0x2800, $0x38;
	[tilespmem:$0x16880] =	vst v63  }
0x64: {  	_ =	swait.ge [sflag:s13], $0x2800  }
0x65: {  	[sflag:s13] =	ssyncset.done $0x0  }
.Ltmp6:
0x66: {  	[sflag:s13] =	ssyncadd.s32 $0xFFFFD800;
	(pc) =	sbr.rel .LBB2_8-.Ltmp6, $4  }
0x67: {  	[spmem:s2] =	stream.indirect.scatter.add.f32 [tilespmem:s14], [sflag:$0x1], $0x80, s3, s15, $0xb8;
	[tilespmem:$0x16880] =	vst v63  }
0x68: {  	_ =	swait.ge [sflag:s13], $0x2800  }
0x69: {  	[sflag:s13] =	ssyncset.done $0x0  }
0x6a: {  	[sflag:s13] =	ssyncadd.s32 $0xFFFFD800  }
.LBB2_9:
0x6b: {  	_ =	sfence.sel $0x180000  }
0x6c: {  	[bflag:$0x0] =	sbarrier.arrive $0xFFFF  }
0x6d: {  	p0 =	sne.s32 s1, $0x0;
	_ =	strace $0x9000004D  }
0x6e: {  	s0 =	sadd.s32 @!p0 $0x100000, s0;
	[bflag:$0x2] =	sbarrier.arrive $0xFFFF  }
0x6f: {  	[sflag:s0] =	ssyncadd.tile.s32 @!p0 $0x1;
	_ =	shalt  }
.Lfunc_end2:
_tile_overlayer_lowered:
.L_overlay_start_2:
0x70: {  	(tag) =	ssettag $0x2  }
0x71: {  	s0 =	rddreg [dreg:$0x0];
	s2 =	stileid.u32  }
0x72: {  	s1 =	rddreg [dreg:$0x1];
	p0 =	sne.s32 s2, $0x0  }
0x73: {  	s3 =	rddreg [dreg:$0x2];
	[bflag:$0x3] =	sbarrier.arrive $0xFFFF;
	s2 =	simm.s32 @!p0 $0x1C01  }
0x74: {  	[timem:s3], [sflag:s2] =	dma.local @!p0 [hbm:s0], s1  }
0x75: {  	s0 =	simm.s32 @!p0 $0x1  }
0x76: {  	_ =	swait.ge @!p0 [sflag:s0], s1  }
0x77: {  	s1 =	ssub.s32 @!p0 $0x0, s1;
	[sflag:s0] =	ssyncset.done @!p0 $0x0  }
0x78: {  	[sflag:s0] =	ssyncadd.s32 @!p0 s1  }
0x79: {  	[bflag:$0x3] =	sbarrier.arrive $0xFFFF  }
0x7a: {  	_ =	shalt  }

// kernel: kernel.19.cloned.1.call-start
scs
__scs_entry_jumppad:
0x0: {  	(pc) =	sbr.rel $0x88, $3  }
0x1: {  	(tag) =	ssettag $0x0;
	lr =	simm.s32 $0x1  }
0x2: {  	[smem:$0x3F93] =	sst lr;
	_ =	strace $0xD0000000  }
0x3: {  	_ = 	snop  }
0x4: {  	_ = 	snop  }
0x5: {  	_ = 	snop  }
0x6: {  	_ = 	snop  }
0x7: {  	_ = 	snop  }
__scs_overlays_trampoline_lowered:
0x8: {  	[smem:$0x3FA2] =	sst s0  }
0x9: {  	[smem:$0x3FA3] =	sst s1  }
0xa: {  	[smem:$0x3FA4] =	sst s2  }
0xb: {  	[smem:$0x3FA5] =	sst s3  }
0xc: {  	[smem:$0x3FA6] =	sst s4  }
0xd: {  	[smem:$0x3FA7] =	sst s5  }
0xe: {  	[smem:$0x3FA8] =	sst s6  }
0xf: {  	[smem:$0x3FA9] =	sst s7  }
0x10: {  	[smem:$0x3FAA] =	sst s8  }
0x11: {  	[smem:$0x3FAB] =	sst s9;
	s0 =	simm.s32 @!p0 $0x0  }
0x12: {  	s1 =	sld [smem:$0x3F91];
	s0 =	simm.s32 @p0 $0x1  }
0x13: {  	[smem:$0x3FAC] =	sst s0;
	s0 =	simm.s32 @!p1 $0x0  }
0x14: {  	s2 =	sld [smem:$0x3F90];
	s0 =	simm.s32 @p1 $0x1  }
0x15: {  	[smem:$0x3FAD] =	sst s0;
	s0 =	simm.s32 @!p2 $0x0  }
0x16: {  	s3 =	sld [smem:$0x3FDB];
	s0 =	simm.s32 @p2 $0x1  }
0x17: {  	s4 =	simm.s32 $0x1BF5;
	[smem:$0x3FAF] =	sst s0  }
0x18: {  	s0 =	sld [smem:$0x3F92];
	_ =	swait.ge [sflag:s4], $0x0  }
0x19: {  	s7 =	sld [smem:$0x3F93]  }
0x1a: {  	s8 =	sadd.s32 $0xFFFFE003, lr  }
0x1b: {  	s9 =	sadd.s32 $0xFFFFFEF7, lr;
	s5 =	simm.s32 $0xFFFFFFFF;
	p2 =	slt.u32 s8, $0xFFFFF086  }
0x1c: {  	p1 =	slt.u32 s9, $0xF7A;
	s5 =	simm.s32 @!p2 $0x0  }
0x1d: {  	s5 =	simm.s32 @p1 $0x1;
	p0 =	seq.s32 s7, s2  }
0x1e: {  	s7 =	smul.u32 @!p0 $0xF7A, s2;
	p2 =	seq.s32 @!p0 s5, $0x0  }
0x1f: {  	s9 =	smul.u32 $0xF7A, s1;
	s8 =	simm.s32 @!p0 $0x1BF5;
	p2 =	por !p2, p0  }
0x20: {  	[sflag:s8] =	ssyncset.s32 @!p0 $0xFFFFF086;
	s6 =	sadd.s32 @!p0 s3, s7;
	s7 =	simm.s32 @!p0 $0x108  }
0x21: {  	s3 =	sadd.s32 s3, s9;
	s6 =	sadd.s32 @!p0 $0x88, s6;
	s7 =	simm.s32 @p2 $0x1082  }
0x22: {  	[simem:s7], [sflag:s8] =	dma.local @!p0 [hbm:s6], $0xF7A  }
0x23: {  	s9 =	sor.u32 $0xD0000000, s2;
	s6 =	simm.s32 $0x108;
	_ =	swait.ge @!p0 [sflag:s8], $0x0  }
0x24: {  	s3 =	sadd.s32 $0x88, s3;
	s6 =	simm.s32 @!p1 $0x1082;
	[sflag:s4] =	ssyncset.s32 $0xFFFFF086  }
0x25: {  	[simem:s6], [sflag:s4] =	dma.local [hbm:s3], $0xF7A  }
0x26: {  	[smem:$0x3F93] =	sst s1;
	(tag) =	ssettag s2;
	_ =	strace s9  }
0x27: {  	s1 =	sld [smem:$0x3FA3]  }
0x28: {  	s2 =	sld [smem:$0x3FA4]  }
0x29: {  	s4 =	sld [smem:$0x3FA6]  }
0x2a: {  	p0 =	seq.s32 s5, $0x0;
	s5 =	sld [smem:$0x3FA7]  }
0x2b: {  	s6 =	sld [smem:$0x3FA8]  }
0x2c: {  	s7 =	sld [smem:$0x3FA9]  }
0x2d: {  	s3 =	simm.s32 $0x108;
	s8 =	sld [smem:$0x3FAA]  }
0x2e: {  	s3 =	simm.s32 @!p0 $0x1082;
	s9 =	sld [smem:$0x3FAB]  }
0x2f: {  	lr =	sadd.s32 s0, s3;
	s0 =	sld [smem:$0x3FA2]  }
0x30: {  	s3 =	sld [smem:$0x3FA5]  }
0x31: {  	[smem:$0x3FAE] =	sst s10  }
0x32: {  	s10 =	sld [smem:$0x3FAC];
	_ =	sdelay $0x3  }
0x33: {  	p0 =	seq.s32 s10, $0x1;
	s10 =	sld [smem:$0x3FAE];
	_ =	sdelay $0x3  }
0x34: {  	[smem:$0x3FAE] =	sst s10  }
0x35: {  	s10 =	sld [smem:$0x3FAD];
	_ =	sdelay $0x3  }
0x36: {  	p1 =	seq.s32 s10, $0x1;
	s10 =	sld [smem:$0x3FAE];
	_ =	sdelay $0x3  }
0x37: {  	[smem:$0x3FAE] =	sst s10  }
0x38: {  	s10 =	sld [smem:$0x3FAF]  }
0x39: {  	_ = 	snop;
	(pc) =	sbr.ind lr, $3  }
0x3a: {  	_ = 	snop  }
0x3b: {  	_ = 	snop  }
0x3c: {  	p2 =	seq.s32 s10, $0x1;
	s10 =	sld [smem:$0x3FAE]  }
0x3d: {  	_ =	shalt  }
0x3e: {  	_ =	shalt  }
0x3f: {  	_ =	shalt  }
0x40: {  	_ =	shalt  }
0x41: {  	_ =	shalt  }
0x42: {  	_ =	shalt  }
0x43: {  	_ =	shalt  }
0x44: {  	_ =	shalt  }
0x45: {  	_ =	shalt  }
0x46: {  	_ =	shalt  }
0x47: {  	_ =	shalt  }
0x48: {  	_ =	shalt  }
0x49: {  	_ =	shalt  }
0x4a: {  	_ =	shalt  }
0x4b: {  	_ =	shalt  }
0x4c: {  	_ =	shalt  }
0x4d: {  	_ =	shalt  }
0x4e: {  	_ =	shalt  }
0x4f: {  	_ =	shalt  }
0x50: {  	_ =	shalt  }
0x51: {  	_ =	shalt  }
0x52: {  	_ =	shalt  }
0x53: {  	_ =	shalt  }
0x54: {  	_ =	shalt  }
0x55: {  	_ =	shalt  }
0x56: {  	_ =	shalt  }
0x57: {  	_ =	shalt  }
0x58: {  	_ =	shalt  }
0x59: {  	_ =	shalt  }
0x5a: {  	_ =	shalt  }
0x5b: {  	_ =	shalt  }
0x5c: {  	_ =	shalt  }
0x5d: {  	_ =	shalt  }
0x5e: {  	_ =	shalt  }
0x5f: {  	_ =	shalt  }
0x60: {  	_ =	shalt  }
0x61: {  	_ =	shalt  }
0x62: {  	_ =	shalt  }
0x63: {  	_ =	shalt  }
0x64: {  	_ =	shalt  }
0x65: {  	_ =	shalt  }
0x66: {  	_ =	shalt  }
0x67: {  	_ =	shalt  }
0x68: {  	_ =	shalt  }
0x69: {  	_ =	shalt  }
0x6a: {  	_ =	shalt  }
0x6b: {  	_ =	shalt  }
0x6c: {  	_ =	shalt  }
0x6d: {  	_ =	shalt  }
0x6e: {  	_ =	shalt  }
0x6f: {  	_ =	shalt  }
0x70: {  	_ =	shalt  }
0x71: {  	_ =	shalt  }
0x72: {  	_ =	shalt  }
0x73: {  	_ =	shalt  }
0x74: {  	_ =	shalt  }
0x75: {  	_ =	shalt  }
0x76: {  	_ =	shalt  }
0x77: {  	_ =	shalt  }
0x78: {  	_ =	shalt  }
0x79: {  	_ =	shalt  }
0x7a: {  	_ =	shalt  }
0x7b: {  	_ =	shalt  }
0x7c: {  	_ =	shalt  }
0x7d: {  	_ =	shalt  }
0x7e: {  	_ =	shalt  }
0x7f: {  	_ =	shalt  }
0x80: {  	_ =	shalt  }
0x81: {  	_ =	shalt  }
0x82: {  	_ =	shalt  }
0x83: {  	_ =	shalt  }
0x84: {  	_ =	shalt  }
0x85: {  	_ =	shalt  }
0x86: {  	_ =	shalt  }
0x87: {  	_ =	shalt  }
.Lfunc_end0:
.L_simem_size_0:
called_computation.3_lowered:
.L_overlay_start_0:
0x88: {  	s2 =	sld [smem:$0x3FD9]  }
0x89: {  	s3 =	sld [smem:$0x3FFE];
	_ =	sdelay $0x1  }
0x8a: {  	s1 =	srdreg.scid  }
0x8b: {  	s0 =	sand.u32 $0x1, s1  }
0x8c: {  	s17 =	sshll.u32 s0, $0xA;
	s2 =	sadd.s32 s3, s2  }
0x8d: {  	s2 =	sadd.s32 s2, s17  }
0x8e: {  	[smem:$0x3FBA] =	sst s2  }
0x8f: {  	_ = 	snop  }
0x90: {  	s2 =	sld [smem:$0x3FD0];
	(tm) =	ssettm $0x1  }
0x91: {  	s18 =	sld [smem:$0x3FFB];
	_ =	sdelay $0x3  }
0x92: {  	_ =	strace s18  }
0x93: {  	s3 =	sld [smem:$0x3FFC];
	_ =	sdelay $0x3  }
0x94: {  	_ =	strace s3  }
0x95: {  	s3 =	sld [smem:$0x3FFD];
	_ =	sdelay $0x3  }
0x96: {  	_ =	strace s3  }
0x97: {  	_ =	strace $0x8FFFFFFF  }
0x98: {  	s19 =	sld [smem:$0x3FDB];
	_ =	sdelay $0x1  }
0x99: {  	s4 =	simm.s32 $_scs_section_size  }
0x9a: {  	s5 =	simm.s32 $_size__tile_overlayer_lowered;
	s6 =	simm.s32 $_tile_overlayer_lowered  }
0x9b: {  	s22 =	simm.s32 $0x1BFF;
	s21 =	sshll.u32 s6, $0x1;
	s3 =	sadd.s32 s4, s19  }
0x9c: {  	s7 =	simm.s32 $0x0;
	s20 =	sshll.u32 s5, $0x1;
	s5 =	sadd.s32 s21, s3  }
0x9d: {  	[timem:s7], [sflag:s22] =	dma.local [hbm:s5], s20  }
0x9e: {  	_ =	swait.ge [sflag:s22], s20  }
0x9f: {  	s4 =	ssub.s32 $0x0, s20;
	[sflag:s22] =	ssyncset.done $0x0  }
0xa0: {  	[sflag:s22] =	ssyncadd.s32 s4;
	_ =	sdelay $0x1  }
0xa1: {  	s23 =	simm.s32 $0x1B8B  }
0xa2: {  	_ =	swait.ge [sflag:s23], $0x1  }
0xa3: {  	[sflag:s23] =	ssyncset.done $0x0  }
0xa4: {  	s25 =	simm.s32 $0x1B8E;
	s24 =	sld [smem:$0x3FFE];
	[sflag:s23] =	ssyncadd.s32 $0xFFFFFFFF  }
0xa5: {  	s26 =	simm.s32 $execute0_lowered;
	[smem:$0x3FD2] =	sst s25  }
0xa6: {  	s5 =	sshll.u32 s26, $0x1;
	_ =	strace $0x8000004F;
	[dreg:$0x1] =	wrdreg $0xFFFFFFFF  }
0xa7: {  	s28 =	simm.s32 $_size_execute0_lowered;
	s3 =	sadd.s32 s3, s5;
	[dreg:$0x0] =	wrdreg $0x0  }
0xa8: {  	s5 =	sshll.u32 s28, $0x1;
	[dreg:$0x2] =	wrdreg s3  }
0xa9: {  	[dreg:$0x3] =	wrdreg s5  }
0xaa: {  	[dreg:$0x4] =	wrdreg $0xC0  }
0xab: {  	_ =	task [dreg:s7], $0x5FFFF  }
0xac: {  	[dreg:$0x1] =	wrdreg $0xFFFFFFFF  }
0xad: {  	[dreg:$0x0] =	wrdreg $0x60  }
0xae: {  	[dreg:$0x2] =	wrdreg s24  }
0xaf: {  	[dreg:$0x3] =	wrdreg s2  }
0xb0: {  	[dreg:$0x4] =	wrdreg $0x9  }
0xb1: {  	_ =	task.clear_ibuf [dreg:s7], $0x5FFFF;
	_ =	strace $0x9000004F  }
0xb2: {  	s29 =	simm.s32 $0x9;
	_ =	strace $0x80000051  }
0xb3: {  	_ =	swait.ge [sflag:s29], $0x1  }
0xb4: {  	[sflag:s29] =	ssyncadd.s32 $0xFFFFFFFF  }
0xb5: {  	_ =	strace $0x90000051  }
0xb6: {  	_ =	sfence  }
0xb7: {  	s30 =	sld [smem:$0x0];
	_ =	sdelay $0x2  }
0xb8: {  	s31 =	sshll.u32 s1, $0xD;
	s1 =	sshrl.u32 s1, $0x2  }
0xb9: {  	s3 =	sand.u32 $0x4000, s31;
	s1 =	sadd.s32 s1, s30  }
0xba: {  	s0 =	sor.u32 s3, s0;
	s1 =	sshll.u32 s1, $0x11  }
0xbb: {  	s0 =	sor.u32 s1, s0  }
0xbc: {  	s0 =	sadd.s32 $0x8F2B, s0  }
0xbd: {  	[sflag:s0] =	ssyncadd.remote.s32 $0x1  }
0xbe: {  	_ =	sfence.sel $0xFFFF  }
0xbf: {  	[dreg:$0x0] =	wrdreg $0xFFFFFFFF;
	(pc) =	sbr.abs _section_cstart, $3  }
0xc0: {  	[dreg:$0x1] =	wrdreg $0xFFFFFFFF  }
0xc1: {  	_ =	task.clear_ibuf [dreg:s7], $0x2FFFF;
	_ =	strace $0x9FFFFFFF  }
0xc2: {  	(tm) =	ssettm $0x7FFFFFFF  }
0xc3: {  	_ =	shalt  }
tec
execute0_lowered:
.L_overlay_start_1:
0x0: {  	(tag) =	ssettag $0x1  }
0x1: {  	s7 =	rddreg [dreg:$0x0]  }
0x2: {  	s1 =	rddreg [dreg:$0x1]  }
0x3: {  	s0 =	rddreg [dreg:$0x2];
	s2 =	simm.s32 $0x0;
	s3 =	srdreg.scid  }
0x4: {  	s12 =	simm.s32 $0x4F00;
	s13 =	simm.s32 $0x5100;
	s14 =	simm.s32 $0x5300  }
0x5: {  	s15 =	simm.s32 $0x0;
	[smem:$0x7FF] =	sst s2;
	s8 =	sand.u32 $0x1, s3  }
0x6: {  	s4 =	sadd.s32 $0x16A00, s7;
	s3 =	stileid.u32;
	s5 =	sadd.s32 $0x16400, s7  }
0x7: {  	s6 =	sadd.s32 $0xC600, s7;
	s7 =	sadd.s32 $0x2800, s7;
	s9 =	ssub.s32 $0x2, s8  }
0x8: {  	_ =	strace $0x80000050;
	s11 =	sshll.u32 s3, $0x1;
	s10 =	sshrl.u32 s9, $0x1  }
0x9: {  	s8 =	sor.u32 s8, s11;
	s11 =	simm.s32 $0x2780;
	s9 =	ssub.s32 s9, s10  }
0xa: {  	s8 =	smul.u32 $0x2710, s8;
	s10 =	simm.s32 $0x1;
	s9 =	smax.u32 s9, $0x1  }
.LBB2_1:
0xb: {  	[tilespmem:s2], [sflag:$0x1] =	stream.linear.gather [hbm4b:s4+s2], $0x2780, $0x38;
	[tilespmem:$0x5500] =	vst v63  }
0xc: {  	_ =	swait.ge [sflag:s10], $0x2780  }
0xd: {  	[sflag:s10] =	ssyncset.done $0x0  }
0xe: {  	[sflag:s10] =	ssyncadd.s32 $0xFFFFD880  }
0xf: {  	[tilespmem:s11], [sflag:$0x1] =	stream.linear.gather [hbm4b:s5+s2], $0x2780, $0x38;
	[tilespmem:$0x5500] =	vst v63  }
0x10: {  	_ =	swait.ge [sflag:s10], $0x2780  }
0x11: {  	[sflag:s10] =	ssyncset.done $0x0  }
0x12: {  	s16 =	simm.s32 $0x0;
	[sflag:s10] =	ssyncadd.s32 $0xFFFFD880  }
.LBB2_2:
0x13: {  	s17 =	smul.u32 $0x190, s16;
	_ =	sdelay $0x1  }
0x14: {  	s17 =	sadd.s32 s8, s17  }
0x15: {  	s17 =	sshrl.u32 s17, $0x3  }
0x16: {  	s19 =	simm.s32 $0x0;
	s18 =	sadd.s32 s6, s17  }
0x17: {  	[tilespmem:s12], [sflag:$0x1] =	stream.linear.gather [hbm4b:s18+s19], $0x190, $0x38;
	[tilespmem:$0x5500] =	vst v63  }
0x18: {  	_ =	swait.ge [sflag:s10], $0x190  }
0x19: {  	[sflag:s10] =	ssyncset.done $0x0  }
0x1a: {  	s31 =	sadd.s32 s7, s17;
	[sflag:s10] =	ssyncadd.s32 $0xFFFFFE70  }
0x1b: {  	[tilespmem:s13], [sflag:$0x1] =	stream.linear.gather [hbm4b:s31+s19], $0x190, $0x38;
	[tilespmem:$0x5500] =	vst v63  }
0x1c: {  	_ =	swait.ge [sflag:s10], $0x190  }
0x1d: {  	[sflag:s10] =	ssyncset.done $0x0  }
0x1e: {  	s18 =	simm.s32 $0x0;
	[sflag:s10] =	ssyncadd.s32 $0xFFFFFE70  }
0x1f: {  	v0 =	vld [tilespmem:s18+$0x5100]  }
0x20: {  	v1 =	vld [tilespmem:s18+$0x4F00];
	_ =	sdelay $0x6  }
0x21: {  	v0 =	vld.idx.msk [tilespmem:v0+s11+$0x0], $0xffff  }
0x22: {  	v1 =	vld.idx.msk [tilespmem:v1+s2+$0x0], $0xffff;
	_ =	sdelay $0x4  }
0x23: {  	v0 =	vadd.f32 v0, v1;
	_ =	sdelay $0x1  }
0x24: {  	v0 =	vsub.f32 $0.0e+00, v0;
	_ =	sdelay $0x1  }
0x25: {  	v0 =	vmul.f32 $1.442695020e+00, v0;
	_ =	sdelay $0x1  }
0x26: {  	(erf) = vpow2.f32 v0;
	_ =	sdelay $0x8  }
0x27: {  	v0 =	vpop (erf)  }
0x28: {  	v0 =	vadd.f32 $1.000000000e+00, v0;
	_ =	sdelay $0x1  }
0x29: {  	(erf) = vrcp.f32 v0;
	_ =	sdelay $0x1  }
0x2a: {  	s20 =	simm.s32 $0x10  }
0x2b: {  	s19 =	simm.s32 $0x80;
	v0 =	vld [tilespmem:s20+$0x5100]  }
.LBB2_3:
0x2c: {  	p0 =	sne.s32 s19, $0x600;
	v1 =	vld [tilespmem:s20+$0x4F00];
	_ =	sdelay $0x4  }
0x2d: {  	v2 =	vpop (erf)  }
0x2e: {  	[tilespmem:s18+$0x5300] =	vst v2;
	s18 =	smov.u32 s20  }
0x2f: {  	v0 =	vld.idx.msk [tilespmem:v0+s11+$0x0], $0xffff  }
0x30: {  	v1 =	vld.idx.msk [tilespmem:v1+s2+$0x0], $0xffff;
	_ =	sdelay $0x5  }
0x31: {  	v0 =	vadd.f32 v0, v1;
	_ =	sdelay $0x1  }
0x32: {  	v0 =	vsub.f32 $0.0e+00, v0;
	_ =	sdelay $0x1  }
0x33: {  	v0 =	vmul.f32 $1.442695020e+00, v0;
	_ =	sdelay $0x1  }
0x34: {  	(erf) = vpow2.f32 v0;
	_ =	sdelay $0x8  }
0x35: {  	v0 =	vpop (erf)  }
0x36: {  	v0 =	vadd.f32 $1.000000000e+00, v0  }
.Ltmp0:
0x37: {  	(pc) =	sbr.rel @p0 .LBB2_3-.Ltmp0, $3  }
0x38: {  	(erf) = vrcp.f32 v0;
	_ =	sdelay $0x1  }
0x39: {  	s20 =	sshra.s32 s19, $0x2  }
0x3a: {  	s19 =	sadd.s32 $0x40, s19;
	v0 =	vld [tilespmem:s20+$0x5100]  }
0x3b: {  	_ = 	snop  }
0x3c: {  	v1 =	vld [tilespmem:s20+$0x4F00];
	_ =	sdelay $0x4  }
0x3d: {  	v2 =	vpop (erf)  }
0x3e: {  	[tilespmem:s18+$0x5300] =	vst v2  }
0x3f: {  	v0 =	vld.idx.msk [tilespmem:v0+s11+$0x0], $0xffff  }
0x40: {  	v1 =	vld.idx.msk [tilespmem:v1+s2+$0x0], $0xffff;
	_ =	sdelay $0x4  }
0x41: {  	v0 =	vadd.f32 v0, v1;
	_ =	sdelay $0x1  }
0x42: {  	v0 =	vsub.f32 $0.0e+00, v0;
	_ =	sdelay $0x1  }
0x43: {  	v0 =	vmul.f32 $1.442695020e+00, v0;
	_ =	sdelay $0x1  }
0x44: {  	(erf) = vpow2.f32 v0;
	_ =	sdelay $0x8  }
0x45: {  	v0 =	vpop (erf)  }
0x46: {  	v0 =	vadd.f32 $1.000000000e+00, v0;
	_ =	sdelay $0x1  }
0x47: {  	(erf) = vrcp.f32 v0;
	_ =	sdelay $0x7  }
0x48: {  	s16 =	sadd.s32 $0x1, s16  }
0x49: {  	p0 =	sne.s32 s16, $0x19;
	v0 =	vpop (erf)  }
.Ltmp1:
0x4a: {  	s17 =	sadd.s32 s1, s17;
	[tilespmem:s20+$0x5300] =	vst v0;
	(pc) =	sbr.rel @p0 .LBB2_2-.Ltmp1, $4  }
0x4b: {  	[hbm4b:s17+s2] =	stream.linear.scatter [tilespmem:s14], [sflag:$0x1], $0x190, $0x38;
	[tilespmem:$0x5500] =	vst v63  }
0x4c: {  	_ =	swait.ge [sflag:s10], $0x190  }
0x4d: {  	[sflag:s10] =	ssyncset.done $0x0  }
0x4e: {  	[sflag:s10] =	ssyncadd.s32 $0xFFFFFE70  }
0x4f: {  	s15 =	sadd.s32 $0x1, s15  }
0x50: {  	p0 =	sne.s32 s15, s9  }
.Ltmp2:
0x51: {  	_ = 	snop;
	(pc) =	sbr.rel @p0 .LBB2_1-.Ltmp2, $1  }
0x52: {  	_ =	sdelay $0x3  }
0x53: {  	_ =	sfence.sel $0x180000  }
0x54: {  	[bflag:$0x0] =	sbarrier.arrive $0xFFFF  }
0x55: {  	p0 =	sne.s32 s3, $0x0;
	_ =	strace $0x90000050  }
0x56: {  	s0 =	sadd.s32 @!p0 $0x100000, s0;
	[bflag:$0x2] =	sbarrier.arrive $0xFFFF  }
0x57: {  	[sflag:s0] =	ssyncadd.tile.s32 @!p0 $0x1;
	_ =	shalt  }
.Lfunc_end2:
_tile_overlayer_lowered:
.L_overlay_start_2:
0x58: {  	(tag) =	ssettag $0x2  }
0x59: {  	s0 =	rddreg [dreg:$0x0];
	s2 =	stileid.u32  }
0x5a: {  	s1 =	rddreg [dreg:$0x1];
	p0 =	sne.s32 s2, $0x0  }
0x5b: {  	s3 =	rddreg [dreg:$0x2];
	[bflag:$0x3] =	sbarrier.arrive $0xFFFF;
	s2 =	simm.s32 @!p0 $0x1C01  }
0x5c: {  	[timem:s3], [sflag:s2] =	dma.local @!p0 [hbm:s0], s1  }
0x5d: {  	s0 =	simm.s32 @!p0 $0x1  }
0x5e: {  	_ =	swait.ge @!p0 [sflag:s0], s1  }
0x5f: {  	s1 =	ssub.s32 @!p0 $0x0, s1;
	[sflag:s0] =	ssyncset.done @!p0 $0x0  }
0x60: {  	[sflag:s0] =	ssyncadd.s32 @!p0 s1  }
0x61: {  	[bflag:$0x3] =	sbarrier.arrive $0xFFFF  }
0x62: {  	_ =	shalt  }

</sc_bundles>
